<compile_context>
chip_gen: v7x
topology: tpu7x:2x2x1
jax: 0.10.2.dev20260603
libtpu: 0.0.44.dev20260713+nightly
codegen_flags: <defaults>
</compile_context>

<pallas_src>
import functools

import jax
import jax.numpy as jnp
from jax import lax
from jax.experimental import pallas as pl
from jax.experimental.pallas import tpu as pltpu
from jax.experimental.pallas import tpu_sc as plsc

_BS, _SEQ, _D = 4, 8192, 768
_MAX_LEN = 32768
_B = _BS * _SEQ

_NC, _NS = 2, 16
_NW = _NC * _NS
_B_PER_W = _B // _NW
_NBUF = 5
_CHUNK = 32
_N_CHUNKS = _B_PER_W // _CHUNK

_mesh = plsc.VectorSubcoreMesh(core_axis_name="c", subcore_axis_name="s")


@functools.partial(
    pl.kernel,
    mesh=_mesh,
    out_type=jax.ShapeDtypeStruct((_B, _D), jnp.float32),
    scratch_types=[
        pltpu.VMEM((_B_PER_W,), jnp.int32),
    ]
    + [pltpu.VMEM((_CHUNK, _D), jnp.float32) for _ in range(_NBUF)]
    + [pltpu.SemaphoreType.DMA for _ in range(2 * _NBUF)],
)
def _sc_gather(idx_hbm, table_hbm, out_hbm, idx_v, *scratch):
    bufs = scratch[:_NBUF]
    gsem = scratch[_NBUF : 2 * _NBUF]
    psem = scratch[2 * _NBUF :]
    wid = lax.axis_index("s") * _NC + lax.axis_index("c")
    base = wid * _B_PER_W
    b = wid // (_SEQ // _B_PER_W)
    off = (wid % (_SEQ // _B_PER_W)) * _B_PER_W
    pltpu.sync_copy(idx_hbm.at[b, pl.ds(off, _B_PER_W)], idx_v)

    def gather(c):
        s = c % _NBUF
        return pltpu.async_copy(
            table_hbm.at[idx_v.at[pl.ds(c * _CHUNK, _CHUNK)]], bufs[s], gsem[s]
        )

    def put(c):
        s = c % _NBUF
        return pltpu.async_copy(
            bufs[s], out_hbm.at[pl.ds(base + c * _CHUNK, _CHUNK)], psem[s]
        )

    gathers = [None] * _N_CHUNKS
    puts = [None] * _N_CHUNKS
    for g in range(_NBUF - 1):
        gathers[g] = gather(g)
    for g in range(_N_CHUNKS):
        gathers[g].wait()
        puts[g] = put(g)
        if g + _NBUF - 1 < _N_CHUNKS:
            if g >= 1:
                puts[g - 1].wait()
            gathers[g + _NBUF - 1] = gather(g + _NBUF - 1)
    for g in range(max(0, _N_CHUNKS - _NBUF), _N_CHUNKS):
        puts[g].wait()


def kernel(inputs, input_positions, pos_embedding):
    del inputs
    table = pos_embedding.reshape(_MAX_LEN, _D)
    out = _sc_gather(input_positions.astype(jnp.int32), table)
    return out.reshape(1, _BS, _SEQ, _D)

# --- scband reference (transcript-rebuilt; emitter-appended) ---
"""Pipeline reference for scband-learned-position-embs-4698694222149 (READ-ONLY COPY).

The authoritative reference and input builder live on the scoring server;
editing this copy changes nothing except your own understanding.
"""

import jax, jax.numpy as jnp
import numpy as np

BS, SEQ, D = 4, 8192, 768
MAX_LEN = 32768

def setup_inputs(seed: int = 0) -> dict:
    key = jax.random.key(seed)
    k1, k2, k3 = jax.random.split(key, 3)
    inputs = jax.random.normal(k1, (BS, SEQ, D), dtype=jnp.float32)
    input_positions = jax.random.randint(k2, (BS, SEQ), 0, MAX_LEN, dtype=jnp.int64 if jax.config.jax_enable_x64 else jnp.int32)
    # learned parameter: pos_embedding of shape (1, max_length, in_dim), init normal stddev=1e-6
    pos_embedding = jax.random.normal(k3, (1, MAX_LEN, D), dtype=jnp.float32) * 1e-6
    return {"inputs": inputs, "input_positions": input_positions, "pos_embedding": pos_embedding}

def reference(inputs, input_positions, pos_embedding):
    # Faithful translation of LearnedPositionEmbs.__call__:
    # pos_embedding has shape (1, max_length, in_dim); when input_positions is given,
    # gather along axis=1 and return the gathered embeddings (the module returns
    # pos_embedding, not inputs + pos_embedding).
    pe = jnp.take(pos_embedding, input_positions, axis=1)
    return pe

if __name__ == "__main__":
    import jax
    _d = setup_inputs()
    print(jax.jit(kernel)(*tuple(_d.values())))

</pallas_src>

<mosaic_0001>
#map = affine_map<(d0, d1) -> (0, 0)>
module attributes {stable_mosaic.version = 14 : i64} {
  func.func @_sc_gather(%arg0: i32, %arg1: i32, %arg2: memref<4x8192xi32, #tpu.memory_space<hbm>>, %arg3: memref<32768x768xf32, #tpu.memory_space<hbm>>, %arg4: memref<32768x768xf32, #tpu.memory_space<hbm>>, %arg5: memref<1024xi32, #tpu.memory_space<vmem>>, %arg6: memref<32x768xf32, #tpu.memory_space<vmem>>, %arg7: memref<32x768xf32, #tpu.memory_space<vmem>>, %arg8: memref<32x768xf32, #tpu.memory_space<vmem>>, %arg9: memref<32x768xf32, #tpu.memory_space<vmem>>, %arg10: memref<32x768xf32, #tpu.memory_space<vmem>>, %arg11: memref<!tpu.dma_semaphore, #tpu.memory_space<semaphore_mem>>, %arg12: memref<!tpu.dma_semaphore, #tpu.memory_space<semaphore_mem>>, %arg13: memref<!tpu.dma_semaphore, #tpu.memory_space<semaphore_mem>>, %arg14: memref<!tpu.dma_semaphore, #tpu.memory_space<semaphore_mem>>, %arg15: memref<!tpu.dma_semaphore, #tpu.memory_space<semaphore_mem>>, %arg16: memref<!tpu.dma_semaphore, #tpu.memory_space<semaphore_mem>>, %arg17: memref<!tpu.dma_semaphore, #tpu.memory_space<semaphore_mem>>, %arg18: memref<!tpu.dma_semaphore, #tpu.memory_space<semaphore_mem>>, %arg19: memref<!tpu.dma_semaphore, #tpu.memory_space<semaphore_mem>>, %arg20: memref<!tpu.dma_semaphore, #tpu.memory_space<semaphore_mem>>) attributes {dimension_semantics = [#tpu.dimension_semantics<core_parallel>, #tpu.dimension_semantics<subcore_parallel>], iteration_bounds = array<i64: 2, 16>, scalar_prefetch = 0 : i64, scratch_operands = 16 : i64, tpu.core_type = #tpu.core_type<sc_vector_subcore>, window_params = [{transform_indices = #map}, {transform_indices = #map}, {transform_indices = #map}]} {
    %mul3A = arith.constant 2 : i32
    %mul3A_0 = arith.muli %arg1, %mul3A : i32
    %add3A = arith.addi %mul3A_0, %arg0 : i32
    %mul3A_1 = arith.constant 1024 : i32
    %mul3A_2 = arith.muli %add3A, %mul3A_1 : i32
    %jit3A = arith.constant 8 : i32
    %div3A = arith.divsi %add3A, %jit3A : i32
    %sign3A = arith.constant 0 : i32
    %sign3A_3 = arith.cmpi sgt, %add3A, %sign3A : i32
    %sign3A_4 = arith.extui %sign3A_3 : i1 to i32
    %sign3A_5 = arith.constant 0 : i32
    %sign3A_6 = arith.cmpi slt, %add3A, %sign3A_5 : i32
    %sign3A_7 = arith.extui %sign3A_6 : i1 to i32
    %sign3A_8 = arith.subi %sign3A_4, %sign3A_7 : i32
    %sign3A_9 = arith.constant 0 : i32
    %sign3A_10 = arith.cmpi sgt, %jit3A, %sign3A_9 : i32
    %sign3A_11 = arith.extui %sign3A_10 : i1 to i32
    %sign3A_12 = arith.constant 0 : i32
    %sign3A_13 = arith.cmpi slt, %jit3A, %sign3A_12 : i32
    %sign3A_14 = arith.extui %sign3A_13 : i1 to i32
    %sign3A_15 = arith.subi %sign3A_11, %sign3A_14 : i32
    %ne3A = arith.cmpi ne, %sign3A_8, %sign3A_15 : i32
    %rem3A = arith.remsi %add3A, %jit3A : i32
    %ne3A_16 = arith.constant 0 : i32
    %ne3A_17 = arith.cmpi ne, %rem3A, %ne3A_16 : i32
    %and3A = arith.andi %ne3A, %ne3A_17 : i1
    %sub3A = arith.constant 1 : i32
    %sub3A_18 = arith.subi %div3A, %sub3A : i32
    %select_n3A = arith.select %and3A, %sub3A_18, %div3A : i32
    %jit3A_19 = arith.constant 8 : i32
    %eq3A = arith.constant 0 : i32
    %eq3A_20 = arith.cmpi eq, %jit3A_19, %eq3A : i32
    %jit3A_21 = arith.constant 1 : i32
    %select_n3A_22 = arith.select %eq3A_20, %jit3A_21, %jit3A_19 : i32
    %rem3A_23 = arith.remsi %add3A, %select_n3A_22 : i32
    %ne3A_24 = arith.constant 0 : i32
    %ne3A_25 = arith.cmpi ne, %rem3A_23, %ne3A_24 : i32
    %lt3A = arith.constant 0 : i32
    %lt3A_26 = arith.cmpi slt, %rem3A_23, %lt3A : i32
    %lt3A_27 = arith.constant 0 : i32
    %lt3A_28 = arith.cmpi slt, %select_n3A_22, %lt3A_27 : i32
    %ne3A_29 = arith.xori %lt3A_26, %lt3A_28 : i1
    %and3A_30 = arith.andi %ne3A_29, %ne3A_25 : i1
    %add3A_31 = arith.addi %rem3A_23, %select_n3A_22 : i32
    %select_n3A_32 = arith.select %and3A_30, %add3A_31, %rem3A_23 : i32
    %mul3A_33 = arith.constant 1024 : i32
    %mul3A_34 = arith.muli %select_n3A_32, %mul3A_33 : i32
    "tpu.region"() ({
      %run_scoped3A = tpu.sem_alloc : memref<!tpu.dma_semaphore, #tpu.memory_space<semaphore_mem>>
      %dma_start3A_673 = tpu.memref_slice %arg2[%select_n3A, %mul3A_34] : memref<4x8192xi32, #tpu.memory_space<hbm>> -> memref<1x1024xi32, #tpu.memory_space<hbm>>
      %dma_start3A_674 = tpu.memref_squeeze %dma_start3A_673 : memref<1x1024xi32, #tpu.memory_space<hbm>> -> memref<1024xi32, #tpu.memory_space<hbm>>
      %dma_start3A_675 = tpu.memref_slice %arg2[%select_n3A, %mul3A_34] : memref<4x8192xi32, #tpu.memory_space<hbm>> -> memref<1x1024xi32, #tpu.memory_space<hbm>>
      %dma_start3A_676 = tpu.memref_squeeze %dma_start3A_675 : memref<1x1024xi32, #tpu.memory_space<hbm>> -> memref<1024xi32, #tpu.memory_space<hbm>>
      tpu.enqueue_dma source(%dma_start3A_676 : memref<1024xi32, #tpu.memory_space<hbm>>) target(%arg5 : memref<1024xi32, #tpu.memory_space<vmem>>) target_semaphore(%run_scoped3A : memref<!tpu.dma_semaphore, #tpu.memory_space<semaphore_mem>>)
      %dma_wait3A_677 = tpu.memref_slice %arg2[%select_n3A, %mul3A_34] : memref<4x8192xi32, #tpu.memory_space<hbm>> -> memref<1x1024xi32, #tpu.memory_space<hbm>>
      %dma_wait3A_678 = tpu.memref_squeeze %dma_wait3A_677 : memref<1x1024xi32, #tpu.memory_space<hbm>> -> memref<1024xi32, #tpu.memory_space<hbm>>
      %dma_wait3A_679 = tpu.memref_slice %arg2[%select_n3A, %mul3A_34] : memref<4x8192xi32, #tpu.memory_space<hbm>> -> memref<1x1024xi32, #tpu.memory_space<hbm>>
      %dma_wait3A_680 = tpu.memref_squeeze %dma_wait3A_679 : memref<1x1024xi32, #tpu.memory_space<hbm>> -> memref<1024xi32, #tpu.memory_space<hbm>>
      tpu.wait_dma2 semaphore(%run_scoped3A : memref<!tpu.dma_semaphore, #tpu.memory_space<semaphore_mem>>) src(%dma_wait3A_680 : memref<1024xi32, #tpu.memory_space<hbm>>) dst(%arg5 : memref<1024xi32, #tpu.memory_space<vmem>>)
      tpu.yield
    }) : () -> ()
    %dma_start3A = arith.constant 0 : i32
    %dma_start3A_35 = tpu.memref_slice %arg5[%dma_start3A] : memref<1024xi32, #tpu.memory_space<vmem>> -> memref<32xi32, #tpu.memory_space<vmem>>
    %dma_start3A_36 = arith.constant 0 : i32
    %dma_start3A_37 = arith.constant 0 : i32
    %dma_start3A_38 = tpu.memref_slice %arg3[%dma_start3A_36, %dma_start3A_37] : memref<32768x768xf32, #tpu.memory_space<hbm>> -> memref<32768x768xf32, #tpu.memory_space<hbm>>
    tpu.enqueue_indirect_dma source(%dma_start3A_38 : memref<32768x768xf32, #tpu.memory_space<hbm>>) target(%arg6 : memref<32x768xf32, #tpu.memory_space<vmem>>) offsets(%dma_start3A_35 : memref<32xi32, #tpu.memory_space<vmem>>) semaphore(%arg11 : memref<!tpu.dma_semaphore, #tpu.memory_space<semaphore_mem>>)
    %dma_start3A_39 = arith.constant 32 : i32
    %dma_start3A_40 = tpu.memref_slice %arg5[%dma_start3A_39] : memref<1024xi32, #tpu.memory_space<vmem>> -> memref<32xi32, #tpu.memory_space<vmem>>
    %dma_start3A_41 = arith.constant 0 : i32
    %dma_start3A_42 = arith.constant 0 : i32
    %dma_start3A_43 = tpu.memref_slice %arg3[%dma_start3A_41, %dma_start3A_42] : memref<32768x768xf32, #tpu.memory_space<hbm>> -> memref<32768x768xf32, #tpu.memory_space<hbm>>
    tpu.enqueue_indirect_dma source(%dma_start3A_43 : memref<32768x768xf32, #tpu.memory_space<hbm>>) target(%arg7 : memref<32x768xf32, #tpu.memory_space<vmem>>) offsets(%dma_start3A_40 : memref<32xi32, #tpu.memory_space<vmem>>) semaphore(%arg12 : memref<!tpu.dma_semaphore, #tpu.memory_space<semaphore_mem>>)
    %dma_start3A_44 = arith.constant 64 : i32
    %dma_start3A_45 = tpu.memref_slice %arg5[%dma_start3A_44] : memref<1024xi32, #tpu.memory_space<vmem>> -> memref<32xi32, #tpu.memory_space<vmem>>
    %dma_start3A_46 = arith.constant 0 : i32
    %dma_start3A_47 = arith.constant 0 : i32
    %dma_start3A_48 = tpu.memref_slice %arg3[%dma_start3A_46, %dma_start3A_47] : memref<32768x768xf32, #tpu.memory_space<hbm>> -> memref<32768x768xf32, #tpu.memory_space<hbm>>
    tpu.enqueue_indirect_dma source(%dma_start3A_48 : memref<32768x768xf32, #tpu.memory_space<hbm>>) target(%arg8 : memref<32x768xf32, #tpu.memory_space<vmem>>) offsets(%dma_start3A_45 : memref<32xi32, #tpu.memory_space<vmem>>) semaphore(%arg13 : memref<!tpu.dma_semaphore, #tpu.memory_space<semaphore_mem>>)
    %dma_start3A_49 = arith.constant 96 : i32
    %dma_start3A_50 = tpu.memref_slice %arg5[%dma_start3A_49] : memref<1024xi32, #tpu.memory_space<vmem>> -> memref<32xi32, #tpu.memory_space<vmem>>
    %dma_start3A_51 = arith.constant 0 : i32
    %dma_start3A_52 = arith.constant 0 : i32
    %dma_start3A_53 = tpu.memref_slice %arg3[%dma_start3A_51, %dma_start3A_52] : memref<32768x768xf32, #tpu.memory_space<hbm>> -> memref<32768x768xf32, #tpu.memory_space<hbm>>
    tpu.enqueue_indirect_dma source(%dma_start3A_53 : memref<32768x768xf32, #tpu.memory_space<hbm>>) target(%arg9 : memref<32x768xf32, #tpu.memory_space<vmem>>) offsets(%dma_start3A_50 : memref<32xi32, #tpu.memory_space<vmem>>) semaphore(%arg14 : memref<!tpu.dma_semaphore, #tpu.memory_space<semaphore_mem>>)
    %dma_wait3A = arith.constant 0 : i32
    %dma_wait3A_54 = tpu.memref_slice %arg5[%dma_wait3A] : memref<1024xi32, #tpu.memory_space<vmem>> -> memref<32xi32, #tpu.memory_space<vmem>>
    %dma_wait3A_55 = arith.constant 0 : i32
    %dma_wait3A_56 = arith.constant 0 : i32
    %dma_wait3A_57 = tpu.memref_slice %arg3[%dma_wait3A_55, %dma_wait3A_56] : memref<32768x768xf32, #tpu.memory_space<hbm>> -> memref<32768x768xf32, #tpu.memory_space<hbm>>
    tpu.wait_indirect_dma semaphore(%arg11 : memref<!tpu.dma_semaphore, #tpu.memory_space<semaphore_mem>>) src(%dma_wait3A_57 : memref<32768x768xf32, #tpu.memory_space<hbm>>) dst(%arg6 : memref<32x768xf32, #tpu.memory_space<vmem>>)
    %add3A_58 = arith.constant 0 : i32
    %add3A_59 = arith.addi %mul3A_2, %add3A_58 : i32
    %dma_start3A_60 = arith.constant 0 : i32
    %dma_start3A_61 = tpu.memref_slice %arg4[%add3A_59, %dma_start3A_60] : memref<32768x768xf32, #tpu.memory_space<hbm>> -> memref<32x768xf32, #tpu.memory_space<hbm>>
    %dma_start3A_62 = arith.constant 0 : i32
    %dma_start3A_63 = tpu.memref_slice %arg4[%add3A_59, %dma_start3A_62] : memref<32768x768xf32, #tpu.memory_space<hbm>> -> memref<32x768xf32, #tpu.memory_space<hbm>>
    tpu.enqueue_dma source(%arg6 : memref<32x768xf32, #tpu.memory_space<vmem>>) target(%dma_start3A_63 : memref<32x768xf32, #tpu.memory_space<hbm>>) target_semaphore(%arg16 : memref<!tpu.dma_semaphore, #tpu.memory_space<semaphore_mem>>)
    %dma_start3A_64 = arith.constant 128 : i32
    %dma_start3A_65 = tpu.memref_slice %arg5[%dma_start3A_64] : memref<1024xi32, #tpu.memory_space<vmem>> -> memref<32xi32, #tpu.memory_space<vmem>>
    %dma_start3A_66 = arith.constant 0 : i32
    %dma_start3A_67 = arith.constant 0 : i32
    %dma_start3A_68 = tpu.memref_slice %arg3[%dma_start3A_66, %dma_start3A_67] : memref<32768x768xf32, #tpu.memory_space<hbm>> -> memref<32768x768xf32, #tpu.memory_space<hbm>>
    tpu.enqueue_indirect_dma source(%dma_start3A_68 : memref<32768x768xf32, #tpu.memory_space<hbm>>) target(%arg10 : memref<32x768xf32, #tpu.memory_space<vmem>>) offsets(%dma_start3A_65 : memref<32xi32, #tpu.memory_space<vmem>>) semaphore(%arg15 : memref<!tpu.dma_semaphore, #tpu.memory_space<semaphore_mem>>)
    %dma_wait3A_69 = arith.constant 32 : i32
    %dma_wait3A_70 = tpu.memref_slice %arg5[%dma_wait3A_69] : memref<1024xi32, #tpu.memory_space<vmem>> -> memref<32xi32, #tpu.memory_space<vmem>>
    %dma_wait3A_71 = arith.constant 0 : i32
    %dma_wait3A_72 = arith.constant 0 : i32
    %dma_wait3A_73 = tpu.memref_slice %arg3[%dma_wait3A_71, %dma_wait3A_72] : memref<32768x768xf32, #tpu.memory_space<hbm>> -> memref<32768x768xf32, #tpu.memory_space<hbm>>
    tpu.wait_indirect_dma semaphore(%arg12 : memref<!tpu.dma_semaphore, #tpu.memory_space<semaphore_mem>>) src(%dma_wait3A_73 : memref<32768x768xf32, #tpu.memory_space<hbm>>) dst(%arg7 : memref<32x768xf32, #tpu.memory_space<vmem>>)
    %add3A_74 = arith.constant 32 : i32
    %add3A_75 = arith.addi %mul3A_2, %add3A_74 : i32
    %dma_start3A_76 = arith.constant 0 : i32
    %dma_start3A_77 = tpu.memref_slice %arg4[%add3A_75, %dma_start3A_76] : memref<32768x768xf32, #tpu.memory_space<hbm>> -> memref<32x768xf32, #tpu.memory_space<hbm>>
    %dma_start3A_78 = arith.constant 0 : i32
    %dma_start3A_79 = tpu.memref_slice %arg4[%add3A_75, %dma_start3A_78] : memref<32768x768xf32, #tpu.memory_space<hbm>> -> memref<32x768xf32, #tpu.memory_space<hbm>>
    tpu.enqueue_dma source(%arg7 : memref<32x768xf32, #tpu.memory_space<vmem>>) target(%dma_start3A_79 : memref<32x768xf32, #tpu.memory_space<hbm>>) target_semaphore(%arg17 : memref<!tpu.dma_semaphore, #tpu.memory_space<semaphore_mem>>)
    %dma_wait3A_80 = arith.constant 0 : i32
    %dma_wait3A_81 = tpu.memref_slice %arg4[%add3A_59, %dma_wait3A_80] : memref<32768x768xf32, #tpu.memory_space<hbm>> -> memref<32x768xf32, #tpu.memory_space<hbm>>
    %dma_wait3A_82 = arith.constant 0 : i32
    %dma_wait3A_83 = tpu.memref_slice %arg4[%add3A_59, %dma_wait3A_82] : memref<32768x768xf32, #tpu.memory_space<hbm>> -> memref<32x768xf32, #tpu.memory_space<hbm>>
    tpu.wait_dma2 semaphore(%arg16 : memref<!tpu.dma_semaphore, #tpu.memory_space<semaphore_mem>>) src(%arg6 : memref<32x768xf32, #tpu.memory_space<vmem>>) dst(%dma_wait3A_83 : memref<32x768xf32, #tpu.memory_space<hbm>>)
    %dma_start3A_84 = arith.constant 160 : i32
    %dma_start3A_85 = tpu.memref_slice %arg5[%dma_start3A_84] : memref<1024xi32, #tpu.memory_space<vmem>> -> memref<32xi32, #tpu.memory_space<vmem>>
    %dma_start3A_86 = arith.constant 0 : i32
    %dma_start3A_87 = arith.constant 0 : i32
    %dma_start3A_88 = tpu.memref_slice %arg3[%dma_start3A_86, %dma_start3A_87] : memref<32768x768xf32, #tpu.memory_space<hbm>> -> memref<32768x768xf32, #tpu.memory_space<hbm>>
    tpu.enqueue_indirect_dma source(%dma_start3A_88 : memref<32768x768xf32, #tpu.memory_space<hbm>>) target(%arg6 : memref<32x768xf32, #tpu.memory_space<vmem>>) offsets(%dma_start3A_85 : memref<32xi32, #tpu.memory_space<vmem>>) semaphore(%arg11 : memref<!tpu.dma_semaphore, #tpu.memory_space<semaphore_mem>>)
    %dma_wait3A_89 = arith.constant 64 : i32
    %dma_wait3A_90 = tpu.memref_slice %arg5[%dma_wait3A_89] : memref<1024xi32, #tpu.memory_space<vmem>> -> memref<32xi32, #tpu.memory_space<vmem>>
    %dma_wait3A_91 = arith.constant 0 : i32
    %dma_wait3A_92 = arith.constant 0 : i32
    %dma_wait3A_93 = tpu.memref_slice %arg3[%dma_wait3A_91, %dma_wait3A_92] : memref<32768x768xf32, #tpu.memory_space<hbm>> -> memref<32768x768xf32, #tpu.memory_space<hbm>>
    tpu.wait_indirect_dma semaphore(%arg13 : memref<!tpu.dma_semaphore, #tpu.memory_space<semaphore_mem>>) src(%dma_wait3A_93 : memref<32768x768xf32, #tpu.memory_space<hbm>>) dst(%arg8 : memref<32x768xf32, #tpu.memory_space<vmem>>)
    %add3A_94 = arith.constant 64 : i32
    %add3A_95 = arith.addi %mul3A_2, %add3A_94 : i32
    %dma_start3A_96 = arith.constant 0 : i32
    %dma_start3A_97 = tpu.memref_slice %arg4[%add3A_95, %dma_start3A_96] : memref<32768x768xf32, #tpu.memory_space<hbm>> -> memref<32x768xf32, #tpu.memory_space<hbm>>
    %dma_start3A_98 = arith.constant 0 : i32
    %dma_start3A_99 = tpu.memref_slice %arg4[%add3A_95, %dma_start3A_98] : memref<32768x768xf32, #tpu.memory_space<hbm>> -> memref<32x768xf32, #tpu.memory_space<hbm>>
    tpu.enqueue_dma source(%arg8 : memref<32x768xf32, #tpu.memory_space<vmem>>) target(%dma_start3A_99 : memref<32x768xf32, #tpu.memory_space<hbm>>) target_semaphore(%arg18 : memref<!tpu.dma_semaphore, #tpu.memory_space<semaphore_mem>>)
    %dma_wait3A_100 = arith.constant 0 : i32
    %dma_wait3A_101 = tpu.memref_slice %arg4[%add3A_75, %dma_wait3A_100] : memref<32768x768xf32, #tpu.memory_space<hbm>> -> memref<32x768xf32, #tpu.memory_space<hbm>>
    %dma_wait3A_102 = arith.constant 0 : i32
    %dma_wait3A_103 = tpu.memref_slice %arg4[%add3A_75, %dma_wait3A_102] : memref<32768x768xf32, #tpu.memory_space<hbm>> -> memref<32x768xf32, #tpu.memory_space<hbm>>
    tpu.wait_dma2 semaphore(%arg17 : memref<!tpu.dma_semaphore, #tpu.memory_space<semaphore_mem>>) src(%arg7 : memref<32x768xf32, #tpu.memory_space<vmem>>) dst(%dma_wait3A_103 : memref<32x768xf32, #tpu.memory_space<hbm>>)
    %dma_start3A_104 = arith.constant 192 : i32
    %dma_start3A_105 = tpu.memref_slice %arg5[%dma_start3A_104] : memref<1024xi32, #tpu.memory_space<vmem>> -> memref<32xi32, #tpu.memory_space<vmem>>
    %dma_start3A_106 = arith.constant 0 : i32
    %dma_start3A_107 = arith.constant 0 : i32
    %dma_start3A_108 = tpu.memref_slice %arg3[%dma_start3A_106, %dma_start3A_107] : memref<32768x768xf32, #tpu.memory_space<hbm>> -> memref<32768x768xf32, #tpu.memory_space<hbm>>
    tpu.enqueue_indirect_dma source(%dma_start3A_108 : memref<32768x768xf32, #tpu.memory_space<hbm>>) target(%arg7 : memref<32x768xf32, #tpu.memory_space<vmem>>) offsets(%dma_start3A_105 : memref<32xi32, #tpu.memory_space<vmem>>) semaphore(%arg12 : memref<!tpu.dma_semaphore, #tpu.memory_space<semaphore_mem>>)
    %dma_wait3A_109 = arith.constant 96 : i32
    %dma_wait3A_110 = tpu.memref_slice %arg5[%dma_wait3A_109] : memref<1024xi32, #tpu.memory_space<vmem>> -> memref<32xi32, #tpu.memory_space<vmem>>
    %dma_wait3A_111 = arith.constant 0 : i32
    %dma_wait3A_112 = arith.constant 0 : i32
    %dma_wait3A_113 = tpu.memref_slice %arg3[%dma_wait3A_111, %dma_wait3A_112] : memref<32768x768xf32, #tpu.memory_space<hbm>> -> memref<32768x768xf32, #tpu.memory_space<hbm>>
    tpu.wait_indirect_dma semaphore(%arg14 : memref<!tpu.dma_semaphore, #tpu.memory_space<semaphore_mem>>) src(%dma_wait3A_113 : memref<32768x768xf32, #tpu.memory_space<hbm>>) dst(%arg9 : memref<32x768xf32, #tpu.memory_space<vmem>>)
    %add3A_114 = arith.constant 96 : i32
    %add3A_115 = arith.addi %mul3A_2, %add3A_114 : i32
    %dma_start3A_116 = arith.constant 0 : i32
    %dma_start3A_117 = tpu.memref_slice %arg4[%add3A_115, %dma_start3A_116] : memref<32768x768xf32, #tpu.memory_space<hbm>> -> memref<32x768xf32, #tpu.memory_space<hbm>>
    %dma_start3A_118 = arith.constant 0 : i32
    %dma_start3A_119 = tpu.memref_slice %arg4[%add3A_115, %dma_start3A_118] : memref<32768x768xf32, #tpu.memory_space<hbm>> -> memref<32x768xf32, #tpu.memory_space<hbm>>
    tpu.enqueue_dma source(%arg9 : memref<32x768xf32, #tpu.memory_space<vmem>>) target(%dma_start3A_119 : memref<32x768xf32, #tpu.memory_space<hbm>>) target_semaphore(%arg19 : memref<!tpu.dma_semaphore, #tpu.memory_space<semaphore_mem>>)
    %dma_wait3A_120 = arith.constant 0 : i32
    %dma_wait3A_121 = tpu.memref_slice %arg4[%add3A_95, %dma_wait3A_120] : memref<32768x768xf32, #tpu.memory_space<hbm>> -> memref<32x768xf32, #tpu.memory_space<hbm>>
    %dma_wait3A_122 = arith.constant 0 : i32
    %dma_wait3A_123 = tpu.memref_slice %arg4[%add3A_95, %dma_wait3A_122] : memref<32768x768xf32, #tpu.memory_space<hbm>> -> memref<32x768xf32, #tpu.memory_space<hbm>>
    tpu.wait_dma2 semaphore(%arg18 : memref<!tpu.dma_semaphore, #tpu.memory_space<semaphore_mem>>) src(%arg8 : memref<32x768xf32, #tpu.memory_space<vmem>>) dst(%dma_wait3A_123 : memref<32x768xf32, #tpu.memory_space<hbm>>)
    %dma_start3A_124 = arith.constant 224 : i32
    %dma_start3A_125 = tpu.memref_slice %arg5[%dma_start3A_124] : memref<1024xi32, #tpu.memory_space<vmem>> -> memref<32xi32, #tpu.memory_space<vmem>>
    %dma_start3A_126 = arith.constant 0 : i32
    %dma_start3A_127 = arith.constant 0 : i32
    %dma_start3A_128 = tpu.memref_slice %arg3[%dma_start3A_126, %dma_start3A_127] : memref<32768x768xf32, #tpu.memory_space<hbm>> -> memref<32768x768xf32, #tpu.memory_space<hbm>>
    tpu.enqueue_indirect_dma source(%dma_start3A_128 : memref<32768x768xf32, #tpu.memory_space<hbm>>) target(%arg8 : memref<32x768xf32, #tpu.memory_space<vmem>>) offsets(%dma_start3A_125 : memref<32xi32, #tpu.memory_space<vmem>>) semaphore(%arg13 : memref<!tpu.dma_semaphore, #tpu.memory_space<semaphore_mem>>)
    %dma_wait3A_129 = arith.constant 128 : i32
    %dma_wait3A_130 = tpu.memref_slice %arg5[%dma_wait3A_129] : memref<1024xi32, #tpu.memory_space<vmem>> -> memref<32xi32, #tpu.memory_space<vmem>>
    %dma_wait3A_131 = arith.constant 0 : i32
    %dma_wait3A_132 = arith.constant 0 : i32
    %dma_wait3A_133 = tpu.memref_slice %arg3[%dma_wait3A_131, %dma_wait3A_132] : memref<32768x768xf32, #tpu.memory_space<hbm>> -> memref<32768x768xf32, #tpu.memory_space<hbm>>
    tpu.wait_indirect_dma semaphore(%arg15 : memref<!tpu.dma_semaphore, #tpu.memory_space<semaphore_mem>>) src(%dma_wait3A_133 : memref<32768x768xf32, #tpu.memory_space<hbm>>) dst(%arg10 : memref<32x768xf32, #tpu.memory_space<vmem>>)
    %add3A_134 = arith.constant 128 : i32
    %add3A_135 = arith.addi %mul3A_2, %add3A_134 : i32
    %dma_start3A_136 = arith.constant 0 : i32
    %dma_start3A_137 = tpu.memref_slice %arg4[%add3A_135, %dma_start3A_136] : memref<32768x768xf32, #tpu.memory_space<hbm>> -> memref<32x768xf32, #tpu.memory_space<hbm>>
    %dma_start3A_138 = arith.constant 0 : i32
    %dma_start3A_139 = tpu.memref_slice %arg4[%add3A_135, %dma_start3A_138] : memref<32768x768xf32, #tpu.memory_space<hbm>> -> memref<32x768xf32, #tpu.memory_space<hbm>>
    tpu.enqueue_dma source(%arg10 : memref<32x768xf32, #tpu.memory_space<vmem>>) target(%dma_start3A_139 : memref<32x768xf32, #tpu.memory_space<hbm>>) target_semaphore(%arg20 : memref<!tpu.dma_semaphore, #tpu.memory_space<semaphore_mem>>)
    %dma_wait3A_140 = arith.constant 0 : i32
    %dma_wait3A_141 = tpu.memref_slice %arg4[%add3A_115, %dma_wait3A_140] : memref<32768x768xf32, #tpu.memory_space<hbm>> -> memref<32x768xf32, #tpu.memory_space<hbm>>
    %dma_wait3A_142 = arith.constant 0 : i32
    %dma_wait3A_143 = tpu.memref_slice %arg4[%add3A_115, %dma_wait3A_142] : memref<32768x768xf32, #tpu.memory_space<hbm>> -> memref<32x768xf32, #tpu.memory_space<hbm>>
    tpu.wait_dma2 semaphore(%arg19 : memref<!tpu.dma_semaphore, #tpu.memory_space<semaphore_mem>>) src(%arg9 : memref<32x768xf32, #tpu.memory_space<vmem>>) dst(%dma_wait3A_143 : memref<32x768xf32, #tpu.memory_space<hbm>>)
    %dma_start3A_144 = arith.constant 256 : i32
    %dma_start3A_145 = tpu.memref_slice %arg5[%dma_start3A_144] : memref<1024xi32, #tpu.memory_space<vmem>> -> memref<32xi32, #tpu.memory_space<vmem>>
    %dma_start3A_146 = arith.constant 0 : i32
    %dma_start3A_147 = arith.constant 0 : i32
    %dma_start3A_148 = tpu.memref_slice %arg3[%dma_start3A_146, %dma_start3A_147] : memref<32768x768xf32, #tpu.memory_space<hbm>> -> memref<32768x768xf32, #tpu.memory_space<hbm>>
    tpu.enqueue_indirect_dma source(%dma_start3A_148 : memref<32768x768xf32, #tpu.memory_space<hbm>>) target(%arg9 : memref<32x768xf32, #tpu.memory_space<vmem>>) offsets(%dma_start3A_145 : memref<32xi32, #tpu.memory_space<vmem>>) semaphore(%arg14 : memref<!tpu.dma_semaphore, #tpu.memory_space<semaphore_mem>>)
    %dma_wait3A_149 = arith.constant 160 : i32
    %dma_wait3A_150 = tpu.memref_slice %arg5[%dma_wait3A_149] : memref<1024xi32, #tpu.memory_space<vmem>> -> memref<32xi32, #tpu.memory_space<vmem>>
    %dma_wait3A_151 = arith.constant 0 : i32
    %dma_wait3A_152 = arith.constant 0 : i32
    %dma_wait3A_153 = tpu.memref_slice %arg3[%dma_wait3A_151, %dma_wait3A_152] : memref<32768x768xf32, #tpu.memory_space<hbm>> -> memref<32768x768xf32, #tpu.memory_space<hbm>>
    tpu.wait_indirect_dma semaphore(%arg11 : memref<!tpu.dma_semaphore, #tpu.memory_space<semaphore_mem>>) src(%dma_wait3A_153 : memref<32768x768xf32, #tpu.memory_space<hbm>>) dst(%arg6 : memref<32x768xf32, #tpu.memory_space<vmem>>)
    %add3A_154 = arith.constant 160 : i32
    %add3A_155 = arith.addi %mul3A_2, %add3A_154 : i32
    %dma_start3A_156 = arith.constant 0 : i32
    %dma_start3A_157 = tpu.memref_slice %arg4[%add3A_155, %dma_start3A_156] : memref<32768x768xf32, #tpu.memory_space<hbm>> -> memref<32x768xf32, #tpu.memory_space<hbm>>
    %dma_start3A_158 = arith.constant 0 : i32
    %dma_start3A_159 = tpu.memref_slice %arg4[%add3A_155, %dma_start3A_158] : memref<32768x768xf32, #tpu.memory_space<hbm>> -> memref<32x768xf32, #tpu.memory_space<hbm>>
    tpu.enqueue_dma source(%arg6 : memref<32x768xf32, #tpu.memory_space<vmem>>) target(%dma_start3A_159 : memref<32x768xf32, #tpu.memory_space<hbm>>) target_semaphore(%arg16 : memref<!tpu.dma_semaphore, #tpu.memory_space<semaphore_mem>>)
    %dma_wait3A_160 = arith.constant 0 : i32
    %dma_wait3A_161 = tpu.memref_slice %arg4[%add3A_135, %dma_wait3A_160] : memref<32768x768xf32, #tpu.memory_space<hbm>> -> memref<32x768xf32, #tpu.memory_space<hbm>>
    %dma_wait3A_162 = arith.constant 0 : i32
    %dma_wait3A_163 = tpu.memref_slice %arg4[%add3A_135, %dma_wait3A_162] : memref<32768x768xf32, #tpu.memory_space<hbm>> -> memref<32x768xf32, #tpu.memory_space<hbm>>
    tpu.wait_dma2 semaphore(%arg20 : memref<!tpu.dma_semaphore, #tpu.memory_space<semaphore_mem>>) src(%arg10 : memref<32x768xf32, #tpu.memory_space<vmem>>) dst(%dma_wait3A_163 : memref<32x768xf32, #tpu.memory_space<hbm>>)
    %dma_start3A_164 = arith.constant 288 : i32
    %dma_start3A_165 = tpu.memref_slice %arg5[%dma_start3A_164] : memref<1024xi32, #tpu.memory_space<vmem>> -> memref<32xi32, #tpu.memory_space<vmem>>
    %dma_start3A_166 = arith.constant 0 : i32
    %dma_start3A_167 = arith.constant 0 : i32
    %dma_start3A_168 = tpu.memref_slice %arg3[%dma_start3A_166, %dma_start3A_167] : memref<32768x768xf32, #tpu.memory_space<hbm>> -> memref<32768x768xf32, #tpu.memory_space<hbm>>
    tpu.enqueue_indirect_dma source(%dma_start3A_168 : memref<32768x768xf32, #tpu.memory_space<hbm>>) target(%arg10 : memref<32x768xf32, #tpu.memory_space<vmem>>) offsets(%dma_start3A_165 : memref<32xi32, #tpu.memory_space<vmem>>) semaphore(%arg15 : memref<!tpu.dma_semaphore, #tpu.memory_space<semaphore_mem>>)
    %dma_wait3A_169 = arith.constant 192 : i32
    %dma_wait3A_170 = tpu.memref_slice %arg5[%dma_wait3A_169] : memref<1024xi32, #tpu.memory_space<vmem>> -> memref<32xi32, #tpu.memory_space<vmem>>
    %dma_wait3A_171 = arith.constant 0 : i32
    %dma_wait3A_172 = arith.constant 0 : i32
    %dma_wait3A_173 = tpu.memref_slice %arg3[%dma_wait3A_171, %dma_wait3A_172] : memref<32768x768xf32, #tpu.memory_space<hbm>> -> memref<32768x768xf32, #tpu.memory_space<hbm>>
    tpu.wait_indirect_dma semaphore(%arg12 : memref<!tpu.dma_semaphore, #tpu.memory_space<semaphore_mem>>) src(%dma_wait3A_173 : memref<32768x768xf32, #tpu.memory_space<hbm>>) dst(%arg7 : memref<32x768xf32, #tpu.memory_space<vmem>>)
    %add3A_174 = arith.constant 192 : i32
    %add3A_175 = arith.addi %mul3A_2, %add3A_174 : i32
    %dma_start3A_176 = arith.constant 0 : i32
    %dma_start3A_177 = tpu.memref_slice %arg4[%add3A_175, %dma_start3A_176] : memref<32768x768xf32, #tpu.memory_space<hbm>> -> memref<32x768xf32, #tpu.memory_space<hbm>>
    %dma_start3A_178 = arith.constant 0 : i32
    %dma_start3A_179 = tpu.memref_slice %arg4[%add3A_175, %dma_start3A_178] : memref<32768x768xf32, #tpu.memory_space<hbm>> -> memref<32x768xf32, #tpu.memory_space<hbm>>
    tpu.enqueue_dma source(%arg7 : memref<32x768xf32, #tpu.memory_space<vmem>>) target(%dma_start3A_179 : memref<32x768xf32, #tpu.memory_space<hbm>>) target_semaphore(%arg17 : memref<!tpu.dma_semaphore, #tpu.memory_space<semaphore_mem>>)
    %dma_wait3A_180 = arith.constant 0 : i32
    %dma_wait3A_181 = tpu.memref_slice %arg4[%add3A_155, %dma_wait3A_180] : memref<32768x768xf32, #tpu.memory_space<hbm>> -> memref<32x768xf32, #tpu.memory_space<hbm>>
    %dma_wait3A_182 = arith.constant 0 : i32
    %dma_wait3A_183 = tpu.memref_slice %arg4[%add3A_155, %dma_wait3A_182] : memref<32768x768xf32, #tpu.memory_space<hbm>> -> memref<32x768xf32, #tpu.memory_space<hbm>>
    tpu.wait_dma2 semaphore(%arg16 : memref<!tpu.dma_semaphore, #tpu.memory_space<semaphore_mem>>) src(%arg6 : memref<32x768xf32, #tpu.memory_space<vmem>>) dst(%dma_wait3A_183 : memref<32x768xf32, #tpu.memory_space<hbm>>)
    %dma_start3A_184 = arith.constant 320 : i32
    %dma_start3A_185 = tpu.memref_slice %arg5[%dma_start3A_184] : memref<1024xi32, #tpu.memory_space<vmem>> -> memref<32xi32, #tpu.memory_space<vmem>>
    %dma_start3A_186 = arith.constant 0 : i32
    %dma_start3A_187 = arith.constant 0 : i32
    %dma_start3A_188 = tpu.memref_slice %arg3[%dma_start3A_186, %dma_start3A_187] : memref<32768x768xf32, #tpu.memory_space<hbm>> -> memref<32768x768xf32, #tpu.memory_space<hbm>>
    tpu.enqueue_indirect_dma source(%dma_start3A_188 : memref<32768x768xf32, #tpu.memory_space<hbm>>) target(%arg6 : memref<32x768xf32, #tpu.memory_space<vmem>>) offsets(%dma_start3A_185 : memref<32xi32, #tpu.memory_space<vmem>>) semaphore(%arg11 : memref<!tpu.dma_semaphore, #tpu.memory_space<semaphore_mem>>)
    %dma_wait3A_189 = arith.constant 224 : i32
    %dma_wait3A_190 = tpu.memref_slice %arg5[%dma_wait3A_189] : memref<1024xi32, #tpu.memory_space<vmem>> -> memref<32xi32, #tpu.memory_space<vmem>>
    %dma_wait3A_191 = arith.constant 0 : i32
    %dma_wait3A_192 = arith.constant 0 : i32
    %dma_wait3A_193 = tpu.memref_slice %arg3[%dma_wait3A_191, %dma_wait3A_192] : memref<32768x768xf32, #tpu.memory_space<hbm>> -> memref<32768x768xf32, #tpu.memory_space<hbm>>
    tpu.wait_indirect_dma semaphore(%arg13 : memref<!tpu.dma_semaphore, #tpu.memory_space<semaphore_mem>>) src(%dma_wait3A_193 : memref<32768x768xf32, #tpu.memory_space<hbm>>) dst(%arg8 : memref<32x768xf32, #tpu.memory_space<vmem>>)
    %add3A_194 = arith.constant 224 : i32
    %add3A_195 = arith.addi %mul3A_2, %add3A_194 : i32
    %dma_start3A_196 = arith.constant 0 : i32
    %dma_start3A_197 = tpu.memref_slice %arg4[%add3A_195, %dma_start3A_196] : memref<32768x768xf32, #tpu.memory_space<hbm>> -> memref<32x768xf32, #tpu.memory_space<hbm>>
    %dma_start3A_198 = arith.constant 0 : i32
    %dma_start3A_199 = tpu.memref_slice %arg4[%add3A_195, %dma_start3A_198] : memref<32768x768xf32, #tpu.memory_space<hbm>> -> memref<32x768xf32, #tpu.memory_space<hbm>>
    tpu.enqueue_dma source(%arg8 : memref<32x768xf32, #tpu.memory_space<vmem>>) target(%dma_start3A_199 : memref<32x768xf32, #tpu.memory_space<hbm>>) target_semaphore(%arg18 : memref<!tpu.dma_semaphore, #tpu.memory_space<semaphore_mem>>)
    %dma_wait3A_200 = arith.constant 0 : i32
    %dma_wait3A_201 = tpu.memref_slice %arg4[%add3A_175, %dma_wait3A_200] : memref<32768x768xf32, #tpu.memory_space<hbm>> -> memref<32x768xf32, #tpu.memory_space<hbm>>
    %dma_wait3A_202 = arith.constant 0 : i32
    %dma_wait3A_203 = tpu.memref_slice %arg4[%add3A_175, %dma_wait3A_202] : memref<32768x768xf32, #tpu.memory_space<hbm>> -> memref<32x768xf32, #tpu.memory_space<hbm>>
    tpu.wait_dma2 semaphore(%arg17 : memref<!tpu.dma_semaphore, #tpu.memory_space<semaphore_mem>>) src(%arg7 : memref<32x768xf32, #tpu.memory_space<vmem>>) dst(%dma_wait3A_203 : memref<32x768xf32, #tpu.memory_space<hbm>>)
    %dma_start3A_204 = arith.constant 352 : i32
    %dma_start3A_205 = tpu.memref_slice %arg5[%dma_start3A_204] : memref<1024xi32, #tpu.memory_space<vmem>> -> memref<32xi32, #tpu.memory_space<vmem>>
    %dma_start3A_206 = arith.constant 0 : i32
    %dma_start3A_207 = arith.constant 0 : i32
    %dma_start3A_208 = tpu.memref_slice %arg3[%dma_start3A_206, %dma_start3A_207] : memref<32768x768xf32, #tpu.memory_space<hbm>> -> memref<32768x768xf32, #tpu.memory_space<hbm>>
    tpu.enqueue_indirect_dma source(%dma_start3A_208 : memref<32768x768xf32, #tpu.memory_space<hbm>>) target(%arg7 : memref<32x768xf32, #tpu.memory_space<vmem>>) offsets(%dma_start3A_205 : memref<32xi32, #tpu.memory_space<vmem>>) semaphore(%arg12 : memref<!tpu.dma_semaphore, #tpu.memory_space<semaphore_mem>>)
    %dma_wait3A_209 = arith.constant 256 : i32
    %dma_wait3A_210 = tpu.memref_slice %arg5[%dma_wait3A_209] : memref<1024xi32, #tpu.memory_space<vmem>> -> memref<32xi32, #tpu.memory_space<vmem>>
    %dma_wait3A_211 = arith.constant 0 : i32
    %dma_wait3A_212 = arith.constant 0 : i32
    %dma_wait3A_213 = tpu.memref_slice %arg3[%dma_wait3A_211, %dma_wait3A_212] : memref<32768x768xf32, #tpu.memory_space<hbm>> -> memref<32768x768xf32, #tpu.memory_space<hbm>>
    tpu.wait_indirect_dma semaphore(%arg14 : memref<!tpu.dma_semaphore, #tpu.memory_space<semaphore_mem>>) src(%dma_wait3A_213 : memref<32768x768xf32, #tpu.memory_space<hbm>>) dst(%arg9 : memref<32x768xf32, #tpu.memory_space<vmem>>)
    %add3A_214 = arith.constant 256 : i32
    %add3A_215 = arith.addi %mul3A_2, %add3A_214 : i32
    %dma_start3A_216 = arith.constant 0 : i32
    %dma_start3A_217 = tpu.memref_slice %arg4[%add3A_215, %dma_start3A_216] : memref<32768x768xf32, #tpu.memory_space<hbm>> -> memref<32x768xf32, #tpu.memory_space<hbm>>
    %dma_start3A_218 = arith.constant 0 : i32
    %dma_start3A_219 = tpu.memref_slice %arg4[%add3A_215, %dma_start3A_218] : memref<32768x768xf32, #tpu.memory_space<hbm>> -> memref<32x768xf32, #tpu.memory_space<hbm>>
    tpu.enqueue_dma source(%arg9 : memref<32x768xf32, #tpu.memory_space<vmem>>) target(%dma_start3A_219 : memref<32x768xf32, #tpu.memory_space<hbm>>) target_semaphore(%arg19 : memref<!tpu.dma_semaphore, #tpu.memory_space<semaphore_mem>>)
    %dma_wait3A_220 = arith.constant 0 : i32
    %dma_wait3A_221 = tpu.memref_slice %arg4[%add3A_195, %dma_wait3A_220] : memref<32768x768xf32, #tpu.memory_space<hbm>> -> memref<32x768xf32, #tpu.memory_space<hbm>>
    %dma_wait3A_222 = arith.constant 0 : i32
    %dma_wait3A_223 = tpu.memref_slice %arg4[%add3A_195, %dma_wait3A_222] : memref<32768x768xf32, #tpu.memory_space<hbm>> -> memref<32x768xf32, #tpu.memory_space<hbm>>
    tpu.wait_dma2 semaphore(%arg18 : memref<!tpu.dma_semaphore, #tpu.memory_space<semaphore_mem>>) src(%arg8 : memref<32x768xf32, #tpu.memory_space<vmem>>) dst(%dma_wait3A_223 : memref<32x768xf32, #tpu.memory_space<hbm>>)
    %dma_start3A_224 = arith.constant 384 : i32
    %dma_start3A_225 = tpu.memref_slice %arg5[%dma_start3A_224] : memref<1024xi32, #tpu.memory_space<vmem>> -> memref<32xi32, #tpu.memory_space<vmem>>
    %dma_start3A_226 = arith.constant 0 : i32
    %dma_start3A_227 = arith.constant 0 : i32
    %dma_start3A_228 = tpu.memref_slice %arg3[%dma_start3A_226, %dma_start3A_227] : memref<32768x768xf32, #tpu.memory_space<hbm>> -> memref<32768x768xf32, #tpu.memory_space<hbm>>
    tpu.enqueue_indirect_dma source(%dma_start3A_228 : memref<32768x768xf32, #tpu.memory_space<hbm>>) target(%arg8 : memref<32x768xf32, #tpu.memory_space<vmem>>) offsets(%dma_start3A_225 : memref<32xi32, #tpu.memory_space<vmem>>) semaphore(%arg13 : memref<!tpu.dma_semaphore, #tpu.memory_space<semaphore_mem>>)
    %dma_wait3A_229 = arith.constant 288 : i32
    %dma_wait3A_230 = tpu.memref_slice %arg5[%dma_wait3A_229] : memref<1024xi32, #tpu.memory_space<vmem>> -> memref<32xi32, #tpu.memory_space<vmem>>
    %dma_wait3A_231 = arith.constant 0 : i32
    %dma_wait3A_232 = arith.constant 0 : i32
    %dma_wait3A_233 = tpu.memref_slice %arg3[%dma_wait3A_231, %dma_wait3A_232] : memref<32768x768xf32, #tpu.memory_space<hbm>> -> memref<32768x768xf32, #tpu.memory_space<hbm>>
    tpu.wait_indirect_dma semaphore(%arg15 : memref<!tpu.dma_semaphore, #tpu.memory_space<semaphore_mem>>) src(%dma_wait3A_233 : memref<32768x768xf32, #tpu.memory_space<hbm>>) dst(%arg10 : memref<32x768xf32, #tpu.memory_space<vmem>>)
    %add3A_234 = arith.constant 288 : i32
    %add3A_235 = arith.addi %mul3A_2, %add3A_234 : i32
    %dma_start3A_236 = arith.constant 0 : i32
    %dma_start3A_237 = tpu.memref_slice %arg4[%add3A_235, %dma_start3A_236] : memref<32768x768xf32, #tpu.memory_space<hbm>> -> memref<32x768xf32, #tpu.memory_space<hbm>>
    %dma_start3A_238 = arith.constant 0 : i32
    %dma_start3A_239 = tpu.memref_slice %arg4[%add3A_235, %dma_start3A_238] : memref<32768x768xf32, #tpu.memory_space<hbm>> -> memref<32x768xf32, #tpu.memory_space<hbm>>
    tpu.enqueue_dma source(%arg10 : memref<32x768xf32, #tpu.memory_space<vmem>>) target(%dma_start3A_239 : memref<32x768xf32, #tpu.memory_space<hbm>>) target_semaphore(%arg20 : memref<!tpu.dma_semaphore, #tpu.memory_space<semaphore_mem>>)
    %dma_wait3A_240 = arith.constant 0 : i32
    %dma_wait3A_241 = tpu.memref_slice %arg4[%add3A_215, %dma_wait3A_240] : memref<32768x768xf32, #tpu.memory_space<hbm>> -> memref<32x768xf32, #tpu.memory_space<hbm>>
    %dma_wait3A_242 = arith.constant 0 : i32
    %dma_wait3A_243 = tpu.memref_slice %arg4[%add3A_215, %dma_wait3A_242] : memref<32768x768xf32, #tpu.memory_space<hbm>> -> memref<32x768xf32, #tpu.memory_space<hbm>>
    tpu.wait_dma2 semaphore(%arg19 : memref<!tpu.dma_semaphore, #tpu.memory_space<semaphore_mem>>) src(%arg9 : memref<32x768xf32, #tpu.memory_space<vmem>>) dst(%dma_wait3A_243 : memref<32x768xf32, #tpu.memory_space<hbm>>)
    %dma_start3A_244 = arith.constant 416 : i32
    %dma_start3A_245 = tpu.memref_slice %arg5[%dma_start3A_244] : memref<1024xi32, #tpu.memory_space<vmem>> -> memref<32xi32, #tpu.memory_space<vmem>>
    %dma_start3A_246 = arith.constant 0 : i32
    %dma_start3A_247 = arith.constant 0 : i32
    %dma_start3A_248 = tpu.memref_slice %arg3[%dma_start3A_246, %dma_start3A_247] : memref<32768x768xf32, #tpu.memory_space<hbm>> -> memref<32768x768xf32, #tpu.memory_space<hbm>>
    tpu.enqueue_indirect_dma source(%dma_start3A_248 : memref<32768x768xf32, #tpu.memory_space<hbm>>) target(%arg9 : memref<32x768xf32, #tpu.memory_space<vmem>>) offsets(%dma_start3A_245 : memref<32xi32, #tpu.memory_space<vmem>>) semaphore(%arg14 : memref<!tpu.dma_semaphore, #tpu.memory_space<semaphore_mem>>)
    %dma_wait3A_249 = arith.constant 320 : i32
    %dma_wait3A_250 = tpu.memref_slice %arg5[%dma_wait3A_249] : memref<1024xi32, #tpu.memory_space<vmem>> -> memref<32xi32, #tpu.memory_space<vmem>>
    %dma_wait3A_251 = arith.constant 0 : i32
    %dma_wait3A_252 = arith.constant 0 : i32
    %dma_wait3A_253 = tpu.memref_slice %arg3[%dma_wait3A_251, %dma_wait3A_252] : memref<32768x768xf32, #tpu.memory_space<hbm>> -> memref<32768x768xf32, #tpu.memory_space<hbm>>
    tpu.wait_indirect_dma semaphore(%arg11 : memref<!tpu.dma_semaphore, #tpu.memory_space<semaphore_mem>>) src(%dma_wait3A_253 : memref<32768x768xf32, #tpu.memory_space<hbm>>) dst(%arg6 : memref<32x768xf32, #tpu.memory_space<vmem>>)
    %add3A_254 = arith.constant 320 : i32
    %add3A_255 = arith.addi %mul3A_2, %add3A_254 : i32
    %dma_start3A_256 = arith.constant 0 : i32
    %dma_start3A_257 = tpu.memref_slice %arg4[%add3A_255, %dma_start3A_256] : memref<32768x768xf32, #tpu.memory_space<hbm>> -> memref<32x768xf32, #tpu.memory_space<hbm>>
    %dma_start3A_258 = arith.constant 0 : i32
    %dma_start3A_259 = tpu.memref_slice %arg4[%add3A_255, %dma_start3A_258] : memref<32768x768xf32, #tpu.memory_space<hbm>> -> memref<32x768xf32, #tpu.memory_space<hbm>>
    tpu.enqueue_dma source(%arg6 : memref<32x768xf32, #tpu.memory_space<vmem>>) target(%dma_start3A_259 : memref<32x768xf32, #tpu.memory_space<hbm>>) target_semaphore(%arg16 : memref<!tpu.dma_semaphore, #tpu.memory_space<semaphore_mem>>)
    %dma_wait3A_260 = arith.constant 0 : i32
    %dma_wait3A_261 = tpu.memref_slice %arg4[%add3A_235, %dma_wait3A_260] : memref<32768x768xf32, #tpu.memory_space<hbm>> -> memref<32x768xf32, #tpu.memory_space<hbm>>
    %dma_wait3A_262 = arith.constant 0 : i32
    %dma_wait3A_263 = tpu.memref_slice %arg4[%add3A_235, %dma_wait3A_262] : memref<32768x768xf32, #tpu.memory_space<hbm>> -> memref<32x768xf32, #tpu.memory_space<hbm>>
    tpu.wait_dma2 semaphore(%arg20 : memref<!tpu.dma_semaphore, #tpu.memory_space<semaphore_mem>>) src(%arg10 : memref<32x768xf32, #tpu.memory_space<vmem>>) dst(%dma_wait3A_263 : memref<32x768xf32, #tpu.memory_space<hbm>>)
    %dma_start3A_264 = arith.constant 448 : i32
    %dma_start3A_265 = tpu.memref_slice %arg5[%dma_start3A_264] : memref<1024xi32, #tpu.memory_space<vmem>> -> memref<32xi32, #tpu.memory_space<vmem>>
    %dma_start3A_266 = arith.constant 0 : i32
    %dma_start3A_267 = arith.constant 0 : i32
    %dma_start3A_268 = tpu.memref_slice %arg3[%dma_start3A_266, %dma_start3A_267] : memref<32768x768xf32, #tpu.memory_space<hbm>> -> memref<32768x768xf32, #tpu.memory_space<hbm>>
    tpu.enqueue_indirect_dma source(%dma_start3A_268 : memref<32768x768xf32, #tpu.memory_space<hbm>>) target(%arg10 : memref<32x768xf32, #tpu.memory_space<vmem>>) offsets(%dma_start3A_265 : memref<32xi32, #tpu.memory_space<vmem>>) semaphore(%arg15 : memref<!tpu.dma_semaphore, #tpu.memory_space<semaphore_mem>>)
    %dma_wait3A_269 = arith.constant 352 : i32
    %dma_wait3A_270 = tpu.memref_slice %arg5[%dma_wait3A_269] : memref<1024xi32, #tpu.memory_space<vmem>> -> memref<32xi32, #tpu.memory_space<vmem>>
    %dma_wait3A_271 = arith.constant 0 : i32
    %dma_wait3A_272 = arith.constant 0 : i32
    %dma_wait3A_273 = tpu.memref_slice %arg3[%dma_wait3A_271, %dma_wait3A_272] : memref<32768x768xf32, #tpu.memory_space<hbm>> -> memref<32768x768xf32, #tpu.memory_space<hbm>>
    tpu.wait_indirect_dma semaphore(%arg12 : memref<!tpu.dma_semaphore, #tpu.memory_space<semaphore_mem>>) src(%dma_wait3A_273 : memref<32768x768xf32, #tpu.memory_space<hbm>>) dst(%arg7 : memref<32x768xf32, #tpu.memory_space<vmem>>)
    %add3A_274 = arith.constant 352 : i32
    %add3A_275 = arith.addi %mul3A_2, %add3A_274 : i32
    %dma_start3A_276 = arith.constant 0 : i32
    %dma_start3A_277 = tpu.memref_slice %arg4[%add3A_275, %dma_start3A_276] : memref<32768x768xf32, #tpu.memory_space<hbm>> -> memref<32x768xf32, #tpu.memory_space<hbm>>
    %dma_start3A_278 = arith.constant 0 : i32
    %dma_start3A_279 = tpu.memref_slice %arg4[%add3A_275, %dma_start3A_278] : memref<32768x768xf32, #tpu.memory_space<hbm>> -> memref<32x768xf32, #tpu.memory_space<hbm>>
    tpu.enqueue_dma source(%arg7 : memref<32x768xf32, #tpu.memory_space<vmem>>) target(%dma_start3A_279 : memref<32x768xf32, #tpu.memory_space<hbm>>) target_semaphore(%arg17 : memref<!tpu.dma_semaphore, #tpu.memory_space<semaphore_mem>>)
    %dma_wait3A_280 = arith.constant 0 : i32
    %dma_wait3A_281 = tpu.memref_slice %arg4[%add3A_255, %dma_wait3A_280] : memref<32768x768xf32, #tpu.memory_space<hbm>> -> memref<32x768xf32, #tpu.memory_space<hbm>>
    %dma_wait3A_282 = arith.constant 0 : i32
    %dma_wait3A_283 = tpu.memref_slice %arg4[%add3A_255, %dma_wait3A_282] : memref<32768x768xf32, #tpu.memory_space<hbm>> -> memref<32x768xf32, #tpu.memory_space<hbm>>
    tpu.wait_dma2 semaphore(%arg16 : memref<!tpu.dma_semaphore, #tpu.memory_space<semaphore_mem>>) src(%arg6 : memref<32x768xf32, #tpu.memory_space<vmem>>) dst(%dma_wait3A_283 : memref<32x768xf32, #tpu.memory_space<hbm>>)
    %dma_start3A_284 = arith.constant 480 : i32
    %dma_start3A_285 = tpu.memref_slice %arg5[%dma_start3A_284] : memref<1024xi32, #tpu.memory_space<vmem>> -> memref<32xi32, #tpu.memory_space<vmem>>
    %dma_start3A_286 = arith.constant 0 : i32
    %dma_start3A_287 = arith.constant 0 : i32
    %dma_start3A_288 = tpu.memref_slice %arg3[%dma_start3A_286, %dma_start3A_287] : memref<32768x768xf32, #tpu.memory_space<hbm>> -> memref<32768x768xf32, #tpu.memory_space<hbm>>
    tpu.enqueue_indirect_dma source(%dma_start3A_288 : memref<32768x768xf32, #tpu.memory_space<hbm>>) target(%arg6 : memref<32x768xf32, #tpu.memory_space<vmem>>) offsets(%dma_start3A_285 : memref<32xi32, #tpu.memory_space<vmem>>) semaphore(%arg11 : memref<!tpu.dma_semaphore, #tpu.memory_space<semaphore_mem>>)
    %dma_wait3A_289 = arith.constant 384 : i32
    %dma_wait3A_290 = tpu.memref_slice %arg5[%dma_wait3A_289] : memref<1024xi32, #tpu.memory_space<vmem>> -> memref<32xi32, #tpu.memory_space<vmem>>
    %dma_wait3A_291 = arith.constant 0 : i32
    %dma_wait3A_292 = arith.constant 0 : i32
    %dma_wait3A_293 = tpu.memref_slice %arg3[%dma_wait3A_291, %dma_wait3A_292] : memref<32768x768xf32, #tpu.memory_space<hbm>> -> memref<32768x768xf32, #tpu.memory_space<hbm>>
    tpu.wait_indirect_dma semaphore(%arg13 : memref<!tpu.dma_semaphore, #tpu.memory_space<semaphore_mem>>) src(%dma_wait3A_293 : memref<32768x768xf32, #tpu.memory_space<hbm>>) dst(%arg8 : memref<32x768xf32, #tpu.memory_space<vmem>>)
    %add3A_294 = arith.constant 384 : i32
    %add3A_295 = arith.addi %mul3A_2, %add3A_294 : i32
    %dma_start3A_296 = arith.constant 0 : i32
    %dma_start3A_297 = tpu.memref_slice %arg4[%add3A_295, %dma_start3A_296] : memref<32768x768xf32, #tpu.memory_space<hbm>> -> memref<32x768xf32, #tpu.memory_space<hbm>>
    %dma_start3A_298 = arith.constant 0 : i32
    %dma_start3A_299 = tpu.memref_slice %arg4[%add3A_295, %dma_start3A_298] : memref<32768x768xf32, #tpu.memory_space<hbm>> -> memref<32x768xf32, #tpu.memory_space<hbm>>
    tpu.enqueue_dma source(%arg8 : memref<32x768xf32, #tpu.memory_space<vmem>>) target(%dma_start3A_299 : memref<32x768xf32, #tpu.memory_space<hbm>>) target_semaphore(%arg18 : memref<!tpu.dma_semaphore, #tpu.memory_space<semaphore_mem>>)
    %dma_wait3A_300 = arith.constant 0 : i32
    %dma_wait3A_301 = tpu.memref_slice %arg4[%add3A_275, %dma_wait3A_300] : memref<32768x768xf32, #tpu.memory_space<hbm>> -> memref<32x768xf32, #tpu.memory_space<hbm>>
    %dma_wait3A_302 = arith.constant 0 : i32
    %dma_wait3A_303 = tpu.memref_slice %arg4[%add3A_275, %dma_wait3A_302] : memref<32768x768xf32, #tpu.memory_space<hbm>> -> memref<32x768xf32, #tpu.memory_space<hbm>>
    tpu.wait_dma2 semaphore(%arg17 : memref<!tpu.dma_semaphore, #tpu.memory_space<semaphore_mem>>) src(%arg7 : memref<32x768xf32, #tpu.memory_space<vmem>>) dst(%dma_wait3A_303 : memref<32x768xf32, #tpu.memory_space<hbm>>)
    %dma_start3A_304 = arith.constant 512 : i32
    %dma_start3A_305 = tpu.memref_slice %arg5[%dma_start3A_304] : memref<1024xi32, #tpu.memory_space<vmem>> -> memref<32xi32, #tpu.memory_space<vmem>>
    %dma_start3A_306 = arith.constant 0 : i32
    %dma_start3A_307 = arith.constant 0 : i32
    %dma_start3A_308 = tpu.memref_slice %arg3[%dma_start3A_306, %dma_start3A_307] : memref<32768x768xf32, #tpu.memory_space<hbm>> -> memref<32768x768xf32, #tpu.memory_space<hbm>>
    tpu.enqueue_indirect_dma source(%dma_start3A_308 : memref<32768x768xf32, #tpu.memory_space<hbm>>) target(%arg7 : memref<32x768xf32, #tpu.memory_space<vmem>>) offsets(%dma_start3A_305 : memref<32xi32, #tpu.memory_space<vmem>>) semaphore(%arg12 : memref<!tpu.dma_semaphore, #tpu.memory_space<semaphore_mem>>)
    %dma_wait3A_309 = arith.constant 416 : i32
    %dma_wait3A_310 = tpu.memref_slice %arg5[%dma_wait3A_309] : memref<1024xi32, #tpu.memory_space<vmem>> -> memref<32xi32, #tpu.memory_space<vmem>>
    %dma_wait3A_311 = arith.constant 0 : i32
    %dma_wait3A_312 = arith.constant 0 : i32
    %dma_wait3A_313 = tpu.memref_slice %arg3[%dma_wait3A_311, %dma_wait3A_312] : memref<32768x768xf32, #tpu.memory_space<hbm>> -> memref<32768x768xf32, #tpu.memory_space<hbm>>
    tpu.wait_indirect_dma semaphore(%arg14 : memref<!tpu.dma_semaphore, #tpu.memory_space<semaphore_mem>>) src(%dma_wait3A_313 : memref<32768x768xf32, #tpu.memory_space<hbm>>) dst(%arg9 : memref<32x768xf32, #tpu.memory_space<vmem>>)
    %add3A_314 = arith.constant 416 : i32
    %add3A_315 = arith.addi %mul3A_2, %add3A_314 : i32
    %dma_start3A_316 = arith.constant 0 : i32
    %dma_start3A_317 = tpu.memref_slice %arg4[%add3A_315, %dma_start3A_316] : memref<32768x768xf32, #tpu.memory_space<hbm>> -> memref<32x768xf32, #tpu.memory_space<hbm>>
    %dma_start3A_318 = arith.constant 0 : i32
    %dma_start3A_319 = tpu.memref_slice %arg4[%add3A_315, %dma_start3A_318] : memref<32768x768xf32, #tpu.memory_space<hbm>> -> memref<32x768xf32, #tpu.memory_space<hbm>>
    tpu.enqueue_dma source(%arg9 : memref<32x768xf32, #tpu.memory_space<vmem>>) target(%dma_start3A_319 : memref<32x768xf32, #tpu.memory_space<hbm>>) target_semaphore(%arg19 : memref<!tpu.dma_semaphore, #tpu.memory_space<semaphore_mem>>)
    %dma_wait3A_320 = arith.constant 0 : i32
    %dma_wait3A_321 = tpu.memref_slice %arg4[%add3A_295, %dma_wait3A_320] : memref<32768x768xf32, #tpu.memory_space<hbm>> -> memref<32x768xf32, #tpu.memory_space<hbm>>
    %dma_wait3A_322 = arith.constant 0 : i32
    %dma_wait3A_323 = tpu.memref_slice %arg4[%add3A_295, %dma_wait3A_322] : memref<32768x768xf32, #tpu.memory_space<hbm>> -> memref<32x768xf32, #tpu.memory_space<hbm>>
    tpu.wait_dma2 semaphore(%arg18 : memref<!tpu.dma_semaphore, #tpu.memory_space<semaphore_mem>>) src(%arg8 : memref<32x768xf32, #tpu.memory_space<vmem>>) dst(%dma_wait3A_323 : memref<32x768xf32, #tpu.memory_space<hbm>>)
    %dma_start3A_324 = arith.constant 544 : i32
    %dma_start3A_325 = tpu.memref_slice %arg5[%dma_start3A_324] : memref<1024xi32, #tpu.memory_space<vmem>> -> memref<32xi32, #tpu.memory_space<vmem>>
    %dma_start3A_326 = arith.constant 0 : i32
    %dma_start3A_327 = arith.constant 0 : i32
    %dma_start3A_328 = tpu.memref_slice %arg3[%dma_start3A_326, %dma_start3A_327] : memref<32768x768xf32, #tpu.memory_space<hbm>> -> memref<32768x768xf32, #tpu.memory_space<hbm>>
    tpu.enqueue_indirect_dma source(%dma_start3A_328 : memref<32768x768xf32, #tpu.memory_space<hbm>>) target(%arg8 : memref<32x768xf32, #tpu.memory_space<vmem>>) offsets(%dma_start3A_325 : memref<32xi32, #tpu.memory_space<vmem>>) semaphore(%arg13 : memref<!tpu.dma_semaphore, #tpu.memory_space<semaphore_mem>>)
    %dma_wait3A_329 = arith.constant 448 : i32
    %dma_wait3A_330 = tpu.memref_slice %arg5[%dma_wait3A_329] : memref<1024xi32, #tpu.memory_space<vmem>> -> memref<32xi32, #tpu.memory_space<vmem>>
    %dma_wait3A_331 = arith.constant 0 : i32
    %dma_wait3A_332 = arith.constant 0 : i32
    %dma_wait3A_333 = tpu.memref_slice %arg3[%dma_wait3A_331, %dma_wait3A_332] : memref<32768x768xf32, #tpu.memory_space<hbm>> -> memref<32768x768xf32, #tpu.memory_space<hbm>>
    tpu.wait_indirect_dma semaphore(%arg15 : memref<!tpu.dma_semaphore, #tpu.memory_space<semaphore_mem>>) src(%dma_wait3A_333 : memref<32768x768xf32, #tpu.memory_space<hbm>>) dst(%arg10 : memref<32x768xf32, #tpu.memory_space<vmem>>)
    %add3A_334 = arith.constant 448 : i32
    %add3A_335 = arith.addi %mul3A_2, %add3A_334 : i32
    %dma_start3A_336 = arith.constant 0 : i32
    %dma_start3A_337 = tpu.memref_slice %arg4[%add3A_335, %dma_start3A_336] : memref<32768x768xf32, #tpu.memory_space<hbm>> -> memref<32x768xf32, #tpu.memory_space<hbm>>
    %dma_start3A_338 = arith.constant 0 : i32
    %dma_start3A_339 = tpu.memref_slice %arg4[%add3A_335, %dma_start3A_338] : memref<32768x768xf32, #tpu.memory_space<hbm>> -> memref<32x768xf32, #tpu.memory_space<hbm>>
    tpu.enqueue_dma source(%arg10 : memref<32x768xf32, #tpu.memory_space<vmem>>) target(%dma_start3A_339 : memref<32x768xf32, #tpu.memory_space<hbm>>) target_semaphore(%arg20 : memref<!tpu.dma_semaphore, #tpu.memory_space<semaphore_mem>>)
    %dma_wait3A_340 = arith.constant 0 : i32
    %dma_wait3A_341 = tpu.memref_slice %arg4[%add3A_315, %dma_wait3A_340] : memref<32768x768xf32, #tpu.memory_space<hbm>> -> memref<32x768xf32, #tpu.memory_space<hbm>>
    %dma_wait3A_342 = arith.constant 0 : i32
    %dma_wait3A_343 = tpu.memref_slice %arg4[%add3A_315, %dma_wait3A_342] : memref<32768x768xf32, #tpu.memory_space<hbm>> -> memref<32x768xf32, #tpu.memory_space<hbm>>
    tpu.wait_dma2 semaphore(%arg19 : memref<!tpu.dma_semaphore, #tpu.memory_space<semaphore_mem>>) src(%arg9 : memref<32x768xf32, #tpu.memory_space<vmem>>) dst(%dma_wait3A_343 : memref<32x768xf32, #tpu.memory_space<hbm>>)
    %dma_start3A_344 = arith.constant 576 : i32
    %dma_start3A_345 = tpu.memref_slice %arg5[%dma_start3A_344] : memref<1024xi32, #tpu.memory_space<vmem>> -> memref<32xi32, #tpu.memory_space<vmem>>
    %dma_start3A_346 = arith.constant 0 : i32
    %dma_start3A_347 = arith.constant 0 : i32
    %dma_start3A_348 = tpu.memref_slice %arg3[%dma_start3A_346, %dma_start3A_347] : memref<32768x768xf32, #tpu.memory_space<hbm>> -> memref<32768x768xf32, #tpu.memory_space<hbm>>
    tpu.enqueue_indirect_dma source(%dma_start3A_348 : memref<32768x768xf32, #tpu.memory_space<hbm>>) target(%arg9 : memref<32x768xf32, #tpu.memory_space<vmem>>) offsets(%dma_start3A_345 : memref<32xi32, #tpu.memory_space<vmem>>) semaphore(%arg14 : memref<!tpu.dma_semaphore, #tpu.memory_space<semaphore_mem>>)
    %dma_wait3A_349 = arith.constant 480 : i32
    %dma_wait3A_350 = tpu.memref_slice %arg5[%dma_wait3A_349] : memref<1024xi32, #tpu.memory_space<vmem>> -> memref<32xi32, #tpu.memory_space<vmem>>
    %dma_wait3A_351 = arith.constant 0 : i32
    %dma_wait3A_352 = arith.constant 0 : i32
    %dma_wait3A_353 = tpu.memref_slice %arg3[%dma_wait3A_351, %dma_wait3A_352] : memref<32768x768xf32, #tpu.memory_space<hbm>> -> memref<32768x768xf32, #tpu.memory_space<hbm>>
    tpu.wait_indirect_dma semaphore(%arg11 : memref<!tpu.dma_semaphore, #tpu.memory_space<semaphore_mem>>) src(%dma_wait3A_353 : memref<32768x768xf32, #tpu.memory_space<hbm>>) dst(%arg6 : memref<32x768xf32, #tpu.memory_space<vmem>>)
    %add3A_354 = arith.constant 480 : i32
    %add3A_355 = arith.addi %mul3A_2, %add3A_354 : i32
    %dma_start3A_356 = arith.constant 0 : i32
    %dma_start3A_357 = tpu.memref_slice %arg4[%add3A_355, %dma_start3A_356] : memref<32768x768xf32, #tpu.memory_space<hbm>> -> memref<32x768xf32, #tpu.memory_space<hbm>>
    %dma_start3A_358 = arith.constant 0 : i32
    %dma_start3A_359 = tpu.memref_slice %arg4[%add3A_355, %dma_start3A_358] : memref<32768x768xf32, #tpu.memory_space<hbm>> -> memref<32x768xf32, #tpu.memory_space<hbm>>
    tpu.enqueue_dma source(%arg6 : memref<32x768xf32, #tpu.memory_space<vmem>>) target(%dma_start3A_359 : memref<32x768xf32, #tpu.memory_space<hbm>>) target_semaphore(%arg16 : memref<!tpu.dma_semaphore, #tpu.memory_space<semaphore_mem>>)
    %dma_wait3A_360 = arith.constant 0 : i32
    %dma_wait3A_361 = tpu.memref_slice %arg4[%add3A_335, %dma_wait3A_360] : memref<32768x768xf32, #tpu.memory_space<hbm>> -> memref<32x768xf32, #tpu.memory_space<hbm>>
    %dma_wait3A_362 = arith.constant 0 : i32
    %dma_wait3A_363 = tpu.memref_slice %arg4[%add3A_335, %dma_wait3A_362] : memref<32768x768xf32, #tpu.memory_space<hbm>> -> memref<32x768xf32, #tpu.memory_space<hbm>>
    tpu.wait_dma2 semaphore(%arg20 : memref<!tpu.dma_semaphore, #tpu.memory_space<semaphore_mem>>) src(%arg10 : memref<32x768xf32, #tpu.memory_space<vmem>>) dst(%dma_wait3A_363 : memref<32x768xf32, #tpu.memory_space<hbm>>)
    %dma_start3A_364 = arith.constant 608 : i32
    %dma_start3A_365 = tpu.memref_slice %arg5[%dma_start3A_364] : memref<1024xi32, #tpu.memory_space<vmem>> -> memref<32xi32, #tpu.memory_space<vmem>>
    %dma_start3A_366 = arith.constant 0 : i32
    %dma_start3A_367 = arith.constant 0 : i32
    %dma_start3A_368 = tpu.memref_slice %arg3[%dma_start3A_366, %dma_start3A_367] : memref<32768x768xf32, #tpu.memory_space<hbm>> -> memref<32768x768xf32, #tpu.memory_space<hbm>>
    tpu.enqueue_indirect_dma source(%dma_start3A_368 : memref<32768x768xf32, #tpu.memory_space<hbm>>) target(%arg10 : memref<32x768xf32, #tpu.memory_space<vmem>>) offsets(%dma_start3A_365 : memref<32xi32, #tpu.memory_space<vmem>>) semaphore(%arg15 : memref<!tpu.dma_semaphore, #tpu.memory_space<semaphore_mem>>)
    %dma_wait3A_369 = arith.constant 512 : i32
    %dma_wait3A_370 = tpu.memref_slice %arg5[%dma_wait3A_369] : memref<1024xi32, #tpu.memory_space<vmem>> -> memref<32xi32, #tpu.memory_space<vmem>>
    %dma_wait3A_371 = arith.constant 0 : i32
    %dma_wait3A_372 = arith.constant 0 : i32
    %dma_wait3A_373 = tpu.memref_slice %arg3[%dma_wait3A_371, %dma_wait3A_372] : memref<32768x768xf32, #tpu.memory_space<hbm>> -> memref<32768x768xf32, #tpu.memory_space<hbm>>
    tpu.wait_indirect_dma semaphore(%arg12 : memref<!tpu.dma_semaphore, #tpu.memory_space<semaphore_mem>>) src(%dma_wait3A_373 : memref<32768x768xf32, #tpu.memory_space<hbm>>) dst(%arg7 : memref<32x768xf32, #tpu.memory_space<vmem>>)
    %add3A_374 = arith.constant 512 : i32
    %add3A_375 = arith.addi %mul3A_2, %add3A_374 : i32
    %dma_start3A_376 = arith.constant 0 : i32
    %dma_start3A_377 = tpu.memref_slice %arg4[%add3A_375, %dma_start3A_376] : memref<32768x768xf32, #tpu.memory_space<hbm>> -> memref<32x768xf32, #tpu.memory_space<hbm>>
    %dma_start3A_378 = arith.constant 0 : i32
    %dma_start3A_379 = tpu.memref_slice %arg4[%add3A_375, %dma_start3A_378] : memref<32768x768xf32, #tpu.memory_space<hbm>> -> memref<32x768xf32, #tpu.memory_space<hbm>>
    tpu.enqueue_dma source(%arg7 : memref<32x768xf32, #tpu.memory_space<vmem>>) target(%dma_start3A_379 : memref<32x768xf32, #tpu.memory_space<hbm>>) target_semaphore(%arg17 : memref<!tpu.dma_semaphore, #tpu.memory_space<semaphore_mem>>)
    %dma_wait3A_380 = arith.constant 0 : i32
    %dma_wait3A_381 = tpu.memref_slice %arg4[%add3A_355, %dma_wait3A_380] : memref<32768x768xf32, #tpu.memory_space<hbm>> -> memref<32x768xf32, #tpu.memory_space<hbm>>
    %dma_wait3A_382 = arith.constant 0 : i32
    %dma_wait3A_383 = tpu.memref_slice %arg4[%add3A_355, %dma_wait3A_382] : memref<32768x768xf32, #tpu.memory_space<hbm>> -> memref<32x768xf32, #tpu.memory_space<hbm>>
    tpu.wait_dma2 semaphore(%arg16 : memref<!tpu.dma_semaphore, #tpu.memory_space<semaphore_mem>>) src(%arg6 : memref<32x768xf32, #tpu.memory_space<vmem>>) dst(%dma_wait3A_383 : memref<32x768xf32, #tpu.memory_space<hbm>>)
    %dma_start3A_384 = arith.constant 640 : i32
    %dma_start3A_385 = tpu.memref_slice %arg5[%dma_start3A_384] : memref<1024xi32, #tpu.memory_space<vmem>> -> memref<32xi32, #tpu.memory_space<vmem>>
    %dma_start3A_386 = arith.constant 0 : i32
    %dma_start3A_387 = arith.constant 0 : i32
    %dma_start3A_388 = tpu.memref_slice %arg3[%dma_start3A_386, %dma_start3A_387] : memref<32768x768xf32, #tpu.memory_space<hbm>> -> memref<32768x768xf32, #tpu.memory_space<hbm>>
    tpu.enqueue_indirect_dma source(%dma_start3A_388 : memref<32768x768xf32, #tpu.memory_space<hbm>>) target(%arg6 : memref<32x768xf32, #tpu.memory_space<vmem>>) offsets(%dma_start3A_385 : memref<32xi32, #tpu.memory_space<vmem>>) semaphore(%arg11 : memref<!tpu.dma_semaphore, #tpu.memory_space<semaphore_mem>>)
    %dma_wait3A_389 = arith.constant 544 : i32
    %dma_wait3A_390 = tpu.memref_slice %arg5[%dma_wait3A_389] : memref<1024xi32, #tpu.memory_space<vmem>> -> memref<32xi32, #tpu.memory_space<vmem>>
    %dma_wait3A_391 = arith.constant 0 : i32
    %dma_wait3A_392 = arith.constant 0 : i32
    %dma_wait3A_393 = tpu.memref_slice %arg3[%dma_wait3A_391, %dma_wait3A_392] : memref<32768x768xf32, #tpu.memory_space<hbm>> -> memref<32768x768xf32, #tpu.memory_space<hbm>>
    tpu.wait_indirect_dma semaphore(%arg13 : memref<!tpu.dma_semaphore, #tpu.memory_space<semaphore_mem>>) src(%dma_wait3A_393 : memref<32768x768xf32, #tpu.memory_space<hbm>>) dst(%arg8 : memref<32x768xf32, #tpu.memory_space<vmem>>)
    %add3A_394 = arith.constant 544 : i32
    %add3A_395 = arith.addi %mul3A_2, %add3A_394 : i32
    %dma_start3A_396 = arith.constant 0 : i32
    %dma_start3A_397 = tpu.memref_slice %arg4[%add3A_395, %dma_start3A_396] : memref<32768x768xf32, #tpu.memory_space<hbm>> -> memref<32x768xf32, #tpu.memory_space<hbm>>
    %dma_start3A_398 = arith.constant 0 : i32
    %dma_start3A_399 = tpu.memref_slice %arg4[%add3A_395, %dma_start3A_398] : memref<32768x768xf32, #tpu.memory_space<hbm>> -> memref<32x768xf32, #tpu.memory_space<hbm>>
    tpu.enqueue_dma source(%arg8 : memref<32x768xf32, #tpu.memory_space<vmem>>) target(%dma_start3A_399 : memref<32x768xf32, #tpu.memory_space<hbm>>) target_semaphore(%arg18 : memref<!tpu.dma_semaphore, #tpu.memory_space<semaphore_mem>>)
    %dma_wait3A_400 = arith.constant 0 : i32
    %dma_wait3A_401 = tpu.memref_slice %arg4[%add3A_375, %dma_wait3A_400] : memref<32768x768xf32, #tpu.memory_space<hbm>> -> memref<32x768xf32, #tpu.memory_space<hbm>>
    %dma_wait3A_402 = arith.constant 0 : i32
    %dma_wait3A_403 = tpu.memref_slice %arg4[%add3A_375, %dma_wait3A_402] : memref<32768x768xf32, #tpu.memory_space<hbm>> -> memref<32x768xf32, #tpu.memory_space<hbm>>
    tpu.wait_dma2 semaphore(%arg17 : memref<!tpu.dma_semaphore, #tpu.memory_space<semaphore_mem>>) src(%arg7 : memref<32x768xf32, #tpu.memory_space<vmem>>) dst(%dma_wait3A_403 : memref<32x768xf32, #tpu.memory_space<hbm>>)
    %dma_start3A_404 = arith.constant 672 : i32
    %dma_start3A_405 = tpu.memref_slice %arg5[%dma_start3A_404] : memref<1024xi32, #tpu.memory_space<vmem>> -> memref<32xi32, #tpu.memory_space<vmem>>
    %dma_start3A_406 = arith.constant 0 : i32
    %dma_start3A_407 = arith.constant 0 : i32
    %dma_start3A_408 = tpu.memref_slice %arg3[%dma_start3A_406, %dma_start3A_407] : memref<32768x768xf32, #tpu.memory_space<hbm>> -> memref<32768x768xf32, #tpu.memory_space<hbm>>
    tpu.enqueue_indirect_dma source(%dma_start3A_408 : memref<32768x768xf32, #tpu.memory_space<hbm>>) target(%arg7 : memref<32x768xf32, #tpu.memory_space<vmem>>) offsets(%dma_start3A_405 : memref<32xi32, #tpu.memory_space<vmem>>) semaphore(%arg12 : memref<!tpu.dma_semaphore, #tpu.memory_space<semaphore_mem>>)
    %dma_wait3A_409 = arith.constant 576 : i32
    %dma_wait3A_410 = tpu.memref_slice %arg5[%dma_wait3A_409] : memref<1024xi32, #tpu.memory_space<vmem>> -> memref<32xi32, #tpu.memory_space<vmem>>
    %dma_wait3A_411 = arith.constant 0 : i32
    %dma_wait3A_412 = arith.constant 0 : i32
    %dma_wait3A_413 = tpu.memref_slice %arg3[%dma_wait3A_411, %dma_wait3A_412] : memref<32768x768xf32, #tpu.memory_space<hbm>> -> memref<32768x768xf32, #tpu.memory_space<hbm>>
    tpu.wait_indirect_dma semaphore(%arg14 : memref<!tpu.dma_semaphore, #tpu.memory_space<semaphore_mem>>) src(%dma_wait3A_413 : memref<32768x768xf32, #tpu.memory_space<hbm>>) dst(%arg9 : memref<32x768xf32, #tpu.memory_space<vmem>>)
    %add3A_414 = arith.constant 576 : i32
    %add3A_415 = arith.addi %mul3A_2, %add3A_414 : i32
    %dma_start3A_416 = arith.constant 0 : i32
    %dma_start3A_417 = tpu.memref_slice %arg4[%add3A_415, %dma_start3A_416] : memref<32768x768xf32, #tpu.memory_space<hbm>> -> memref<32x768xf32, #tpu.memory_space<hbm>>
    %dma_start3A_418 = arith.constant 0 : i32
    %dma_start3A_419 = tpu.memref_slice %arg4[%add3A_415, %dma_start3A_418] : memref<32768x768xf32, #tpu.memory_space<hbm>> -> memref<32x768xf32, #tpu.memory_space<hbm>>
    tpu.enqueue_dma source(%arg9 : memref<32x768xf32, #tpu.memory_space<vmem>>) target(%dma_start3A_419 : memref<32x768xf32, #tpu.memory_space<hbm>>) target_semaphore(%arg19 : memref<!tpu.dma_semaphore, #tpu.memory_space<semaphore_mem>>)
    %dma_wait3A_420 = arith.constant 0 : i32
    %dma_wait3A_421 = tpu.memref_slice %arg4[%add3A_395, %dma_wait3A_420] : memref<32768x768xf32, #tpu.memory_space<hbm>> -> memref<32x768xf32, #tpu.memory_space<hbm>>
    %dma_wait3A_422 = arith.constant 0 : i32
    %dma_wait3A_423 = tpu.memref_slice %arg4[%add3A_395, %dma_wait3A_422] : memref<32768x768xf32, #tpu.memory_space<hbm>> -> memref<32x768xf32, #tpu.memory_space<hbm>>
    tpu.wait_dma2 semaphore(%arg18 : memref<!tpu.dma_semaphore, #tpu.memory_space<semaphore_mem>>) src(%arg8 : memref<32x768xf32, #tpu.memory_space<vmem>>) dst(%dma_wait3A_423 : memref<32x768xf32, #tpu.memory_space<hbm>>)
    %dma_start3A_424 = arith.constant 704 : i32
    %dma_start3A_425 = tpu.memref_slice %arg5[%dma_start3A_424] : memref<1024xi32, #tpu.memory_space<vmem>> -> memref<32xi32, #tpu.memory_space<vmem>>
    %dma_start3A_426 = arith.constant 0 : i32
    %dma_start3A_427 = arith.constant 0 : i32
    %dma_start3A_428 = tpu.memref_slice %arg3[%dma_start3A_426, %dma_start3A_427] : memref<32768x768xf32, #tpu.memory_space<hbm>> -> memref<32768x768xf32, #tpu.memory_space<hbm>>
    tpu.enqueue_indirect_dma source(%dma_start3A_428 : memref<32768x768xf32, #tpu.memory_space<hbm>>) target(%arg8 : memref<32x768xf32, #tpu.memory_space<vmem>>) offsets(%dma_start3A_425 : memref<32xi32, #tpu.memory_space<vmem>>) semaphore(%arg13 : memref<!tpu.dma_semaphore, #tpu.memory_space<semaphore_mem>>)
    %dma_wait3A_429 = arith.constant 608 : i32
    %dma_wait3A_430 = tpu.memref_slice %arg5[%dma_wait3A_429] : memref<1024xi32, #tpu.memory_space<vmem>> -> memref<32xi32, #tpu.memory_space<vmem>>
    %dma_wait3A_431 = arith.constant 0 : i32
    %dma_wait3A_432 = arith.constant 0 : i32
    %dma_wait3A_433 = tpu.memref_slice %arg3[%dma_wait3A_431, %dma_wait3A_432] : memref<32768x768xf32, #tpu.memory_space<hbm>> -> memref<32768x768xf32, #tpu.memory_space<hbm>>
    tpu.wait_indirect_dma semaphore(%arg15 : memref<!tpu.dma_semaphore, #tpu.memory_space<semaphore_mem>>) src(%dma_wait3A_433 : memref<32768x768xf32, #tpu.memory_space<hbm>>) dst(%arg10 : memref<32x768xf32, #tpu.memory_space<vmem>>)
    %add3A_434 = arith.constant 608 : i32
    %add3A_435 = arith.addi %mul3A_2, %add3A_434 : i32
    %dma_start3A_436 = arith.constant 0 : i32
    %dma_start3A_437 = tpu.memref_slice %arg4[%add3A_435, %dma_start3A_436] : memref<32768x768xf32, #tpu.memory_space<hbm>> -> memref<32x768xf32, #tpu.memory_space<hbm>>
    %dma_start3A_438 = arith.constant 0 : i32
    %dma_start3A_439 = tpu.memref_slice %arg4[%add3A_435, %dma_start3A_438] : memref<32768x768xf32, #tpu.memory_space<hbm>> -> memref<32x768xf32, #tpu.memory_space<hbm>>
    tpu.enqueue_dma source(%arg10 : memref<32x768xf32, #tpu.memory_space<vmem>>) target(%dma_start3A_439 : memref<32x768xf32, #tpu.memory_space<hbm>>) target_semaphore(%arg20 : memref<!tpu.dma_semaphore, #tpu.memory_space<semaphore_mem>>)
    %dma_wait3A_440 = arith.constant 0 : i32
    %dma_wait3A_441 = tpu.memref_slice %arg4[%add3A_415, %dma_wait3A_440] : memref<32768x768xf32, #tpu.memory_space<hbm>> -> memref<32x768xf32, #tpu.memory_space<hbm>>
    %dma_wait3A_442 = arith.constant 0 : i32
    %dma_wait3A_443 = tpu.memref_slice %arg4[%add3A_415, %dma_wait3A_442] : memref<32768x768xf32, #tpu.memory_space<hbm>> -> memref<32x768xf32, #tpu.memory_space<hbm>>
    tpu.wait_dma2 semaphore(%arg19 : memref<!tpu.dma_semaphore, #tpu.memory_space<semaphore_mem>>) src(%arg9 : memref<32x768xf32, #tpu.memory_space<vmem>>) dst(%dma_wait3A_443 : memref<32x768xf32, #tpu.memory_space<hbm>>)
    %dma_start3A_444 = arith.constant 736 : i32
    %dma_start3A_445 = tpu.memref_slice %arg5[%dma_start3A_444] : memref<1024xi32, #tpu.memory_space<vmem>> -> memref<32xi32, #tpu.memory_space<vmem>>
    %dma_start3A_446 = arith.constant 0 : i32
    %dma_start3A_447 = arith.constant 0 : i32
    %dma_start3A_448 = tpu.memref_slice %arg3[%dma_start3A_446, %dma_start3A_447] : memref<32768x768xf32, #tpu.memory_space<hbm>> -> memref<32768x768xf32, #tpu.memory_space<hbm>>
    tpu.enqueue_indirect_dma source(%dma_start3A_448 : memref<32768x768xf32, #tpu.memory_space<hbm>>) target(%arg9 : memref<32x768xf32, #tpu.memory_space<vmem>>) offsets(%dma_start3A_445 : memref<32xi32, #tpu.memory_space<vmem>>) semaphore(%arg14 : memref<!tpu.dma_semaphore, #tpu.memory_space<semaphore_mem>>)
    %dma_wait3A_449 = arith.constant 640 : i32
    %dma_wait3A_450 = tpu.memref_slice %arg5[%dma_wait3A_449] : memref<1024xi32, #tpu.memory_space<vmem>> -> memref<32xi32, #tpu.memory_space<vmem>>
    %dma_wait3A_451 = arith.constant 0 : i32
    %dma_wait3A_452 = arith.constant 0 : i32
    %dma_wait3A_453 = tpu.memref_slice %arg3[%dma_wait3A_451, %dma_wait3A_452] : memref<32768x768xf32, #tpu.memory_space<hbm>> -> memref<32768x768xf32, #tpu.memory_space<hbm>>
    tpu.wait_indirect_dma semaphore(%arg11 : memref<!tpu.dma_semaphore, #tpu.memory_space<semaphore_mem>>) src(%dma_wait3A_453 : memref<32768x768xf32, #tpu.memory_space<hbm>>) dst(%arg6 : memref<32x768xf32, #tpu.memory_space<vmem>>)
    %add3A_454 = arith.constant 640 : i32
    %add3A_455 = arith.addi %mul3A_2, %add3A_454 : i32
    %dma_start3A_456 = arith.constant 0 : i32
    %dma_start3A_457 = tpu.memref_slice %arg4[%add3A_455, %dma_start3A_456] : memref<32768x768xf32, #tpu.memory_space<hbm>> -> memref<32x768xf32, #tpu.memory_space<hbm>>
    %dma_start3A_458 = arith.constant 0 : i32
    %dma_start3A_459 = tpu.memref_slice %arg4[%add3A_455, %dma_start3A_458] : memref<32768x768xf32, #tpu.memory_space<hbm>> -> memref<32x768xf32, #tpu.memory_space<hbm>>
    tpu.enqueue_dma source(%arg6 : memref<32x768xf32, #tpu.memory_space<vmem>>) target(%dma_start3A_459 : memref<32x768xf32, #tpu.memory_space<hbm>>) target_semaphore(%arg16 : memref<!tpu.dma_semaphore, #tpu.memory_space<semaphore_mem>>)
    %dma_wait3A_460 = arith.constant 0 : i32
    %dma_wait3A_461 = tpu.memref_slice %arg4[%add3A_435, %dma_wait3A_460] : memref<32768x768xf32, #tpu.memory_space<hbm>> -> memref<32x768xf32, #tpu.memory_space<hbm>>
    %dma_wait3A_462 = arith.constant 0 : i32
    %dma_wait3A_463 = tpu.memref_slice %arg4[%add3A_435, %dma_wait3A_462] : memref<32768x768xf32, #tpu.memory_space<hbm>> -> memref<32x768xf32, #tpu.memory_space<hbm>>
    tpu.wait_dma2 semaphore(%arg20 : memref<!tpu.dma_semaphore, #tpu.memory_space<semaphore_mem>>) src(%arg10 : memref<32x768xf32, #tpu.memory_space<vmem>>) dst(%dma_wait3A_463 : memref<32x768xf32, #tpu.memory_space<hbm>>)
    %dma_start3A_464 = arith.constant 768 : i32
    %dma_start3A_465 = tpu.memref_slice %arg5[%dma_start3A_464] : memref<1024xi32, #tpu.memory_space<vmem>> -> memref<32xi32, #tpu.memory_space<vmem>>
    %dma_start3A_466 = arith.constant 0 : i32
    %dma_start3A_467 = arith.constant 0 : i32
    %dma_start3A_468 = tpu.memref_slice %arg3[%dma_start3A_466, %dma_start3A_467] : memref<32768x768xf32, #tpu.memory_space<hbm>> -> memref<32768x768xf32, #tpu.memory_space<hbm>>
    tpu.enqueue_indirect_dma source(%dma_start3A_468 : memref<32768x768xf32, #tpu.memory_space<hbm>>) target(%arg10 : memref<32x768xf32, #tpu.memory_space<vmem>>) offsets(%dma_start3A_465 : memref<32xi32, #tpu.memory_space<vmem>>) semaphore(%arg15 : memref<!tpu.dma_semaphore, #tpu.memory_space<semaphore_mem>>)
    %dma_wait3A_469 = arith.constant 672 : i32
    %dma_wait3A_470 = tpu.memref_slice %arg5[%dma_wait3A_469] : memref<1024xi32, #tpu.memory_space<vmem>> -> memref<32xi32, #tpu.memory_space<vmem>>
    %dma_wait3A_471 = arith.constant 0 : i32
    %dma_wait3A_472 = arith.constant 0 : i32
    %dma_wait3A_473 = tpu.memref_slice %arg3[%dma_wait3A_471, %dma_wait3A_472] : memref<32768x768xf32, #tpu.memory_space<hbm>> -> memref<32768x768xf32, #tpu.memory_space<hbm>>
    tpu.wait_indirect_dma semaphore(%arg12 : memref<!tpu.dma_semaphore, #tpu.memory_space<semaphore_mem>>) src(%dma_wait3A_473 : memref<32768x768xf32, #tpu.memory_space<hbm>>) dst(%arg7 : memref<32x768xf32, #tpu.memory_space<vmem>>)
    %add3A_474 = arith.constant 672 : i32
    %add3A_475 = arith.addi %mul3A_2, %add3A_474 : i32
    %dma_start3A_476 = arith.constant 0 : i32
    %dma_start3A_477 = tpu.memref_slice %arg4[%add3A_475, %dma_start3A_476] : memref<32768x768xf32, #tpu.memory_space<hbm>> -> memref<32x768xf32, #tpu.memory_space<hbm>>
    %dma_start3A_478 = arith.constant 0 : i32
    %dma_start3A_479 = tpu.memref_slice %arg4[%add3A_475, %dma_start3A_478] : memref<32768x768xf32, #tpu.memory_space<hbm>> -> memref<32x768xf32, #tpu.memory_space<hbm>>
    tpu.enqueue_dma source(%arg7 : memref<32x768xf32, #tpu.memory_space<vmem>>) target(%dma_start3A_479 : memref<32x768xf32, #tpu.memory_space<hbm>>) target_semaphore(%arg17 : memref<!tpu.dma_semaphore, #tpu.memory_space<semaphore_mem>>)
    %dma_wait3A_480 = arith.constant 0 : i32
    %dma_wait3A_481 = tpu.memref_slice %arg4[%add3A_455, %dma_wait3A_480] : memref<32768x768xf32, #tpu.memory_space<hbm>> -> memref<32x768xf32, #tpu.memory_space<hbm>>
    %dma_wait3A_482 = arith.constant 0 : i32
    %dma_wait3A_483 = tpu.memref_slice %arg4[%add3A_455, %dma_wait3A_482] : memref<32768x768xf32, #tpu.memory_space<hbm>> -> memref<32x768xf32, #tpu.memory_space<hbm>>
    tpu.wait_dma2 semaphore(%arg16 : memref<!tpu.dma_semaphore, #tpu.memory_space<semaphore_mem>>) src(%arg6 : memref<32x768xf32, #tpu.memory_space<vmem>>) dst(%dma_wait3A_483 : memref<32x768xf32, #tpu.memory_space<hbm>>)
    %dma_start3A_484 = arith.constant 800 : i32
    %dma_start3A_485 = tpu.memref_slice %arg5[%dma_start3A_484] : memref<1024xi32, #tpu.memory_space<vmem>> -> memref<32xi32, #tpu.memory_space<vmem>>
    %dma_start3A_486 = arith.constant 0 : i32
    %dma_start3A_487 = arith.constant 0 : i32
    %dma_start3A_488 = tpu.memref_slice %arg3[%dma_start3A_486, %dma_start3A_487] : memref<32768x768xf32, #tpu.memory_space<hbm>> -> memref<32768x768xf32, #tpu.memory_space<hbm>>
    tpu.enqueue_indirect_dma source(%dma_start3A_488 : memref<32768x768xf32, #tpu.memory_space<hbm>>) target(%arg6 : memref<32x768xf32, #tpu.memory_space<vmem>>) offsets(%dma_start3A_485 : memref<32xi32, #tpu.memory_space<vmem>>) semaphore(%arg11 : memref<!tpu.dma_semaphore, #tpu.memory_space<semaphore_mem>>)
    %dma_wait3A_489 = arith.constant 704 : i32
    %dma_wait3A_490 = tpu.memref_slice %arg5[%dma_wait3A_489] : memref<1024xi32, #tpu.memory_space<vmem>> -> memref<32xi32, #tpu.memory_space<vmem>>
    %dma_wait3A_491 = arith.constant 0 : i32
    %dma_wait3A_492 = arith.constant 0 : i32
    %dma_wait3A_493 = tpu.memref_slice %arg3[%dma_wait3A_491, %dma_wait3A_492] : memref<32768x768xf32, #tpu.memory_space<hbm>> -> memref<32768x768xf32, #tpu.memory_space<hbm>>
    tpu.wait_indirect_dma semaphore(%arg13 : memref<!tpu.dma_semaphore, #tpu.memory_space<semaphore_mem>>) src(%dma_wait3A_493 : memref<32768x768xf32, #tpu.memory_space<hbm>>) dst(%arg8 : memref<32x768xf32, #tpu.memory_space<vmem>>)
    %add3A_494 = arith.constant 704 : i32
    %add3A_495 = arith.addi %mul3A_2, %add3A_494 : i32
    %dma_start3A_496 = arith.constant 0 : i32
    %dma_start3A_497 = tpu.memref_slice %arg4[%add3A_495, %dma_start3A_496] : memref<32768x768xf32, #tpu.memory_space<hbm>> -> memref<32x768xf32, #tpu.memory_space<hbm>>
    %dma_start3A_498 = arith.constant 0 : i32
    %dma_start3A_499 = tpu.memref_slice %arg4[%add3A_495, %dma_start3A_498] : memref<32768x768xf32, #tpu.memory_space<hbm>> -> memref<32x768xf32, #tpu.memory_space<hbm>>
    tpu.enqueue_dma source(%arg8 : memref<32x768xf32, #tpu.memory_space<vmem>>) target(%dma_start3A_499 : memref<32x768xf32, #tpu.memory_space<hbm>>) target_semaphore(%arg18 : memref<!tpu.dma_semaphore, #tpu.memory_space<semaphore_mem>>)
    %dma_wait3A_500 = arith.constant 0 : i32
    %dma_wait3A_501 = tpu.memref_slice %arg4[%add3A_475, %dma_wait3A_500] : memref<32768x768xf32, #tpu.memory_space<hbm>> -> memref<32x768xf32, #tpu.memory_space<hbm>>
    %dma_wait3A_502 = arith.constant 0 : i32
    %dma_wait3A_503 = tpu.memref_slice %arg4[%add3A_475, %dma_wait3A_502] : memref<32768x768xf32, #tpu.memory_space<hbm>> -> memref<32x768xf32, #tpu.memory_space<hbm>>
    tpu.wait_dma2 semaphore(%arg17 : memref<!tpu.dma_semaphore, #tpu.memory_space<semaphore_mem>>) src(%arg7 : memref<32x768xf32, #tpu.memory_space<vmem>>) dst(%dma_wait3A_503 : memref<32x768xf32, #tpu.memory_space<hbm>>)
    %dma_start3A_504 = arith.constant 832 : i32
    %dma_start3A_505 = tpu.memref_slice %arg5[%dma_start3A_504] : memref<1024xi32, #tpu.memory_space<vmem>> -> memref<32xi32, #tpu.memory_space<vmem>>
    %dma_start3A_506 = arith.constant 0 : i32
    %dma_start3A_507 = arith.constant 0 : i32
    %dma_start3A_508 = tpu.memref_slice %arg3[%dma_start3A_506, %dma_start3A_507] : memref<32768x768xf32, #tpu.memory_space<hbm>> -> memref<32768x768xf32, #tpu.memory_space<hbm>>
    tpu.enqueue_indirect_dma source(%dma_start3A_508 : memref<32768x768xf32, #tpu.memory_space<hbm>>) target(%arg7 : memref<32x768xf32, #tpu.memory_space<vmem>>) offsets(%dma_start3A_505 : memref<32xi32, #tpu.memory_space<vmem>>) semaphore(%arg12 : memref<!tpu.dma_semaphore, #tpu.memory_space<semaphore_mem>>)
    %dma_wait3A_509 = arith.constant 736 : i32
    %dma_wait3A_510 = tpu.memref_slice %arg5[%dma_wait3A_509] : memref<1024xi32, #tpu.memory_space<vmem>> -> memref<32xi32, #tpu.memory_space<vmem>>
    %dma_wait3A_511 = arith.constant 0 : i32
    %dma_wait3A_512 = arith.constant 0 : i32
    %dma_wait3A_513 = tpu.memref_slice %arg3[%dma_wait3A_511, %dma_wait3A_512] : memref<32768x768xf32, #tpu.memory_space<hbm>> -> memref<32768x768xf32, #tpu.memory_space<hbm>>
    tpu.wait_indirect_dma semaphore(%arg14 : memref<!tpu.dma_semaphore, #tpu.memory_space<semaphore_mem>>) src(%dma_wait3A_513 : memref<32768x768xf32, #tpu.memory_space<hbm>>) dst(%arg9 : memref<32x768xf32, #tpu.memory_space<vmem>>)
    %add3A_514 = arith.constant 736 : i32
    %add3A_515 = arith.addi %mul3A_2, %add3A_514 : i32
    %dma_start3A_516 = arith.constant 0 : i32
    %dma_start3A_517 = tpu.memref_slice %arg4[%add3A_515, %dma_start3A_516] : memref<32768x768xf32, #tpu.memory_space<hbm>> -> memref<32x768xf32, #tpu.memory_space<hbm>>
    %dma_start3A_518 = arith.constant 0 : i32
    %dma_start3A_519 = tpu.memref_slice %arg4[%add3A_515, %dma_start3A_518] : memref<32768x768xf32, #tpu.memory_space<hbm>> -> memref<32x768xf32, #tpu.memory_space<hbm>>
    tpu.enqueue_dma source(%arg9 : memref<32x768xf32, #tpu.memory_space<vmem>>) target(%dma_start3A_519 : memref<32x768xf32, #tpu.memory_space<hbm>>) target_semaphore(%arg19 : memref<!tpu.dma_semaphore, #tpu.memory_space<semaphore_mem>>)
    %dma_wait3A_520 = arith.constant 0 : i32
    %dma_wait3A_521 = tpu.memref_slice %arg4[%add3A_495, %dma_wait3A_520] : memref<32768x768xf32, #tpu.memory_space<hbm>> -> memref<32x768xf32, #tpu.memory_space<hbm>>
    %dma_wait3A_522 = arith.constant 0 : i32
    %dma_wait3A_523 = tpu.memref_slice %arg4[%add3A_495, %dma_wait3A_522] : memref<32768x768xf32, #tpu.memory_space<hbm>> -> memref<32x768xf32, #tpu.memory_space<hbm>>
    tpu.wait_dma2 semaphore(%arg18 : memref<!tpu.dma_semaphore, #tpu.memory_space<semaphore_mem>>) src(%arg8 : memref<32x768xf32, #tpu.memory_space<vmem>>) dst(%dma_wait3A_523 : memref<32x768xf32, #tpu.memory_space<hbm>>)
    %dma_start3A_524 = arith.constant 864 : i32
    %dma_start3A_525 = tpu.memref_slice %arg5[%dma_start3A_524] : memref<1024xi32, #tpu.memory_space<vmem>> -> memref<32xi32, #tpu.memory_space<vmem>>
    %dma_start3A_526 = arith.constant 0 : i32
    %dma_start3A_527 = arith.constant 0 : i32
    %dma_start3A_528 = tpu.memref_slice %arg3[%dma_start3A_526, %dma_start3A_527] : memref<32768x768xf32, #tpu.memory_space<hbm>> -> memref<32768x768xf32, #tpu.memory_space<hbm>>
    tpu.enqueue_indirect_dma source(%dma_start3A_528 : memref<32768x768xf32, #tpu.memory_space<hbm>>) target(%arg8 : memref<32x768xf32, #tpu.memory_space<vmem>>) offsets(%dma_start3A_525 : memref<32xi32, #tpu.memory_space<vmem>>) semaphore(%arg13 : memref<!tpu.dma_semaphore, #tpu.memory_space<semaphore_mem>>)
    %dma_wait3A_529 = arith.constant 768 : i32
    %dma_wait3A_530 = tpu.memref_slice %arg5[%dma_wait3A_529] : memref<1024xi32, #tpu.memory_space<vmem>> -> memref<32xi32, #tpu.memory_space<vmem>>
    %dma_wait3A_531 = arith.constant 0 : i32
    %dma_wait3A_532 = arith.constant 0 : i32
    %dma_wait3A_533 = tpu.memref_slice %arg3[%dma_wait3A_531, %dma_wait3A_532] : memref<32768x768xf32, #tpu.memory_space<hbm>> -> memref<32768x768xf32, #tpu.memory_space<hbm>>
    tpu.wait_indirect_dma semaphore(%arg15 : memref<!tpu.dma_semaphore, #tpu.memory_space<semaphore_mem>>) src(%dma_wait3A_533 : memref<32768x768xf32, #tpu.memory_space<hbm>>) dst(%arg10 : memref<32x768xf32, #tpu.memory_space<vmem>>)
    %add3A_534 = arith.constant 768 : i32
    %add3A_535 = arith.addi %mul3A_2, %add3A_534 : i32
    %dma_start3A_536 = arith.constant 0 : i32
    %dma_start3A_537 = tpu.memref_slice %arg4[%add3A_535, %dma_start3A_536] : memref<32768x768xf32, #tpu.memory_space<hbm>> -> memref<32x768xf32, #tpu.memory_space<hbm>>
    %dma_start3A_538 = arith.constant 0 : i32
    %dma_start3A_539 = tpu.memref_slice %arg4[%add3A_535, %dma_start3A_538] : memref<32768x768xf32, #tpu.memory_space<hbm>> -> memref<32x768xf32, #tpu.memory_space<hbm>>
    tpu.enqueue_dma source(%arg10 : memref<32x768xf32, #tpu.memory_space<vmem>>) target(%dma_start3A_539 : memref<32x768xf32, #tpu.memory_space<hbm>>) target_semaphore(%arg20 : memref<!tpu.dma_semaphore, #tpu.memory_space<semaphore_mem>>)
    %dma_wait3A_540 = arith.constant 0 : i32
    %dma_wait3A_541 = tpu.memref_slice %arg4[%add3A_515, %dma_wait3A_540] : memref<32768x768xf32, #tpu.memory_space<hbm>> -> memref<32x768xf32, #tpu.memory_space<hbm>>
    %dma_wait3A_542 = arith.constant 0 : i32
    %dma_wait3A_543 = tpu.memref_slice %arg4[%add3A_515, %dma_wait3A_542] : memref<32768x768xf32, #tpu.memory_space<hbm>> -> memref<32x768xf32, #tpu.memory_space<hbm>>
    tpu.wait_dma2 semaphore(%arg19 : memref<!tpu.dma_semaphore, #tpu.memory_space<semaphore_mem>>) src(%arg9 : memref<32x768xf32, #tpu.memory_space<vmem>>) dst(%dma_wait3A_543 : memref<32x768xf32, #tpu.memory_space<hbm>>)
    %dma_start3A_544 = arith.constant 896 : i32
    %dma_start3A_545 = tpu.memref_slice %arg5[%dma_start3A_544] : memref<1024xi32, #tpu.memory_space<vmem>> -> memref<32xi32, #tpu.memory_space<vmem>>
    %dma_start3A_546 = arith.constant 0 : i32
    %dma_start3A_547 = arith.constant 0 : i32
    %dma_start3A_548 = tpu.memref_slice %arg3[%dma_start3A_546, %dma_start3A_547] : memref<32768x768xf32, #tpu.memory_space<hbm>> -> memref<32768x768xf32, #tpu.memory_space<hbm>>
    tpu.enqueue_indirect_dma source(%dma_start3A_548 : memref<32768x768xf32, #tpu.memory_space<hbm>>) target(%arg9 : memref<32x768xf32, #tpu.memory_space<vmem>>) offsets(%dma_start3A_545 : memref<32xi32, #tpu.memory_space<vmem>>) semaphore(%arg14 : memref<!tpu.dma_semaphore, #tpu.memory_space<semaphore_mem>>)
    %dma_wait3A_549 = arith.constant 800 : i32
    %dma_wait3A_550 = tpu.memref_slice %arg5[%dma_wait3A_549] : memref<1024xi32, #tpu.memory_space<vmem>> -> memref<32xi32, #tpu.memory_space<vmem>>
    %dma_wait3A_551 = arith.constant 0 : i32
    %dma_wait3A_552 = arith.constant 0 : i32
    %dma_wait3A_553 = tpu.memref_slice %arg3[%dma_wait3A_551, %dma_wait3A_552] : memref<32768x768xf32, #tpu.memory_space<hbm>> -> memref<32768x768xf32, #tpu.memory_space<hbm>>
    tpu.wait_indirect_dma semaphore(%arg11 : memref<!tpu.dma_semaphore, #tpu.memory_space<semaphore_mem>>) src(%dma_wait3A_553 : memref<32768x768xf32, #tpu.memory_space<hbm>>) dst(%arg6 : memref<32x768xf32, #tpu.memory_space<vmem>>)
    %add3A_554 = arith.constant 800 : i32
    %add3A_555 = arith.addi %mul3A_2, %add3A_554 : i32
    %dma_start3A_556 = arith.constant 0 : i32
    %dma_start3A_557 = tpu.memref_slice %arg4[%add3A_555, %dma_start3A_556] : memref<32768x768xf32, #tpu.memory_space<hbm>> -> memref<32x768xf32, #tpu.memory_space<hbm>>
    %dma_start3A_558 = arith.constant 0 : i32
    %dma_start3A_559 = tpu.memref_slice %arg4[%add3A_555, %dma_start3A_558] : memref<32768x768xf32, #tpu.memory_space<hbm>> -> memref<32x768xf32, #tpu.memory_space<hbm>>
    tpu.enqueue_dma source(%arg6 : memref<32x768xf32, #tpu.memory_space<vmem>>) target(%dma_start3A_559 : memref<32x768xf32, #tpu.memory_space<hbm>>) target_semaphore(%arg16 : memref<!tpu.dma_semaphore, #tpu.memory_space<semaphore_mem>>)
    %dma_wait3A_560 = arith.constant 0 : i32
    %dma_wait3A_561 = tpu.memref_slice %arg4[%add3A_535, %dma_wait3A_560] : memref<32768x768xf32, #tpu.memory_space<hbm>> -> memref<32x768xf32, #tpu.memory_space<hbm>>
    %dma_wait3A_562 = arith.constant 0 : i32
    %dma_wait3A_563 = tpu.memref_slice %arg4[%add3A_535, %dma_wait3A_562] : memref<32768x768xf32, #tpu.memory_space<hbm>> -> memref<32x768xf32, #tpu.memory_space<hbm>>
    tpu.wait_dma2 semaphore(%arg20 : memref<!tpu.dma_semaphore, #tpu.memory_space<semaphore_mem>>) src(%arg10 : memref<32x768xf32, #tpu.memory_space<vmem>>) dst(%dma_wait3A_563 : memref<32x768xf32, #tpu.memory_space<hbm>>)
    %dma_start3A_564 = arith.constant 928 : i32
    %dma_start3A_565 = tpu.memref_slice %arg5[%dma_start3A_564] : memref<1024xi32, #tpu.memory_space<vmem>> -> memref<32xi32, #tpu.memory_space<vmem>>
    %dma_start3A_566 = arith.constant 0 : i32
    %dma_start3A_567 = arith.constant 0 : i32
    %dma_start3A_568 = tpu.memref_slice %arg3[%dma_start3A_566, %dma_start3A_567] : memref<32768x768xf32, #tpu.memory_space<hbm>> -> memref<32768x768xf32, #tpu.memory_space<hbm>>
    tpu.enqueue_indirect_dma source(%dma_start3A_568 : memref<32768x768xf32, #tpu.memory_space<hbm>>) target(%arg10 : memref<32x768xf32, #tpu.memory_space<vmem>>) offsets(%dma_start3A_565 : memref<32xi32, #tpu.memory_space<vmem>>) semaphore(%arg15 : memref<!tpu.dma_semaphore, #tpu.memory_space<semaphore_mem>>)
    %dma_wait3A_569 = arith.constant 832 : i32
    %dma_wait3A_570 = tpu.memref_slice %arg5[%dma_wait3A_569] : memref<1024xi32, #tpu.memory_space<vmem>> -> memref<32xi32, #tpu.memory_space<vmem>>
    %dma_wait3A_571 = arith.constant 0 : i32
    %dma_wait3A_572 = arith.constant 0 : i32
    %dma_wait3A_573 = tpu.memref_slice %arg3[%dma_wait3A_571, %dma_wait3A_572] : memref<32768x768xf32, #tpu.memory_space<hbm>> -> memref<32768x768xf32, #tpu.memory_space<hbm>>
    tpu.wait_indirect_dma semaphore(%arg12 : memref<!tpu.dma_semaphore, #tpu.memory_space<semaphore_mem>>) src(%dma_wait3A_573 : memref<32768x768xf32, #tpu.memory_space<hbm>>) dst(%arg7 : memref<32x768xf32, #tpu.memory_space<vmem>>)
    %add3A_574 = arith.constant 832 : i32
    %add3A_575 = arith.addi %mul3A_2, %add3A_574 : i32
    %dma_start3A_576 = arith.constant 0 : i32
    %dma_start3A_577 = tpu.memref_slice %arg4[%add3A_575, %dma_start3A_576] : memref<32768x768xf32, #tpu.memory_space<hbm>> -> memref<32x768xf32, #tpu.memory_space<hbm>>
    %dma_start3A_578 = arith.constant 0 : i32
    %dma_start3A_579 = tpu.memref_slice %arg4[%add3A_575, %dma_start3A_578] : memref<32768x768xf32, #tpu.memory_space<hbm>> -> memref<32x768xf32, #tpu.memory_space<hbm>>
    tpu.enqueue_dma source(%arg7 : memref<32x768xf32, #tpu.memory_space<vmem>>) target(%dma_start3A_579 : memref<32x768xf32, #tpu.memory_space<hbm>>) target_semaphore(%arg17 : memref<!tpu.dma_semaphore, #tpu.memory_space<semaphore_mem>>)
    %dma_wait3A_580 = arith.constant 0 : i32
    %dma_wait3A_581 = tpu.memref_slice %arg4[%add3A_555, %dma_wait3A_580] : memref<32768x768xf32, #tpu.memory_space<hbm>> -> memref<32x768xf32, #tpu.memory_space<hbm>>
    %dma_wait3A_582 = arith.constant 0 : i32
    %dma_wait3A_583 = tpu.memref_slice %arg4[%add3A_555, %dma_wait3A_582] : memref<32768x768xf32, #tpu.memory_space<hbm>> -> memref<32x768xf32, #tpu.memory_space<hbm>>
    tpu.wait_dma2 semaphore(%arg16 : memref<!tpu.dma_semaphore, #tpu.memory_space<semaphore_mem>>) src(%arg6 : memref<32x768xf32, #tpu.memory_space<vmem>>) dst(%dma_wait3A_583 : memref<32x768xf32, #tpu.memory_space<hbm>>)
    %dma_start3A_584 = arith.constant 960 : i32
    %dma_start3A_585 = tpu.memref_slice %arg5[%dma_start3A_584] : memref<1024xi32, #tpu.memory_space<vmem>> -> memref<32xi32, #tpu.memory_space<vmem>>
    %dma_start3A_586 = arith.constant 0 : i32
    %dma_start3A_587 = arith.constant 0 : i32
    %dma_start3A_588 = tpu.memref_slice %arg3[%dma_start3A_586, %dma_start3A_587] : memref<32768x768xf32, #tpu.memory_space<hbm>> -> memref<32768x768xf32, #tpu.memory_space<hbm>>
    tpu.enqueue_indirect_dma source(%dma_start3A_588 : memref<32768x768xf32, #tpu.memory_space<hbm>>) target(%arg6 : memref<32x768xf32, #tpu.memory_space<vmem>>) offsets(%dma_start3A_585 : memref<32xi32, #tpu.memory_space<vmem>>) semaphore(%arg11 : memref<!tpu.dma_semaphore, #tpu.memory_space<semaphore_mem>>)
    %dma_wait3A_589 = arith.constant 864 : i32
    %dma_wait3A_590 = tpu.memref_slice %arg5[%dma_wait3A_589] : memref<1024xi32, #tpu.memory_space<vmem>> -> memref<32xi32, #tpu.memory_space<vmem>>
    %dma_wait3A_591 = arith.constant 0 : i32
    %dma_wait3A_592 = arith.constant 0 : i32
    %dma_wait3A_593 = tpu.memref_slice %arg3[%dma_wait3A_591, %dma_wait3A_592] : memref<32768x768xf32, #tpu.memory_space<hbm>> -> memref<32768x768xf32, #tpu.memory_space<hbm>>
    tpu.wait_indirect_dma semaphore(%arg13 : memref<!tpu.dma_semaphore, #tpu.memory_space<semaphore_mem>>) src(%dma_wait3A_593 : memref<32768x768xf32, #tpu.memory_space<hbm>>) dst(%arg8 : memref<32x768xf32, #tpu.memory_space<vmem>>)
    %add3A_594 = arith.constant 864 : i32
    %add3A_595 = arith.addi %mul3A_2, %add3A_594 : i32
    %dma_start3A_596 = arith.constant 0 : i32
    %dma_start3A_597 = tpu.memref_slice %arg4[%add3A_595, %dma_start3A_596] : memref<32768x768xf32, #tpu.memory_space<hbm>> -> memref<32x768xf32, #tpu.memory_space<hbm>>
    %dma_start3A_598 = arith.constant 0 : i32
    %dma_start3A_599 = tpu.memref_slice %arg4[%add3A_595, %dma_start3A_598] : memref<32768x768xf32, #tpu.memory_space<hbm>> -> memref<32x768xf32, #tpu.memory_space<hbm>>
    tpu.enqueue_dma source(%arg8 : memref<32x768xf32, #tpu.memory_space<vmem>>) target(%dma_start3A_599 : memref<32x768xf32, #tpu.memory_space<hbm>>) target_semaphore(%arg18 : memref<!tpu.dma_semaphore, #tpu.memory_space<semaphore_mem>>)
    %dma_wait3A_600 = arith.constant 0 : i32
    %dma_wait3A_601 = tpu.memref_slice %arg4[%add3A_575, %dma_wait3A_600] : memref<32768x768xf32, #tpu.memory_space<hbm>> -> memref<32x768xf32, #tpu.memory_space<hbm>>
    %dma_wait3A_602 = arith.constant 0 : i32
    %dma_wait3A_603 = tpu.memref_slice %arg4[%add3A_575, %dma_wait3A_602] : memref<32768x768xf32, #tpu.memory_space<hbm>> -> memref<32x768xf32, #tpu.memory_space<hbm>>
    tpu.wait_dma2 semaphore(%arg17 : memref<!tpu.dma_semaphore, #tpu.memory_space<semaphore_mem>>) src(%arg7 : memref<32x768xf32, #tpu.memory_space<vmem>>) dst(%dma_wait3A_603 : memref<32x768xf32, #tpu.memory_space<hbm>>)
    %dma_start3A_604 = arith.constant 992 : i32
    %dma_start3A_605 = tpu.memref_slice %arg5[%dma_start3A_604] : memref<1024xi32, #tpu.memory_space<vmem>> -> memref<32xi32, #tpu.memory_space<vmem>>
    %dma_start3A_606 = arith.constant 0 : i32
    %dma_start3A_607 = arith.constant 0 : i32
    %dma_start3A_608 = tpu.memref_slice %arg3[%dma_start3A_606, %dma_start3A_607] : memref<32768x768xf32, #tpu.memory_space<hbm>> -> memref<32768x768xf32, #tpu.memory_space<hbm>>
    tpu.enqueue_indirect_dma source(%dma_start3A_608 : memref<32768x768xf32, #tpu.memory_space<hbm>>) target(%arg7 : memref<32x768xf32, #tpu.memory_space<vmem>>) offsets(%dma_start3A_605 : memref<32xi32, #tpu.memory_space<vmem>>) semaphore(%arg12 : memref<!tpu.dma_semaphore, #tpu.memory_space<semaphore_mem>>)
    %dma_wait3A_609 = arith.constant 896 : i32
    %dma_wait3A_610 = tpu.memref_slice %arg5[%dma_wait3A_609] : memref<1024xi32, #tpu.memory_space<vmem>> -> memref<32xi32, #tpu.memory_space<vmem>>
    %dma_wait3A_611 = arith.constant 0 : i32
    %dma_wait3A_612 = arith.constant 0 : i32
    %dma_wait3A_613 = tpu.memref_slice %arg3[%dma_wait3A_611, %dma_wait3A_612] : memref<32768x768xf32, #tpu.memory_space<hbm>> -> memref<32768x768xf32, #tpu.memory_space<hbm>>
    tpu.wait_indirect_dma semaphore(%arg14 : memref<!tpu.dma_semaphore, #tpu.memory_space<semaphore_mem>>) src(%dma_wait3A_613 : memref<32768x768xf32, #tpu.memory_space<hbm>>) dst(%arg9 : memref<32x768xf32, #tpu.memory_space<vmem>>)
    %add3A_614 = arith.constant 896 : i32
    %add3A_615 = arith.addi %mul3A_2, %add3A_614 : i32
    %dma_start3A_616 = arith.constant 0 : i32
    %dma_start3A_617 = tpu.memref_slice %arg4[%add3A_615, %dma_start3A_616] : memref<32768x768xf32, #tpu.memory_space<hbm>> -> memref<32x768xf32, #tpu.memory_space<hbm>>
    %dma_start3A_618 = arith.constant 0 : i32
    %dma_start3A_619 = tpu.memref_slice %arg4[%add3A_615, %dma_start3A_618] : memref<32768x768xf32, #tpu.memory_space<hbm>> -> memref<32x768xf32, #tpu.memory_space<hbm>>
    tpu.enqueue_dma source(%arg9 : memref<32x768xf32, #tpu.memory_space<vmem>>) target(%dma_start3A_619 : memref<32x768xf32, #tpu.memory_space<hbm>>) target_semaphore(%arg19 : memref<!tpu.dma_semaphore, #tpu.memory_space<semaphore_mem>>)
    %dma_wait3A_620 = arith.constant 928 : i32
    %dma_wait3A_621 = tpu.memref_slice %arg5[%dma_wait3A_620] : memref<1024xi32, #tpu.memory_space<vmem>> -> memref<32xi32, #tpu.memory_space<vmem>>
    %dma_wait3A_622 = arith.constant 0 : i32
    %dma_wait3A_623 = arith.constant 0 : i32
    %dma_wait3A_624 = tpu.memref_slice %arg3[%dma_wait3A_622, %dma_wait3A_623] : memref<32768x768xf32, #tpu.memory_space<hbm>> -> memref<32768x768xf32, #tpu.memory_space<hbm>>
    tpu.wait_indirect_dma semaphore(%arg15 : memref<!tpu.dma_semaphore, #tpu.memory_space<semaphore_mem>>) src(%dma_wait3A_624 : memref<32768x768xf32, #tpu.memory_space<hbm>>) dst(%arg10 : memref<32x768xf32, #tpu.memory_space<vmem>>)
    %add3A_625 = arith.constant 928 : i32
    %add3A_626 = arith.addi %mul3A_2, %add3A_625 : i32
    %dma_start3A_627 = arith.constant 0 : i32
    %dma_start3A_628 = tpu.memref_slice %arg4[%add3A_626, %dma_start3A_627] : memref<32768x768xf32, #tpu.memory_space<hbm>> -> memref<32x768xf32, #tpu.memory_space<hbm>>
    %dma_start3A_629 = arith.constant 0 : i32
    %dma_start3A_630 = tpu.memref_slice %arg4[%add3A_626, %dma_start3A_629] : memref<32768x768xf32, #tpu.memory_space<hbm>> -> memref<32x768xf32, #tpu.memory_space<hbm>>
    tpu.enqueue_dma source(%arg10 : memref<32x768xf32, #tpu.memory_space<vmem>>) target(%dma_start3A_630 : memref<32x768xf32, #tpu.memory_space<hbm>>) target_semaphore(%arg20 : memref<!tpu.dma_semaphore, #tpu.memory_space<semaphore_mem>>)
    %dma_wait3A_631 = arith.constant 960 : i32
    %dma_wait3A_632 = tpu.memref_slice %arg5[%dma_wait3A_631] : memref<1024xi32, #tpu.memory_space<vmem>> -> memref<32xi32, #tpu.memory_space<vmem>>
    %dma_wait3A_633 = arith.constant 0 : i32
    %dma_wait3A_634 = arith.constant 0 : i32
    %dma_wait3A_635 = tpu.memref_slice %arg3[%dma_wait3A_633, %dma_wait3A_634] : memref<32768x768xf32, #tpu.memory_space<hbm>> -> memref<32768x768xf32, #tpu.memory_space<hbm>>
    tpu.wait_indirect_dma semaphore(%arg11 : memref<!tpu.dma_semaphore, #tpu.memory_space<semaphore_mem>>) src(%dma_wait3A_635 : memref<32768x768xf32, #tpu.memory_space<hbm>>) dst(%arg6 : memref<32x768xf32, #tpu.memory_space<vmem>>)
    %add3A_636 = arith.constant 960 : i32
    %add3A_637 = arith.addi %mul3A_2, %add3A_636 : i32
    %dma_start3A_638 = arith.constant 0 : i32
    %dma_start3A_639 = tpu.memref_slice %arg4[%add3A_637, %dma_start3A_638] : memref<32768x768xf32, #tpu.memory_space<hbm>> -> memref<32x768xf32, #tpu.memory_space<hbm>>
    %dma_start3A_640 = arith.constant 0 : i32
    %dma_start3A_641 = tpu.memref_slice %arg4[%add3A_637, %dma_start3A_640] : memref<32768x768xf32, #tpu.memory_space<hbm>> -> memref<32x768xf32, #tpu.memory_space<hbm>>
    tpu.enqueue_dma source(%arg6 : memref<32x768xf32, #tpu.memory_space<vmem>>) target(%dma_start3A_641 : memref<32x768xf32, #tpu.memory_space<hbm>>) target_semaphore(%arg16 : memref<!tpu.dma_semaphore, #tpu.memory_space<semaphore_mem>>)
    %dma_wait3A_642 = arith.constant 992 : i32
    %dma_wait3A_643 = tpu.memref_slice %arg5[%dma_wait3A_642] : memref<1024xi32, #tpu.memory_space<vmem>> -> memref<32xi32, #tpu.memory_space<vmem>>
    %dma_wait3A_644 = arith.constant 0 : i32
    %dma_wait3A_645 = arith.constant 0 : i32
    %dma_wait3A_646 = tpu.memref_slice %arg3[%dma_wait3A_644, %dma_wait3A_645] : memref<32768x768xf32, #tpu.memory_space<hbm>> -> memref<32768x768xf32, #tpu.memory_space<hbm>>
    tpu.wait_indirect_dma semaphore(%arg12 : memref<!tpu.dma_semaphore, #tpu.memory_space<semaphore_mem>>) src(%dma_wait3A_646 : memref<32768x768xf32, #tpu.memory_space<hbm>>) dst(%arg7 : memref<32x768xf32, #tpu.memory_space<vmem>>)
    %add3A_647 = arith.constant 992 : i32
    %add3A_648 = arith.addi %mul3A_2, %add3A_647 : i32
    %dma_start3A_649 = arith.constant 0 : i32
    %dma_start3A_650 = tpu.memref_slice %arg4[%add3A_648, %dma_start3A_649] : memref<32768x768xf32, #tpu.memory_space<hbm>> -> memref<32x768xf32, #tpu.memory_space<hbm>>
    %dma_start3A_651 = arith.constant 0 : i32
    %dma_start3A_652 = tpu.memref_slice %arg4[%add3A_648, %dma_start3A_651] : memref<32768x768xf32, #tpu.memory_space<hbm>> -> memref<32x768xf32, #tpu.memory_space<hbm>>
    tpu.enqueue_dma source(%arg7 : memref<32x768xf32, #tpu.memory_space<vmem>>) target(%dma_start3A_652 : memref<32x768xf32, #tpu.memory_space<hbm>>) target_semaphore(%arg17 : memref<!tpu.dma_semaphore, #tpu.memory_space<semaphore_mem>>)
    %dma_wait3A_653 = arith.constant 0 : i32
    %dma_wait3A_654 = tpu.memref_slice %arg4[%add3A_595, %dma_wait3A_653] : memref<32768x768xf32, #tpu.memory_space<hbm>> -> memref<32x768xf32, #tpu.memory_space<hbm>>
    %dma_wait3A_655 = arith.constant 0 : i32
    %dma_wait3A_656 = tpu.memref_slice %arg4[%add3A_595, %dma_wait3A_655] : memref<32768x768xf32, #tpu.memory_space<hbm>> -> memref<32x768xf32, #tpu.memory_space<hbm>>
    tpu.wait_dma2 semaphore(%arg18 : memref<!tpu.dma_semaphore, #tpu.memory_space<semaphore_mem>>) src(%arg8 : memref<32x768xf32, #tpu.memory_space<vmem>>) dst(%dma_wait3A_656 : memref<32x768xf32, #tpu.memory_space<hbm>>)
    %dma_wait3A_657 = arith.constant 0 : i32
    %dma_wait3A_658 = tpu.memref_slice %arg4[%add3A_615, %dma_wait3A_657] : memref<32768x768xf32, #tpu.memory_space<hbm>> -> memref<32x768xf32, #tpu.memory_space<hbm>>
    %dma_wait3A_659 = arith.constant 0 : i32
    %dma_wait3A_660 = tpu.memref_slice %arg4[%add3A_615, %dma_wait3A_659] : memref<32768x768xf32, #tpu.memory_space<hbm>> -> memref<32x768xf32, #tpu.memory_space<hbm>>
    tpu.wait_dma2 semaphore(%arg19 : memref<!tpu.dma_semaphore, #tpu.memory_space<semaphore_mem>>) src(%arg9 : memref<32x768xf32, #tpu.memory_space<vmem>>) dst(%dma_wait3A_660 : memref<32x768xf32, #tpu.memory_space<hbm>>)
    %dma_wait3A_661 = arith.constant 0 : i32
    %dma_wait3A_662 = tpu.memref_slice %arg4[%add3A_626, %dma_wait3A_661] : memref<32768x768xf32, #tpu.memory_space<hbm>> -> memref<32x768xf32, #tpu.memory_space<hbm>>
    %dma_wait3A_663 = arith.constant 0 : i32
    %dma_wait3A_664 = tpu.memref_slice %arg4[%add3A_626, %dma_wait3A_663] : memref<32768x768xf32, #tpu.memory_space<hbm>> -> memref<32x768xf32, #tpu.memory_space<hbm>>
    tpu.wait_dma2 semaphore(%arg20 : memref<!tpu.dma_semaphore, #tpu.memory_space<semaphore_mem>>) src(%arg10 : memref<32x768xf32, #tpu.memory_space<vmem>>) dst(%dma_wait3A_664 : memref<32x768xf32, #tpu.memory_space<hbm>>)
    %dma_wait3A_665 = arith.constant 0 : i32
    %dma_wait3A_666 = tpu.memref_slice %arg4[%add3A_637, %dma_wait3A_665] : memref<32768x768xf32, #tpu.memory_space<hbm>> -> memref<32x768xf32, #tpu.memory_space<hbm>>
    %dma_wait3A_667 = arith.constant 0 : i32
    %dma_wait3A_668 = tpu.memref_slice %arg4[%add3A_637, %dma_wait3A_667] : memref<32768x768xf32, #tpu.memory_space<hbm>> -> memref<32x768xf32, #tpu.memory_space<hbm>>
    tpu.wait_dma2 semaphore(%arg16 : memref<!tpu.dma_semaphore, #tpu.memory_space<semaphore_mem>>) src(%arg6 : memref<32x768xf32, #tpu.memory_space<vmem>>) dst(%dma_wait3A_668 : memref<32x768xf32, #tpu.memory_space<hbm>>)
    %dma_wait3A_669 = arith.constant 0 : i32
    %dma_wait3A_670 = tpu.memref_slice %arg4[%add3A_648, %dma_wait3A_669] : memref<32768x768xf32, #tpu.memory_space<hbm>> -> memref<32x768xf32, #tpu.memory_space<hbm>>
    %dma_wait3A_671 = arith.constant 0 : i32
    %dma_wait3A_672 = tpu.memref_slice %arg4[%add3A_648, %dma_wait3A_671] : memref<32768x768xf32, #tpu.memory_space<hbm>> -> memref<32x768xf32, #tpu.memory_space<hbm>>
    tpu.wait_dma2 semaphore(%arg17 : memref<!tpu.dma_semaphore, #tpu.memory_space<semaphore_mem>>) src(%arg7 : memref<32x768xf32, #tpu.memory_space<vmem>>) dst(%dma_wait3A_672 : memref<32x768xf32, #tpu.memory_space<hbm>>)
    return
  }
}

</mosaic_0001>

<sc_bundles>
// kernel: kernel.3.cloned.1.call-start
scs
__scs_entry_jumppad:
0x0: {  	(pc) =	sbr.rel $0x88, $3  }
0x1: {  	(tag) =	ssettag $0x0;
	lr =	simm.s32 $0x1  }
0x2: {  	[smem:$0x3F9F] =	sst lr;
	_ =	strace $0xD0000000  }
0x3: {  	_ = 	snop  }
0x4: {  	_ = 	snop  }
0x5: {  	_ = 	snop  }
0x6: {  	_ = 	snop  }
0x7: {  	_ = 	snop  }
__scs_overlays_trampoline_lowered:
0x8: {  	[smem:$0x3FAE] =	sst s0  }
0x9: {  	[smem:$0x3FAF] =	sst s1  }
0xa: {  	[smem:$0x3FB0] =	sst s2  }
0xb: {  	[smem:$0x3FB1] =	sst s3  }
0xc: {  	[smem:$0x3FB2] =	sst s4  }
0xd: {  	[smem:$0x3FB3] =	sst s5  }
0xe: {  	[smem:$0x3FB4] =	sst s6  }
0xf: {  	[smem:$0x3FB5] =	sst s7  }
0x10: {  	[smem:$0x3FB6] =	sst s8  }
0x11: {  	[smem:$0x3FB7] =	sst s9;
	s0 =	simm.s32 @!p0 $0x0  }
0x12: {  	s1 =	sld [smem:$0x3F9D];
	s0 =	simm.s32 @p0 $0x1  }
0x13: {  	[smem:$0x3FB8] =	sst s0;
	s0 =	simm.s32 @!p1 $0x0  }
0x14: {  	s2 =	sld [smem:$0x3F9C];
	s0 =	simm.s32 @p1 $0x1  }
0x15: {  	[smem:$0x3FB9] =	sst s0;
	s0 =	simm.s32 @!p2 $0x0  }
0x16: {  	s3 =	sld [smem:$0x3FDB];
	s0 =	simm.s32 @p2 $0x1  }
0x17: {  	s4 =	simm.s32 $0x1BF5;
	[smem:$0x3FBB] =	sst s0  }
0x18: {  	s0 =	sld [smem:$0x3F9E];
	_ =	swait.ge [sflag:s4], $0x0  }
0x19: {  	s7 =	sld [smem:$0x3F9F]  }
0x1a: {  	s8 =	sadd.s32 $0xFFFFE003, lr  }
0x1b: {  	s9 =	sadd.s32 $0xFFFFFEF7, lr;
	s5 =	simm.s32 $0xFFFFFFFF;
	p2 =	slt.u32 s8, $0xFFFFF086  }
0x1c: {  	p1 =	slt.u32 s9, $0xF7A;
	s5 =	simm.s32 @!p2 $0x0  }
0x1d: {  	s5 =	simm.s32 @p1 $0x1;
	p0 =	seq.s32 s7, s2  }
0x1e: {  	s7 =	smul.u32 @!p0 $0xF7A, s2;
	p2 =	seq.s32 @!p0 s5, $0x0  }
0x1f: {  	s9 =	smul.u32 $0xF7A, s1;
	s8 =	simm.s32 @!p0 $0x1BF5;
	p2 =	por !p2, p0  }
0x20: {  	[sflag:s8] =	ssyncset.s32 @!p0 $0xFFFFF086;
	s6 =	sadd.s32 @!p0 s3, s7;
	s7 =	simm.s32 @!p0 $0x108  }
0x21: {  	s3 =	sadd.s32 s3, s9;
	s6 =	sadd.s32 @!p0 $0x88, s6;
	s7 =	simm.s32 @p2 $0x1082  }
0x22: {  	[simem:s7], [sflag:s8] =	dma.local @!p0 [hbm:s6], $0xF7A  }
0x23: {  	s9 =	sor.u32 $0xD0000000, s2;
	s6 =	simm.s32 $0x108;
	_ =	swait.ge @!p0 [sflag:s8], $0x0  }
0x24: {  	s3 =	sadd.s32 $0x88, s3;
	s6 =	simm.s32 @!p1 $0x1082;
	[sflag:s4] =	ssyncset.s32 $0xFFFFF086  }
0x25: {  	[simem:s6], [sflag:s4] =	dma.local [hbm:s3], $0xF7A  }
0x26: {  	[smem:$0x3F9F] =	sst s1;
	(tag) =	ssettag s2;
	_ =	strace s9  }
0x27: {  	s1 =	sld [smem:$0x3FAF]  }
0x28: {  	s2 =	sld [smem:$0x3FB0]  }
0x29: {  	s4 =	sld [smem:$0x3FB2]  }
0x2a: {  	p0 =	seq.s32 s5, $0x0;
	s5 =	sld [smem:$0x3FB3]  }
0x2b: {  	s6 =	sld [smem:$0x3FB4]  }
0x2c: {  	s7 =	sld [smem:$0x3FB5]  }
0x2d: {  	s3 =	simm.s32 $0x108;
	s8 =	sld [smem:$0x3FB6]  }
0x2e: {  	s3 =	simm.s32 @!p0 $0x1082;
	s9 =	sld [smem:$0x3FB7]  }
0x2f: {  	lr =	sadd.s32 s0, s3;
	s0 =	sld [smem:$0x3FAE]  }
0x30: {  	s3 =	sld [smem:$0x3FB1]  }
0x31: {  	[smem:$0x3FBA] =	sst s10  }
0x32: {  	s10 =	sld [smem:$0x3FB8];
	_ =	sdelay $0x3  }
0x33: {  	p0 =	seq.s32 s10, $0x1;
	s10 =	sld [smem:$0x3FBA];
	_ =	sdelay $0x3  }
0x34: {  	[smem:$0x3FBA] =	sst s10  }
0x35: {  	s10 =	sld [smem:$0x3FB9];
	_ =	sdelay $0x3  }
0x36: {  	p1 =	seq.s32 s10, $0x1;
	s10 =	sld [smem:$0x3FBA];
	_ =	sdelay $0x3  }
0x37: {  	[smem:$0x3FBA] =	sst s10  }
0x38: {  	s10 =	sld [smem:$0x3FBB]  }
0x39: {  	_ = 	snop;
	(pc) =	sbr.ind lr, $3  }
0x3a: {  	_ = 	snop  }
0x3b: {  	_ = 	snop  }
0x3c: {  	p2 =	seq.s32 s10, $0x1;
	s10 =	sld [smem:$0x3FBA]  }
0x3d: {  	_ =	shalt  }
0x3e: {  	_ =	shalt  }
0x3f: {  	_ =	shalt  }
0x40: {  	_ =	shalt  }
0x41: {  	_ =	shalt  }
0x42: {  	_ =	shalt  }
0x43: {  	_ =	shalt  }
0x44: {  	_ =	shalt  }
0x45: {  	_ =	shalt  }
0x46: {  	_ =	shalt  }
0x47: {  	_ =	shalt  }
0x48: {  	_ =	shalt  }
0x49: {  	_ =	shalt  }
0x4a: {  	_ =	shalt  }
0x4b: {  	_ =	shalt  }
0x4c: {  	_ =	shalt  }
0x4d: {  	_ =	shalt  }
0x4e: {  	_ =	shalt  }
0x4f: {  	_ =	shalt  }
0x50: {  	_ =	shalt  }
0x51: {  	_ =	shalt  }
0x52: {  	_ =	shalt  }
0x53: {  	_ =	shalt  }
0x54: {  	_ =	shalt  }
0x55: {  	_ =	shalt  }
0x56: {  	_ =	shalt  }
0x57: {  	_ =	shalt  }
0x58: {  	_ =	shalt  }
0x59: {  	_ =	shalt  }
0x5a: {  	_ =	shalt  }
0x5b: {  	_ =	shalt  }
0x5c: {  	_ =	shalt  }
0x5d: {  	_ =	shalt  }
0x5e: {  	_ =	shalt  }
0x5f: {  	_ =	shalt  }
0x60: {  	_ =	shalt  }
0x61: {  	_ =	shalt  }
0x62: {  	_ =	shalt  }
0x63: {  	_ =	shalt  }
0x64: {  	_ =	shalt  }
0x65: {  	_ =	shalt  }
0x66: {  	_ =	shalt  }
0x67: {  	_ =	shalt  }
0x68: {  	_ =	shalt  }
0x69: {  	_ =	shalt  }
0x6a: {  	_ =	shalt  }
0x6b: {  	_ =	shalt  }
0x6c: {  	_ =	shalt  }
0x6d: {  	_ =	shalt  }
0x6e: {  	_ =	shalt  }
0x6f: {  	_ =	shalt  }
0x70: {  	_ =	shalt  }
0x71: {  	_ =	shalt  }
0x72: {  	_ =	shalt  }
0x73: {  	_ =	shalt  }
0x74: {  	_ =	shalt  }
0x75: {  	_ =	shalt  }
0x76: {  	_ =	shalt  }
0x77: {  	_ =	shalt  }
0x78: {  	_ =	shalt  }
0x79: {  	_ =	shalt  }
0x7a: {  	_ =	shalt  }
0x7b: {  	_ =	shalt  }
0x7c: {  	_ =	shalt  }
0x7d: {  	_ =	shalt  }
0x7e: {  	_ =	shalt  }
0x7f: {  	_ =	shalt  }
0x80: {  	_ =	shalt  }
0x81: {  	_ =	shalt  }
0x82: {  	_ =	shalt  }
0x83: {  	_ =	shalt  }
0x84: {  	_ =	shalt  }
0x85: {  	_ =	shalt  }
0x86: {  	_ =	shalt  }
0x87: {  	_ =	shalt  }
.Lfunc_end0:
.L_simem_size_0:
called_computation_lowered:
.L_overlay_start_0:
0x88: {  	s2 =	sld [smem:$0x3FD9]  }
0x89: {  	s3 =	sld [smem:$0x3FFE];
	_ =	sdelay $0x1  }
0x8a: {  	s1 =	srdreg.scid  }
0x8b: {  	s0 =	sand.u32 $0x1, s1  }
0x8c: {  	s18 =	sshll.u32 s0, $0xA;
	s2 =	sadd.s32 s3, s2  }
0x8d: {  	s2 =	sadd.s32 s2, s18  }
0x8e: {  	[smem:$0x3FC6] =	sst s2  }
0x8f: {  	_ = 	snop  }
0x90: {  	s2 =	sld [smem:$0x3FC9]  }
0x91: {  	s19 =	sld [smem:$0x3FC8]  }
0x92: {  	s4 =	sld [smem:$0x3FD0];
	(tm) =	ssettm $0x1  }
0x93: {  	s5 =	sld [smem:$0x3FFB];
	_ =	sdelay $0x3  }
0x94: {  	_ =	strace s5  }
0x95: {  	s5 =	sld [smem:$0x3FFC];
	_ =	sdelay $0x3  }
0x96: {  	_ =	strace s5  }
0x97: {  	s5 =	sld [smem:$0x3FFD];
	_ =	sdelay $0x3  }
0x98: {  	_ =	strace s5  }
0x99: {  	_ =	strace $0x8FFFFFFF  }
0x9a: {  	s20 =	sld [smem:$0x3FDB];
	_ =	sdelay $0x1  }
0x9b: {  	s6 =	simm.s32 $_scs_section_size  }
0x9c: {  	s7 =	simm.s32 $_size__tile_overlayer_lowered;
	s8 =	simm.s32 $_tile_overlayer_lowered  }
0x9d: {  	s23 =	simm.s32 $0x1BFF;
	s22 =	sshll.u32 s8, $0x1;
	s5 =	sadd.s32 s6, s20  }
0x9e: {  	s9 =	simm.s32 $0x0;
	s21 =	sshll.u32 s7, $0x1;
	s7 =	sadd.s32 s22, s5  }
0x9f: {  	[timem:s9], [sflag:s23] =	dma.local [hbm:s7], s21  }
0xa0: {  	_ =	swait.ge [sflag:s23], s21  }
0xa1: {  	s6 =	ssub.s32 $0x0, s21;
	[sflag:s23] =	ssyncset.done $0x0  }
0xa2: {  	[sflag:s23] =	ssyncadd.s32 s6;
	_ =	sdelay $0x1  }
0xa3: {  	s24 =	simm.s32 $0x1B8B  }
0xa4: {  	_ =	swait.ge [sflag:s24], $0x1  }
0xa5: {  	[sflag:s24] =	ssyncset.done $0x0  }
0xa6: {  	s25 =	simm.s32 $0x1B8E;
	[sflag:s24] =	ssyncadd.s32 $0xFFFFFFFF  }
0xa7: {  	s26 =	simm.s32 $execute0_lowered;
	[smem:$0x3FD2] =	sst s25  }
0xa8: {  	s6 =	sshll.u32 s26, $0x1;
	_ =	strace $0x80000046;
	[dreg:$0x1] =	wrdreg $0xFFFFFFFF  }
0xa9: {  	s28 =	simm.s32 $_size_execute0_lowered;
	s5 =	sadd.s32 s5, s6;
	[dreg:$0x0] =	wrdreg $0x0  }
0xaa: {  	s6 =	sshll.u32 s28, $0x1;
	[dreg:$0x2] =	wrdreg s5  }
0xab: {  	[dreg:$0x3] =	wrdreg s6  }
0xac: {  	[dreg:$0x4] =	wrdreg $0xC0  }
0xad: {  	_ =	task [dreg:s9], $0x5FFFF  }
0xae: {  	[dreg:$0x1] =	wrdreg $0xFFFFFFFF  }
0xaf: {  	[dreg:$0x0] =	wrdreg $0x60  }
0xb0: {  	[dreg:$0x2] =	wrdreg s2  }
0xb1: {  	[dreg:$0x3] =	wrdreg s19  }
0xb2: {  	[dreg:$0x4] =	wrdreg s4  }
0xb3: {  	[dreg:$0x5] =	wrdreg $0x9  }
0xb4: {  	_ =	task.clear_ibuf [dreg:s9], $0x6FFFF;
	_ =	strace $0x90000046  }
0xb5: {  	s29 =	simm.s32 $0x9;
	_ =	strace $0x80000048  }
0xb6: {  	_ =	swait.ge [sflag:s29], $0x1  }
0xb7: {  	[sflag:s29] =	ssyncadd.s32 $0xFFFFFFFF  }
0xb8: {  	_ =	strace $0x90000048  }
0xb9: {  	_ =	sfence  }
0xba: {  	s30 =	sld [smem:$0x0];
	_ =	sdelay $0x2  }
0xbb: {  	s31 =	sshll.u32 s1, $0xD;
	s1 =	sshrl.u32 s1, $0x2  }
0xbc: {  	s3 =	sand.u32 $0x4000, s31;
	s1 =	sadd.s32 s1, s30  }
0xbd: {  	s0 =	sor.u32 s3, s0;
	s1 =	sshll.u32 s1, $0x11  }
0xbe: {  	s0 =	sor.u32 s1, s0  }
0xbf: {  	s0 =	sadd.s32 $0x8F2B, s0  }
0xc0: {  	[sflag:s0] =	ssyncadd.remote.s32 $0x1  }
0xc1: {  	_ =	sfence.sel $0xFFFF  }
0xc2: {  	[dreg:$0x0] =	wrdreg $0xFFFFFFFF;
	(pc) =	sbr.abs _section_cstart, $3  }
0xc3: {  	[dreg:$0x1] =	wrdreg $0xFFFFFFFF  }
0xc4: {  	_ =	task.clear_ibuf [dreg:s9], $0x2FFFF;
	_ =	strace $0x9FFFFFFF  }
0xc5: {  	(tm) =	ssettm $0x7FFFFFFF  }
tec
execute0_lowered:
.L_overlay_start_1:
0x0: {  	(tag) =	ssettag $0x1  }
0x1: {  	s1 =	rddreg [dreg:$0x0]  }
0x2: {  	s0 =	srdreg.scid;
	s6 =	stileid.u32  }
0x3: {  	s2 =	rddreg [dreg:$0x1];
	s0 =	sand.u32 $0x1, s0;
	s5 =	sshll.u32 s6, $0x1  }
0x4: {  	s4 =	rddreg [dreg:$0x2];
	s6 =	sshll.u32 s6, $0x2;
	s5 =	sor.u32 s0, s5  }
0x5: {  	s3 =	simm.s32 $0x0;
	s6 =	sand.u32 $0x30, s6;
	s7 =	sshll.u32 s5, $0x9  }
0x6: {  	s8 =	smul.u32 $0x18000, s5;
	s1 =	sadd.s32 s1, s6;
	s7 =	sand.u32 $0xE00, s7  }
0x7: {  	[smem:$0x7FF] =	sst s3;
	s1 =	sadd.s32 s7, s1  }
0x8: {  	_ =	strace $0x80000047;
	s21 =	sadd.s32 s4, s8;
	[dreg:$0x4] =	wrdreg s1  }
0x9: {  	s22 =	sadd.s32 $0xC00, s21;
	[smem:$0x7F7] =	sst s21  }
0xa: {  	s23 =	sadd.s32 $0x1800, s21;
	[dreg:$0x5] =	wrdreg s22  }
0xb: {  	s24 =	sadd.s32 $0x2400, s21;
	[dreg:$0x6] =	wrdreg s23  }
0xc: {  	s25 =	sadd.s32 $0x3000, s21;
	[dreg:$0x7] =	wrdreg s24  }
0xd: {  	s26 =	sadd.s32 $0x3C00, s21;
	[dreg:$0x8] =	wrdreg s25  }
0xe: {  	s28 =	sadd.s32 $0x4800, s21;
	[dreg:$0x9] =	wrdreg s26  }
0xf: {  	s5 =	smul.u32 $0xC0000, s5;
	s29 =	sadd.s32 $0x5400, s21;
	[dreg:$0xa] =	wrdreg s28  }
0x10: {  	s30 =	sadd.s32 $0x6000, s21;
	[dreg:$0xb] =	wrdreg s29  }
0x11: {  	s5 =	sshrl.u32 s5, $0x3;
	s31 =	sadd.s32 $0x6C00, s21;
	[dreg:$0xc] =	wrdreg s30  }
0x12: {  	s6 =	sadd.s32 $0x7800, s21;
	s4 =	sadd.s32 s4, s5;
	[dreg:$0xd] =	wrdreg s31  }
0x13: {  	[dreg:$0xe] =	wrdreg s6;
	s7 =	sadd.s32 $0x8400, s4  }
0x14: {  	s8 =	sadd.s32 $0x9000, s4;
	[dreg:$0xf] =	wrdreg s7  }
0x15: {  	s9 =	sadd.s32 $0x9C00, s4;
	[dreg:$0x10] =	wrdreg s8  }
0x16: {  	s10 =	sadd.s32 $0xA800, s4;
	[dreg:$0x11] =	wrdreg s9  }
0x17: {  	s11 =	sadd.s32 $0xB400, s4;
	[dreg:$0x12] =	wrdreg s10  }
0x18: {  	s12 =	sadd.s32 $0xC000, s4;
	[dreg:$0x13] =	wrdreg s11  }
0x19: {  	s13 =	sadd.s32 $0xCC00, s4;
	[dreg:$0x14] =	wrdreg s12  }
0x1a: {  	s14 =	sadd.s32 $0xD800, s4;
	[dreg:$0x15] =	wrdreg s13  }
0x1b: {  	s15 =	sadd.s32 $0xE400, s4;
	[dreg:$0x16] =	wrdreg s14  }
0x1c: {  	s16 =	sadd.s32 $0xF000, s4;
	[dreg:$0x17] =	wrdreg s15  }
0x1d: {  	s17 =	sadd.s32 $0xFC00, s4;
	[dreg:$0x18] =	wrdreg s16  }
0x1e: {  	s18 =	sadd.s32 $0x10800, s4;
	[dreg:$0x19] =	wrdreg s17  }
0x1f: {  	s19 =	sadd.s32 $0x11400, s4;
	[dreg:$0x1a] =	wrdreg s18  }
0x20: {  	s20 =	sadd.s32 $0x12000, s4;
	[dreg:$0x1b] =	wrdreg s19  }
0x21: {  	s21 =	sadd.s32 $0x12C00, s4;
	[dreg:$0x1c] =	wrdreg s20  }
0x22: {  	s22 =	sadd.s32 $0x13800, s4;
	[dreg:$0x1d] =	wrdreg s21  }
0x23: {  	s23 =	sadd.s32 $0x14400, s4;
	[dreg:$0x1e] =	wrdreg s22  }
0x24: {  	s24 =	sadd.s32 $0x15000, s4;
	[dreg:$0x1f] =	wrdreg s23  }
0x25: {  	s0 =	ssub.s32 $0x2, s0;
	s26 =	sadd.s32 $0x15C00, s4;
	[smem:$0x7F8] =	sst s24  }
0x26: {  	s5 =	sadd.s32 $0x100, s2;
	s28 =	sadd.s32 $0x16800, s4;
	[smem:$0x7F9] =	sst s26  }
0x27: {  	s25 =	sshrl.u32 s0, $0x1;
	s29 =	sadd.s32 $0x17400, s4;
	[smem:$0x7FA] =	sst s28  }
0x28: {  	s6 =	sadd.s32 $0x200, s2;
	s30 =	simm.s32 $0x80;
	[smem:$0x7FB] =	sst s29  }
0x29: {  	s31 =	simm.s32 $0x200;
	s0 =	ssub.s32 s0, s25;
	[smem:$0x7FC] =	sst s30  }
0x2a: {  	[smem:$0x7FD] =	sst s31;
	s10 =	simm.s32 $0x1;
	s12 =	simm.s32 $0x2  }
0x2b: {  	v2 =	vlaneseq.u32;
	s13 =	simm.s32 $0x6;
	s14 =	simm.s32 $0x3;
	s15 =	simm.s32 $0x7  }
0x2c: {  	vm0 =	vmmov $0xffff;
	v1 =	vshrl.u32 v2, $0x3;
	s16 =	simm.s32 $0x4;
	s17 =	simm.s32 $0x8;
	s18 =	simm.s32 $0x5  }
0x2d: {  	v0 =	vand.u32 $0x7, v2;
	v2 =	vor.u32 $0x8, v2;
	v1 =	vmul.u32 $0x8, v1;
	s19 =	simm.s32 $0x9;
	s20 =	simm.s32 $0xA;
	s4 =	smax.u32 s0, $0x1  }
.LBB2_1:
0x2e: {  	s23 =	sld [smem:$0x7FC]  }
0x2f: {  	s24 =	sld [smem:$0x7FD];
	_ =	sdelay $0x1  }
0x30: {  	s22 =	rddreg [dreg:$0x4]  }
0x31: {  	[tilespmem:s3], [sflag:$0xB] =	stream.strided.gather [hbm4b:s22+s23], $0x400, s24, s23, $0x38;
	[tilespmem:$0x1E400] =	vst v63  }
0x32: {  	[smem:$0x7F6] =	sst s4;
	s24 =	simm.s32 $0xB  }
0x33: {  	_ =	swait.ge [sflag:s24], $0x400  }
0x34: {  	[sflag:s24] =	ssyncset.done $0x0  }
0x35: {  	[sflag:s24] =	ssyncadd.s32 $0xFFFFFC00  }
0x36: {  	v3 =	vld [tilespmem:$0x0];
	_ =	sdelay $0x4  }
0x37: {  	v4 =	vshrl.u32 v3, $0x3  }
0x38: {  	v4 =	vmul.u32 $0x30, v4  }
0x39: {  	v3 =	vand.u32 $0x7, v3  }
0x3a: {  	v3 =	vor.u32 v3, v4  }
0x3b: {  	v4 =	vperm.xlane v3, v0;
	_ =	sdelay $0x1  }
0x3c: {  	v4 =	vadd.s32 v1, v4;
	_ =	sdelay $0x3  }
0x3d: {  	s0 =	simm.s32 $0x400;
	v3 =	vperm.xlane v3, v2  }
0x3e: {  	[tilespmem:s0], [sflag:$0x1] =	stream.indirect_vreg.gather [hbm4b:s2+s3], $0x80, v4, vm0, $0xb8;
	[tilespmem:$0x1E400] =	vst v63  }
0x3f: {  	s25 =	simm.s32 $0xC00;
	v3 =	vadd.s32 v1, v3  }
0x40: {  	[tilespmem:s25], [sflag:$0x1] =	stream.indirect_vreg.gather [hbm4b:s5+s3], $0x80, v4, vm0, $0xb8;
	[tilespmem:$0x1E400] =	vst v63  }
0x41: {  	s26 =	simm.s32 $0x1400  }
0x42: {  	[tilespmem:s26], [sflag:$0x1] =	stream.indirect_vreg.gather [hbm4b:s6+s3], $0x80, v4, vm0, $0xb8;
	[tilespmem:$0x1E400] =	vst v63  }
0x43: {  	s28 =	simm.s32 $0x1C00  }
0x44: {  	[tilespmem:s28], [sflag:$0x1] =	stream.indirect_vreg.gather [hbm4b:s2+s3], $0x80, v3, vm0, $0xb8;
	[tilespmem:$0x1E400] =	vst v63  }
0x45: {  	s29 =	simm.s32 $0x2400  }
0x46: {  	[tilespmem:s29], [sflag:$0x1] =	stream.indirect_vreg.gather [hbm4b:s5+s3], $0x80, v3, vm0, $0xb8;
	[tilespmem:$0x1E400] =	vst v63  }
0x47: {  	s30 =	simm.s32 $0x2C00  }
0x48: {  	[tilespmem:s30], [sflag:$0x1] =	stream.indirect_vreg.gather [hbm4b:s6+s3], $0x80, v3, vm0, $0xb8;
	[tilespmem:$0x1E400] =	vst v63  }
0x49: {  	v3 =	vld [tilespmem:$0x10];
	_ =	sdelay $0x4  }
0x4a: {  	v57 =	vshrl.u32 v3, $0x3  }
0x4b: {  	v4 =	vmul.u32 $0x30, v57  }
0x4c: {  	v3 =	vand.u32 $0x7, v3  }
0x4d: {  	v3 =	vor.u32 v3, v4  }
0x4e: {  	v4 =	vperm.xlane v3, v0;
	_ =	sdelay $0x1  }
0x4f: {  	v4 =	vadd.s32 v1, v4;
	_ =	sdelay $0x3  }
0x50: {  	s31 =	simm.s32 $0x3400;
	v3 =	vperm.xlane v3, v2  }
0x51: {  	[tilespmem:s31], [sflag:$0x1] =	stream.indirect_vreg.gather [hbm4b:s2+s3], $0x80, v4, vm0, $0xb8;
	[tilespmem:$0x1E400] =	vst v63  }
0x52: {  	s1 =	simm.s32 $0x3C00;
	v3 =	vadd.s32 v1, v3  }
0x53: {  	[tilespmem:s1], [sflag:$0x1] =	stream.indirect_vreg.gather [hbm4b:s5+s3], $0x80, v4, vm0, $0xb8;
	[tilespmem:$0x1E400] =	vst v63  }
0x54: {  	s8 =	simm.s32 $0x4400  }
0x55: {  	[tilespmem:s8], [sflag:$0x1] =	stream.indirect_vreg.gather [hbm4b:s6+s3], $0x80, v4, vm0, $0xb8;
	[tilespmem:$0x1E400] =	vst v63  }
0x56: {  	s9 =	simm.s32 $0x4C00  }
0x57: {  	[tilespmem:s9], [sflag:$0x1] =	stream.indirect_vreg.gather [hbm4b:s2+s3], $0x80, v3, vm0, $0xb8;
	[tilespmem:$0x1E400] =	vst v63  }
0x58: {  	s11 =	simm.s32 $0x5400  }
0x59: {  	[tilespmem:s11], [sflag:$0x1] =	stream.indirect_vreg.gather [hbm4b:s5+s3], $0x80, v3, vm0, $0xb8;
	[tilespmem:$0x1E400] =	vst v63  }
0x5a: {  	s21 =	simm.s32 $0x5C00  }
0x5b: {  	[tilespmem:s21], [sflag:$0x1] =	stream.indirect_vreg.gather [hbm4b:s6+s3], $0x80, v3, vm0, $0xb8;
	[tilespmem:$0x1E400] =	vst v63  }
0x5c: {  	v3 =	vld [tilespmem:$0x20];
	_ =	sdelay $0x4  }
0x5d: {  	v58 =	vshrl.u32 v3, $0x3  }
0x5e: {  	v4 =	vmul.u32 $0x30, v58  }
0x5f: {  	v3 =	vand.u32 $0x7, v3  }
0x60: {  	v3 =	vor.u32 v3, v4  }
0x61: {  	v4 =	vperm.xlane v3, v0;
	_ =	sdelay $0x1  }
0x62: {  	v4 =	vadd.s32 v1, v4;
	_ =	sdelay $0x3  }
0x63: {  	s22 =	simm.s32 $0x6400;
	v3 =	vperm.xlane v3, v2  }
0x64: {  	[tilespmem:s22], [sflag:$0x2] =	stream.indirect_vreg.gather [hbm4b:s2+s3], $0x80, v4, vm0, $0xb8;
	[tilespmem:$0x1E400] =	vst v63  }
0x65: {  	s23 =	simm.s32 $0x6C00;
	v3 =	vadd.s32 v1, v3  }
0x66: {  	[tilespmem:s23], [sflag:$0x2] =	stream.indirect_vreg.gather [hbm4b:s5+s3], $0x80, v4, vm0, $0xb8;
	[tilespmem:$0x1E400] =	vst v63  }
0x67: {  	s24 =	simm.s32 $0x7400  }
0x68: {  	[tilespmem:s24], [sflag:$0x2] =	stream.indirect_vreg.gather [hbm4b:s6+s3], $0x80, v4, vm0, $0xb8;
	[tilespmem:$0x1E400] =	vst v63  }
0x69: {  	s25 =	simm.s32 $0x7C00  }
0x6a: {  	[tilespmem:s25], [sflag:$0x2] =	stream.indirect_vreg.gather [hbm4b:s2+s3], $0x80, v3, vm0, $0xb8;
	[tilespmem:$0x1E400] =	vst v63  }
0x6b: {  	s26 =	simm.s32 $0x8400  }
0x6c: {  	[tilespmem:s26], [sflag:$0x2] =	stream.indirect_vreg.gather [hbm4b:s5+s3], $0x80, v3, vm0, $0xb8;
	[tilespmem:$0x1E400] =	vst v63  }
0x6d: {  	s28 =	simm.s32 $0x8C00  }
0x6e: {  	[tilespmem:s28], [sflag:$0x2] =	stream.indirect_vreg.gather [hbm4b:s6+s3], $0x80, v3, vm0, $0xb8;
	[tilespmem:$0x1E400] =	vst v63  }
0x6f: {  	v3 =	vld [tilespmem:$0x30];
	_ =	sdelay $0x4  }
0x70: {  	v59 =	vshrl.u32 v3, $0x3  }
0x71: {  	v4 =	vmul.u32 $0x30, v59  }
0x72: {  	v3 =	vand.u32 $0x7, v3  }
0x73: {  	v3 =	vor.u32 v3, v4  }
0x74: {  	v4 =	vperm.xlane v3, v0;
	_ =	sdelay $0x1  }
0x75: {  	v4 =	vadd.s32 v1, v4;
	_ =	sdelay $0x3  }
0x76: {  	s30 =	simm.s32 $0x9400;
	v3 =	vperm.xlane v3, v2  }
0x77: {  	[tilespmem:s30], [sflag:$0x2] =	stream.indirect_vreg.gather [hbm4b:s2+s3], $0x80, v4, vm0, $0xb8;
	[tilespmem:$0x1E400] =	vst v63  }
0x78: {  	s31 =	simm.s32 $0x9C00;
	v3 =	vadd.s32 v1, v3  }
0x79: {  	[tilespmem:s31], [sflag:$0x2] =	stream.indirect_vreg.gather [hbm4b:s5+s3], $0x80, v4, vm0, $0xb8;
	[tilespmem:$0x1E400] =	vst v63  }
0x7a: {  	s8 =	simm.s32 $0xA400  }
0x7b: {  	[tilespmem:s8], [sflag:$0x2] =	stream.indirect_vreg.gather [hbm4b:s6+s3], $0x80, v4, vm0, $0xb8;
	[tilespmem:$0x1E400] =	vst v63  }
0x7c: {  	s9 =	simm.s32 $0xAC00  }
0x7d: {  	[tilespmem:s9], [sflag:$0x2] =	stream.indirect_vreg.gather [hbm4b:s2+s3], $0x80, v3, vm0, $0xb8;
	[tilespmem:$0x1E400] =	vst v63  }
0x7e: {  	s11 =	simm.s32 $0xB400  }
0x7f: {  	[tilespmem:s11], [sflag:$0x2] =	stream.indirect_vreg.gather [hbm4b:s5+s3], $0x80, v3, vm0, $0xb8;
	[tilespmem:$0x1E400] =	vst v63  }
0x80: {  	s21 =	simm.s32 $0xBC00  }
0x81: {  	[tilespmem:s21], [sflag:$0x2] =	stream.indirect_vreg.gather [hbm4b:s6+s3], $0x80, v3, vm0, $0xb8;
	[tilespmem:$0x1E400] =	vst v63  }
0x82: {  	v3 =	vld [tilespmem:$0x40];
	_ =	sdelay $0x4  }
0x83: {  	v60 =	vshrl.u32 v3, $0x3  }
0x84: {  	v4 =	vmul.u32 $0x30, v60  }
0x85: {  	v3 =	vand.u32 $0x7, v3  }
0x86: {  	v3 =	vor.u32 v3, v4  }
0x87: {  	v4 =	vperm.xlane v3, v0;
	_ =	sdelay $0x1  }
0x88: {  	v4 =	vadd.s32 v1, v4;
	_ =	sdelay $0x3  }
0x89: {  	s22 =	simm.s32 $0xC400;
	v3 =	vperm.xlane v3, v2  }
0x8a: {  	[tilespmem:s22], [sflag:$0x3] =	stream.indirect_vreg.gather [hbm4b:s2+s3], $0x80, v4, vm0, $0xb8;
	[tilespmem:$0x1E400] =	vst v63  }
0x8b: {  	s23 =	simm.s32 $0xCC00;
	v3 =	vadd.s32 v1, v3  }
0x8c: {  	[tilespmem:s23], [sflag:$0x3] =	stream.indirect_vreg.gather [hbm4b:s5+s3], $0x80, v4, vm0, $0xb8;
	[tilespmem:$0x1E400] =	vst v63  }
0x8d: {  	s24 =	simm.s32 $0xD400  }
0x8e: {  	[tilespmem:s24], [sflag:$0x3] =	stream.indirect_vreg.gather [hbm4b:s6+s3], $0x80, v4, vm0, $0xb8;
	[tilespmem:$0x1E400] =	vst v63  }
0x8f: {  	s25 =	simm.s32 $0xDC00  }
0x90: {  	[tilespmem:s25], [sflag:$0x3] =	stream.indirect_vreg.gather [hbm4b:s2+s3], $0x80, v3, vm0, $0xb8;
	[tilespmem:$0x1E400] =	vst v63  }
0x91: {  	s26 =	simm.s32 $0xE400  }
0x92: {  	[tilespmem:s26], [sflag:$0x3] =	stream.indirect_vreg.gather [hbm4b:s5+s3], $0x80, v3, vm0, $0xb8;
	[tilespmem:$0x1E400] =	vst v63  }
0x93: {  	s28 =	simm.s32 $0xEC00  }
0x94: {  	[tilespmem:s28], [sflag:$0x3] =	stream.indirect_vreg.gather [hbm4b:s6+s3], $0x80, v3, vm0, $0xb8;
	[tilespmem:$0x1E400] =	vst v63  }
0x95: {  	v3 =	vld [tilespmem:$0x50];
	_ =	sdelay $0x4  }
0x96: {  	v61 =	vshrl.u32 v3, $0x3  }
0x97: {  	v4 =	vmul.u32 $0x30, v61  }
0x98: {  	v3 =	vand.u32 $0x7, v3  }
0x99: {  	v3 =	vor.u32 v3, v4  }
0x9a: {  	v4 =	vperm.xlane v3, v0;
	_ =	sdelay $0x1  }
0x9b: {  	v4 =	vadd.s32 v1, v4;
	_ =	sdelay $0x3  }
0x9c: {  	s30 =	simm.s32 $0xF400;
	v3 =	vperm.xlane v3, v2  }
0x9d: {  	[tilespmem:s30], [sflag:$0x3] =	stream.indirect_vreg.gather [hbm4b:s2+s3], $0x80, v4, vm0, $0xb8;
	[tilespmem:$0x1E400] =	vst v63  }
0x9e: {  	s31 =	simm.s32 $0xFC00;
	v3 =	vadd.s32 v1, v3  }
0x9f: {  	[tilespmem:s31], [sflag:$0x3] =	stream.indirect_vreg.gather [hbm4b:s5+s3], $0x80, v4, vm0, $0xb8;
	[tilespmem:$0x1E400] =	vst v63  }
0xa0: {  	s8 =	simm.s32 $0x10400  }
0xa1: {  	[tilespmem:s8], [sflag:$0x3] =	stream.indirect_vreg.gather [hbm4b:s6+s3], $0x80, v4, vm0, $0xb8;
	[tilespmem:$0x1E400] =	vst v63  }
0xa2: {  	s9 =	simm.s32 $0x10C00  }
0xa3: {  	[tilespmem:s9], [sflag:$0x3] =	stream.indirect_vreg.gather [hbm4b:s2+s3], $0x80, v3, vm0, $0xb8;
	[tilespmem:$0x1E400] =	vst v63  }
0xa4: {  	s22 =	simm.s32 $0x11400  }
0xa5: {  	[tilespmem:s22], [sflag:$0x3] =	stream.indirect_vreg.gather [hbm4b:s5+s3], $0x80, v3, vm0, $0xb8;
	[tilespmem:$0x1E400] =	vst v63  }
0xa6: {  	s23 =	simm.s32 $0x11C00  }
0xa7: {  	[tilespmem:s23], [sflag:$0x3] =	stream.indirect_vreg.gather [hbm4b:s6+s3], $0x80, v3, vm0, $0xb8;
	[tilespmem:$0x1E400] =	vst v63  }
0xa8: {  	v3 =	vld [tilespmem:$0x60];
	_ =	sdelay $0x4  }
0xa9: {  	v62 =	vshrl.u32 v3, $0x3  }
0xaa: {  	v4 =	vmul.u32 $0x30, v62  }
0xab: {  	v3 =	vand.u32 $0x7, v3  }
0xac: {  	v3 =	vor.u32 v3, v4  }
0xad: {  	v4 =	vperm.xlane v3, v0;
	_ =	sdelay $0x1  }
0xae: {  	v4 =	vadd.s32 v1, v4;
	_ =	sdelay $0x3  }
0xaf: {  	s24 =	simm.s32 $0x12400;
	v3 =	vperm.xlane v3, v2  }
0xb0: {  	[tilespmem:s24], [sflag:$0x4] =	stream.indirect_vreg.gather [hbm4b:s2+s3], $0x80, v4, vm0, $0xb8;
	[tilespmem:$0x1E400] =	vst v63  }
0xb1: {  	s25 =	simm.s32 $0x12C00;
	v3 =	vadd.s32 v1, v3  }
0xb2: {  	[tilespmem:s25], [sflag:$0x4] =	stream.indirect_vreg.gather [hbm4b:s5+s3], $0x80, v4, vm0, $0xb8;
	[tilespmem:$0x1E400] =	vst v63  }
0xb3: {  	s26 =	simm.s32 $0x13400  }
0xb4: {  	[tilespmem:s26], [sflag:$0x4] =	stream.indirect_vreg.gather [hbm4b:s6+s3], $0x80, v4, vm0, $0xb8;
	[tilespmem:$0x1E400] =	vst v63  }
0xb5: {  	s28 =	simm.s32 $0x13C00  }
0xb6: {  	[tilespmem:s28], [sflag:$0x4] =	stream.indirect_vreg.gather [hbm4b:s2+s3], $0x80, v3, vm0, $0xb8;
	[tilespmem:$0x1E400] =	vst v63  }
0xb7: {  	s30 =	simm.s32 $0x14400  }
0xb8: {  	[tilespmem:s30], [sflag:$0x4] =	stream.indirect_vreg.gather [hbm4b:s5+s3], $0x80, v3, vm0, $0xb8;
	[tilespmem:$0x1E400] =	vst v63  }
0xb9: {  	s31 =	simm.s32 $0x14C00  }
0xba: {  	[tilespmem:s31], [sflag:$0x4] =	stream.indirect_vreg.gather [hbm4b:s6+s3], $0x80, v3, vm0, $0xb8;
	[tilespmem:$0x1E400] =	vst v63  }
0xbb: {  	v3 =	vld [tilespmem:$0x70];
	_ =	sdelay $0x4  }
0xbc: {  	v63 =	vshrl.u32 v3, $0x3  }
0xbd: {  	v4 =	vmul.u32 $0x30, v63  }
0xbe: {  	v3 =	vand.u32 $0x7, v3  }
0xbf: {  	v3 =	vor.u32 v3, v4  }
0xc0: {  	v4 =	vperm.xlane v3, v0;
	_ =	sdelay $0x1  }
0xc1: {  	v4 =	vadd.s32 v1, v4;
	_ =	sdelay $0x3  }
0xc2: {  	s8 =	simm.s32 $0x15400;
	v3 =	vperm.xlane v3, v2  }
0xc3: {  	[tilespmem:s8], [sflag:$0x4] =	stream.indirect_vreg.gather [hbm4b:s2+s3], $0x80, v4, vm0, $0xb8;
	[tilespmem:$0x1E400] =	vst v63  }
0xc4: {  	s9 =	simm.s32 $0x15C00;
	v3 =	vadd.s32 v1, v3  }
0xc5: {  	[tilespmem:s9], [sflag:$0x4] =	stream.indirect_vreg.gather [hbm4b:s5+s3], $0x80, v4, vm0, $0xb8;
	[tilespmem:$0x1E400] =	vst v63  }
0xc6: {  	s22 =	simm.s32 $0x16400  }
0xc7: {  	[tilespmem:s22], [sflag:$0x4] =	stream.indirect_vreg.gather [hbm4b:s6+s3], $0x80, v4, vm0, $0xb8;
	[tilespmem:$0x1E400] =	vst v63  }
0xc8: {  	s24 =	simm.s32 $0x16C00  }
0xc9: {  	[tilespmem:s24], [sflag:$0x4] =	stream.indirect_vreg.gather [hbm4b:s2+s3], $0x80, v3, vm0, $0xb8;
	[tilespmem:$0x1E400] =	vst v63  }
0xca: {  	s25 =	simm.s32 $0x17400  }
0xcb: {  	[tilespmem:s25], [sflag:$0x4] =	stream.indirect_vreg.gather [hbm4b:s5+s3], $0x80, v3, vm0, $0xb8;
	[tilespmem:$0x1E400] =	vst v63  }
0xcc: {  	s26 =	simm.s32 $0x17C00  }
0xcd: {  	[tilespmem:s26], [sflag:$0x4] =	stream.indirect_vreg.gather [hbm4b:s6+s3], $0x80, v3, vm0, $0xb8;
	[tilespmem:$0x1E400] =	vst v63  }
0xce: {  	_ =	swait.ge [sflag:s10], $0x6000  }
0xcf: {  	s28 =	sld [smem:$0x7F7]  }
0xd0: {  	[sflag:s10] =	ssyncset.done $0x0  }
0xd1: {  	s7 =	simm.s32 $0x400;
	[sflag:s10] =	ssyncadd.s32 $0xFFFFA000  }
0xd2: {  	[hbm4b:s28+s3] =	stream.linear.scatter [tilespmem:s7], [sflag:$0x6], $0x6000, $0x38;
	[tilespmem:$0x1E400] =	vst v63  }
0xd3: {  	v3 =	vld [tilespmem:$0x80];
	_ =	sdelay $0x4  }
0xd4: {  	v8 =	vshrl.u32 v3, $0x3  }
0xd5: {  	v4 =	vmul.u32 $0x30, v8  }
0xd6: {  	v3 =	vand.u32 $0x7, v3  }
0xd7: {  	v3 =	vor.u32 v3, v4  }
0xd8: {  	v4 =	vperm.xlane v3, v0;
	_ =	sdelay $0x1  }
0xd9: {  	v4 =	vadd.s32 v1, v4;
	_ =	sdelay $0x3  }
0xda: {  	s30 =	simm.s32 $0x18400;
	v3 =	vperm.xlane v3, v2  }
0xdb: {  	[tilespmem:s30], [sflag:$0x5] =	stream.indirect_vreg.gather [hbm4b:s2+s3], $0x80, v4, vm0, $0xb8;
	[tilespmem:$0x1E400] =	vst v63  }
0xdc: {  	s31 =	simm.s32 $0x18C00;
	v3 =	vadd.s32 v1, v3  }
0xdd: {  	[tilespmem:s31], [sflag:$0x5] =	stream.indirect_vreg.gather [hbm4b:s5+s3], $0x80, v4, vm0, $0xb8;
	[tilespmem:$0x1E400] =	vst v63  }
0xde: {  	s8 =	simm.s32 $0x19400  }
0xdf: {  	[tilespmem:s8], [sflag:$0x5] =	stream.indirect_vreg.gather [hbm4b:s6+s3], $0x80, v4, vm0, $0xb8;
	[tilespmem:$0x1E400] =	vst v63  }
0xe0: {  	s9 =	simm.s32 $0x19C00  }
0xe1: {  	[tilespmem:s9], [sflag:$0x5] =	stream.indirect_vreg.gather [hbm4b:s2+s3], $0x80, v3, vm0, $0xb8;
	[tilespmem:$0x1E400] =	vst v63  }
0xe2: {  	s22 =	simm.s32 $0x1A400  }
0xe3: {  	[tilespmem:s22], [sflag:$0x5] =	stream.indirect_vreg.gather [hbm4b:s5+s3], $0x80, v3, vm0, $0xb8;
	[tilespmem:$0x1E400] =	vst v63  }
0xe4: {  	s24 =	simm.s32 $0x1AC00  }
0xe5: {  	[tilespmem:s24], [sflag:$0x5] =	stream.indirect_vreg.gather [hbm4b:s6+s3], $0x80, v3, vm0, $0xb8;
	[tilespmem:$0x1E400] =	vst v63  }
0xe6: {  	v3 =	vld [tilespmem:$0x90];
	_ =	sdelay $0x4  }
0xe7: {  	v9 =	vshrl.u32 v3, $0x3  }
0xe8: {  	v4 =	vmul.u32 $0x30, v9  }
0xe9: {  	v3 =	vand.u32 $0x7, v3  }
0xea: {  	v3 =	vor.u32 v3, v4  }
0xeb: {  	v4 =	vperm.xlane v3, v0;
	_ =	sdelay $0x1  }
0xec: {  	v4 =	vadd.s32 v1, v4;
	_ =	sdelay $0x3  }
0xed: {  	s25 =	simm.s32 $0x1B400;
	v3 =	vperm.xlane v3, v2  }
0xee: {  	[tilespmem:s25], [sflag:$0x5] =	stream.indirect_vreg.gather [hbm4b:s2+s3], $0x80, v4, vm0, $0xb8;
	[tilespmem:$0x1E400] =	vst v63  }
0xef: {  	s26 =	simm.s32 $0x1BC00;
	v3 =	vadd.s32 v1, v3  }
0xf0: {  	[tilespmem:s26], [sflag:$0x5] =	stream.indirect_vreg.gather [hbm4b:s5+s3], $0x80, v4, vm0, $0xb8;
	[tilespmem:$0x1E400] =	vst v63  }
0xf1: {  	s28 =	simm.s32 $0x1C400  }
0xf2: {  	[tilespmem:s28], [sflag:$0x5] =	stream.indirect_vreg.gather [hbm4b:s6+s3], $0x80, v4, vm0, $0xb8;
	[tilespmem:$0x1E400] =	vst v63  }
0xf3: {  	s30 =	simm.s32 $0x1CC00  }
0xf4: {  	[tilespmem:s30], [sflag:$0x5] =	stream.indirect_vreg.gather [hbm4b:s2+s3], $0x80, v3, vm0, $0xb8;
	[tilespmem:$0x1E400] =	vst v63  }
0xf5: {  	s31 =	simm.s32 $0x1D400  }
0xf6: {  	[tilespmem:s31], [sflag:$0x5] =	stream.indirect_vreg.gather [hbm4b:s5+s3], $0x80, v3, vm0, $0xb8;
	[tilespmem:$0x1E400] =	vst v63  }
0xf7: {  	s8 =	simm.s32 $0x1DC00  }
0xf8: {  	[tilespmem:s8], [sflag:$0x5] =	stream.indirect_vreg.gather [hbm4b:s6+s3], $0x80, v3, vm0, $0xb8;
	[tilespmem:$0x1E400] =	vst v63  }
0xf9: {  	_ =	swait.ge [sflag:s12], $0x6000  }
0xfa: {  	[sflag:s12] =	ssyncset.done $0x0  }
0xfb: {  	s24 =	simm.s32 $0x6400;
	s9 =	rddreg [dreg:$0x5];
	[sflag:s12] =	ssyncadd.s32 $0xFFFFA000  }
0xfc: {  	[hbm4b:s9+s3] =	stream.linear.scatter [tilespmem:s24], [sflag:$0x7], $0x6000, $0x38;
	[tilespmem:$0x1E400] =	vst v63  }
0xfd: {  	_ =	swait.ge [sflag:s13], $0x6000  }
0xfe: {  	[sflag:s13] =	ssyncset.done $0x0  }
0xff: {  	[sflag:s13] =	ssyncadd.s32 $0xFFFFA000  }
0x100: {  	v3 =	vld [tilespmem:$0xA0];
	_ =	sdelay $0x4  }
0x101: {  	v10 =	vshrl.u32 v3, $0x3  }
0x102: {  	v4 =	vmul.u32 $0x30, v10  }
0x103: {  	v3 =	vand.u32 $0x7, v3  }
0x104: {  	v3 =	vor.u32 v3, v4  }
0x105: {  	v4 =	vperm.xlane v3, v0;
	_ =	sdelay $0x1  }
0x106: {  	v4 =	vadd.s32 v1, v4;
	_ =	sdelay $0x3  }
0x107: {  	v3 =	vperm.xlane v3, v2  }
0x108: {  	[tilespmem:s7], [sflag:$0x1] =	stream.indirect_vreg.gather [hbm4b:s2+s3], $0x80, v4, vm0, $0xb8;
	[tilespmem:$0x1E400] =	vst v63  }
0x109: {  	v3 =	vadd.s32 v1, v3;
	s7 =	simm.s32 $0xC00  }
0x10a: {  	[tilespmem:s7], [sflag:$0x1] =	stream.indirect_vreg.gather [hbm4b:s5+s3], $0x80, v4, vm0, $0xb8;
	[tilespmem:$0x1E400] =	vst v63  }
0x10b: {  	s25 =	simm.s32 $0x1400  }
0x10c: {  	[tilespmem:s25], [sflag:$0x1] =	stream.indirect_vreg.gather [hbm4b:s6+s3], $0x80, v4, vm0, $0xb8;
	[tilespmem:$0x1E400] =	vst v63  }
0x10d: {  	s26 =	simm.s32 $0x1C00  }
0x10e: {  	[tilespmem:s26], [sflag:$0x1] =	stream.indirect_vreg.gather [hbm4b:s2+s3], $0x80, v3, vm0, $0xb8;
	[tilespmem:$0x1E400] =	vst v63  }
0x10f: {  	s28 =	simm.s32 $0x2400  }
0x110: {  	[tilespmem:s28], [sflag:$0x1] =	stream.indirect_vreg.gather [hbm4b:s5+s3], $0x80, v3, vm0, $0xb8;
	[tilespmem:$0x1E400] =	vst v63  }
0x111: {  	s4 =	simm.s32 $0x2C00  }
0x112: {  	[tilespmem:s4], [sflag:$0x1] =	stream.indirect_vreg.gather [hbm4b:s6+s3], $0x80, v3, vm0, $0xb8;
	[tilespmem:$0x1E400] =	vst v63  }
0x113: {  	v3 =	vld [tilespmem:$0xB0];
	_ =	sdelay $0x4  }
0x114: {  	v11 =	vshrl.u32 v3, $0x3  }
0x115: {  	v4 =	vmul.u32 $0x30, v11  }
0x116: {  	v3 =	vand.u32 $0x7, v3  }
0x117: {  	v3 =	vor.u32 v3, v4  }
0x118: {  	v4 =	vperm.xlane v3, v0;
	_ =	sdelay $0x1  }
0x119: {  	v4 =	vadd.s32 v1, v4;
	_ =	sdelay $0x3  }
0x11a: {  	s29 =	simm.s32 $0x3400;
	v3 =	vperm.xlane v3, v2  }
0x11b: {  	[tilespmem:s29], [sflag:$0x1] =	stream.indirect_vreg.gather [hbm4b:s2+s3], $0x80, v4, vm0, $0xb8;
	[tilespmem:$0x1E400] =	vst v63  }
0x11c: {  	v3 =	vadd.s32 v1, v3;
	s29 =	simm.s32 $0x3C00  }
0x11d: {  	[tilespmem:s29], [sflag:$0x1] =	stream.indirect_vreg.gather [hbm4b:s5+s3], $0x80, v4, vm0, $0xb8;
	[tilespmem:$0x1E400] =	vst v63  }
0x11e: {  	s30 =	simm.s32 $0x4400  }
0x11f: {  	[tilespmem:s30], [sflag:$0x1] =	stream.indirect_vreg.gather [hbm4b:s6+s3], $0x80, v4, vm0, $0xb8;
	[tilespmem:$0x1E400] =	vst v63  }
0x120: {  	s31 =	simm.s32 $0x4C00  }
0x121: {  	[tilespmem:s31], [sflag:$0x1] =	stream.indirect_vreg.gather [hbm4b:s2+s3], $0x80, v3, vm0, $0xb8;
	[tilespmem:$0x1E400] =	vst v63  }
0x122: {  	s31 =	simm.s32 $0x5400  }
0x123: {  	[tilespmem:s31], [sflag:$0x1] =	stream.indirect_vreg.gather [hbm4b:s5+s3], $0x80, v3, vm0, $0xb8;
	[tilespmem:$0x1E400] =	vst v63  }
0x124: {  	s9 =	simm.s32 $0x5C00  }
0x125: {  	[tilespmem:s9], [sflag:$0x1] =	stream.indirect_vreg.gather [hbm4b:s6+s3], $0x80, v3, vm0, $0xb8;
	[tilespmem:$0x1E400] =	vst v63  }
0x126: {  	_ =	swait.ge [sflag:s14], $0x6000  }
0x127: {  	[sflag:s14] =	ssyncset.done $0x0  }
0x128: {  	s8 =	simm.s32 $0xC400;
	s4 =	rddreg [dreg:$0x6];
	[sflag:s14] =	ssyncadd.s32 $0xFFFFA000  }
0x129: {  	[hbm4b:s4+s3] =	stream.linear.scatter [tilespmem:s8], [sflag:$0x8], $0x6000, $0x38;
	[tilespmem:$0x1E400] =	vst v63  }
0x12a: {  	_ =	swait.ge [sflag:s15], $0x6000  }
0x12b: {  	[sflag:s15] =	ssyncset.done $0x0  }
0x12c: {  	[sflag:s15] =	ssyncadd.s32 $0xFFFFA000  }
0x12d: {  	v3 =	vld [tilespmem:$0xC0];
	_ =	sdelay $0x4  }
0x12e: {  	v12 =	vshrl.u32 v3, $0x3  }
0x12f: {  	v4 =	vmul.u32 $0x30, v12  }
0x130: {  	v3 =	vand.u32 $0x7, v3  }
0x131: {  	v3 =	vor.u32 v3, v4  }
0x132: {  	v4 =	vperm.xlane v3, v0;
	_ =	sdelay $0x1  }
0x133: {  	v4 =	vadd.s32 v1, v4;
	_ =	sdelay $0x3  }
0x134: {  	v3 =	vperm.xlane v3, v2  }
0x135: {  	[tilespmem:s24], [sflag:$0x2] =	stream.indirect_vreg.gather [hbm4b:s2+s3], $0x80, v4, vm0, $0xb8;
	[tilespmem:$0x1E400] =	vst v63  }
0x136: {  	v3 =	vadd.s32 v1, v3;
	s24 =	simm.s32 $0x6C00  }
0x137: {  	[tilespmem:s24], [sflag:$0x2] =	stream.indirect_vreg.gather [hbm4b:s5+s3], $0x80, v4, vm0, $0xb8;
	[tilespmem:$0x1E400] =	vst v63  }
0x138: {  	s22 =	simm.s32 $0x7400  }
0x139: {  	[tilespmem:s22], [sflag:$0x2] =	stream.indirect_vreg.gather [hbm4b:s6+s3], $0x80, v4, vm0, $0xb8;
	[tilespmem:$0x1E400] =	vst v63  }
0x13a: {  	s4 =	simm.s32 $0x7C00  }
0x13b: {  	[tilespmem:s4], [sflag:$0x2] =	stream.indirect_vreg.gather [hbm4b:s2+s3], $0x80, v3, vm0, $0xb8;
	[tilespmem:$0x1E400] =	vst v63  }
0x13c: {  	s22 =	simm.s32 $0x8400  }
0x13d: {  	[tilespmem:s22], [sflag:$0x2] =	stream.indirect_vreg.gather [hbm4b:s5+s3], $0x80, v3, vm0, $0xb8;
	[tilespmem:$0x1E400] =	vst v63  }
0x13e: {  	s4 =	simm.s32 $0x8C00  }
0x13f: {  	[tilespmem:s4], [sflag:$0x2] =	stream.indirect_vreg.gather [hbm4b:s6+s3], $0x80, v3, vm0, $0xb8;
	[tilespmem:$0x1E400] =	vst v63  }
0x140: {  	v3 =	vld [tilespmem:$0xD0];
	_ =	sdelay $0x4  }
0x141: {  	v13 =	vshrl.u32 v3, $0x3  }
0x142: {  	v4 =	vmul.u32 $0x30, v13  }
0x143: {  	v3 =	vand.u32 $0x7, v3  }
0x144: {  	v3 =	vor.u32 v3, v4  }
0x145: {  	v4 =	vperm.xlane v3, v0;
	_ =	sdelay $0x1  }
0x146: {  	v4 =	vadd.s32 v1, v4;
	_ =	sdelay $0x3  }
0x147: {  	s1 =	simm.s32 $0x9400;
	v3 =	vperm.xlane v3, v2  }
0x148: {  	[tilespmem:s1], [sflag:$0x2] =	stream.indirect_vreg.gather [hbm4b:s2+s3], $0x80, v4, vm0, $0xb8;
	[tilespmem:$0x1E400] =	vst v63  }
0x149: {  	s22 =	simm.s32 $0x9C00;
	v3 =	vadd.s32 v1, v3  }
0x14a: {  	[tilespmem:s22], [sflag:$0x2] =	stream.indirect_vreg.gather [hbm4b:s5+s3], $0x80, v4, vm0, $0xb8;
	[tilespmem:$0x1E400] =	vst v63  }
0x14b: {  	s1 =	simm.s32 $0xA400  }
0x14c: {  	[tilespmem:s1], [sflag:$0x2] =	stream.indirect_vreg.gather [hbm4b:s6+s3], $0x80, v4, vm0, $0xb8;
	[tilespmem:$0x1E400] =	vst v63  }
0x14d: {  	s4 =	simm.s32 $0xAC00  }
0x14e: {  	[tilespmem:s4], [sflag:$0x2] =	stream.indirect_vreg.gather [hbm4b:s2+s3], $0x80, v3, vm0, $0xb8;
	[tilespmem:$0x1E400] =	vst v63  }
0x14f: {  	s22 =	simm.s32 $0xB400  }
0x150: {  	[tilespmem:s22], [sflag:$0x2] =	stream.indirect_vreg.gather [hbm4b:s5+s3], $0x80, v3, vm0, $0xb8;
	[tilespmem:$0x1E400] =	vst v63  }
0x151: {  	s1 =	simm.s32 $0xBC00  }
0x152: {  	[tilespmem:s1], [sflag:$0x2] =	stream.indirect_vreg.gather [hbm4b:s6+s3], $0x80, v3, vm0, $0xb8;
	[tilespmem:$0x1E400] =	vst v63  }
0x153: {  	_ =	swait.ge [sflag:s16], $0x6000  }
0x154: {  	[sflag:s16] =	ssyncset.done $0x0  }
0x155: {  	s1 =	simm.s32 $0x12400;
	s4 =	rddreg [dreg:$0x7];
	[sflag:s16] =	ssyncadd.s32 $0xFFFFA000  }
0x156: {  	[hbm4b:s4+s3] =	stream.linear.scatter [tilespmem:s1], [sflag:$0x9], $0x6000, $0x38;
	[tilespmem:$0x1E400] =	vst v63  }
0x157: {  	_ =	swait.ge [sflag:s17], $0x6000  }
0x158: {  	[sflag:s17] =	ssyncset.done $0x0  }
0x159: {  	[sflag:s17] =	ssyncadd.s32 $0xFFFFA000  }
0x15a: {  	v3 =	vld [tilespmem:$0xE0];
	_ =	sdelay $0x4  }
0x15b: {  	v14 =	vshrl.u32 v3, $0x3  }
0x15c: {  	v4 =	vmul.u32 $0x30, v14  }
0x15d: {  	v3 =	vand.u32 $0x7, v3  }
0x15e: {  	v3 =	vor.u32 v3, v4  }
0x15f: {  	v4 =	vperm.xlane v3, v0;
	_ =	sdelay $0x1  }
0x160: {  	v4 =	vadd.s32 v1, v4;
	_ =	sdelay $0x3  }
0x161: {  	v3 =	vperm.xlane v3, v2  }
0x162: {  	[tilespmem:s8], [sflag:$0x3] =	stream.indirect_vreg.gather [hbm4b:s2+s3], $0x80, v4, vm0, $0xb8;
	[tilespmem:$0x1E400] =	vst v63  }
0x163: {  	v3 =	vadd.s32 v1, v3;
	s8 =	simm.s32 $0xCC00  }
0x164: {  	[tilespmem:s8], [sflag:$0x3] =	stream.indirect_vreg.gather [hbm4b:s5+s3], $0x80, v4, vm0, $0xb8;
	[tilespmem:$0x1E400] =	vst v63  }
0x165: {  	s22 =	simm.s32 $0xD400  }
0x166: {  	[tilespmem:s22], [sflag:$0x3] =	stream.indirect_vreg.gather [hbm4b:s6+s3], $0x80, v4, vm0, $0xb8;
	[tilespmem:$0x1E400] =	vst v63  }
0x167: {  	s4 =	simm.s32 $0xDC00  }
0x168: {  	[tilespmem:s4], [sflag:$0x3] =	stream.indirect_vreg.gather [hbm4b:s2+s3], $0x80, v3, vm0, $0xb8;
	[tilespmem:$0x1E400] =	vst v63  }
0x169: {  	s8 =	simm.s32 $0xE400  }
0x16a: {  	[tilespmem:s8], [sflag:$0x3] =	stream.indirect_vreg.gather [hbm4b:s5+s3], $0x80, v3, vm0, $0xb8;
	[tilespmem:$0x1E400] =	vst v63  }
0x16b: {  	s11 =	simm.s32 $0xEC00  }
0x16c: {  	[tilespmem:s11], [sflag:$0x3] =	stream.indirect_vreg.gather [hbm4b:s6+s3], $0x80, v3, vm0, $0xb8;
	[tilespmem:$0x1E400] =	vst v63  }
0x16d: {  	v3 =	vld [tilespmem:$0xF0];
	_ =	sdelay $0x4  }
0x16e: {  	v15 =	vshrl.u32 v3, $0x3  }
0x16f: {  	v4 =	vmul.u32 $0x30, v15  }
0x170: {  	v3 =	vand.u32 $0x7, v3  }
0x171: {  	v3 =	vor.u32 v3, v4  }
0x172: {  	v4 =	vperm.xlane v3, v0;
	_ =	sdelay $0x1  }
0x173: {  	v4 =	vadd.s32 v1, v4;
	_ =	sdelay $0x3  }
0x174: {  	s21 =	simm.s32 $0xF400;
	v3 =	vperm.xlane v3, v2  }
0x175: {  	[tilespmem:s21], [sflag:$0x3] =	stream.indirect_vreg.gather [hbm4b:s2+s3], $0x80, v4, vm0, $0xb8;
	[tilespmem:$0x1E400] =	vst v63  }
0x176: {  	v3 =	vadd.s32 v1, v3;
	s21 =	simm.s32 $0xFC00  }
0x177: {  	[tilespmem:s21], [sflag:$0x3] =	stream.indirect_vreg.gather [hbm4b:s5+s3], $0x80, v4, vm0, $0xb8;
	[tilespmem:$0x1E400] =	vst v63  }
0x178: {  	s22 =	simm.s32 $0x10400  }
0x179: {  	[tilespmem:s22], [sflag:$0x3] =	stream.indirect_vreg.gather [hbm4b:s6+s3], $0x80, v4, vm0, $0xb8;
	[tilespmem:$0x1E400] =	vst v63  }
0x17a: {  	s4 =	simm.s32 $0x10C00  }
0x17b: {  	[tilespmem:s4], [sflag:$0x3] =	stream.indirect_vreg.gather [hbm4b:s2+s3], $0x80, v3, vm0, $0xb8;
	[tilespmem:$0x1E400] =	vst v63  }
0x17c: {  	s8 =	simm.s32 $0x11400  }
0x17d: {  	[tilespmem:s8], [sflag:$0x3] =	stream.indirect_vreg.gather [hbm4b:s5+s3], $0x80, v3, vm0, $0xb8;
	[tilespmem:$0x1E400] =	vst v63  }
0x17e: {  	s23 =	simm.s32 $0x11C00  }
0x17f: {  	[tilespmem:s23], [sflag:$0x3] =	stream.indirect_vreg.gather [hbm4b:s6+s3], $0x80, v3, vm0, $0xb8;
	[tilespmem:$0x1E400] =	vst v63  }
0x180: {  	_ =	swait.ge [sflag:s18], $0x6000  }
0x181: {  	[sflag:s18] =	ssyncset.done $0x0  }
0x182: {  	s8 =	simm.s32 $0x18400;
	s11 =	rddreg [dreg:$0x8];
	[sflag:s18] =	ssyncadd.s32 $0xFFFFA000  }
0x183: {  	[hbm4b:s11+s3] =	stream.linear.scatter [tilespmem:s8], [sflag:$0xA], $0x6000, $0x38;
	[tilespmem:$0x1E400] =	vst v63  }
0x184: {  	_ =	swait.ge [sflag:s19], $0x6000  }
0x185: {  	[sflag:s19] =	ssyncset.done $0x0  }
0x186: {  	[sflag:s19] =	ssyncadd.s32 $0xFFFFA000  }
0x187: {  	v3 =	vld [tilespmem:$0x100];
	_ =	sdelay $0x4  }
0x188: {  	v16 =	vshrl.u32 v3, $0x3  }
0x189: {  	v4 =	vmul.u32 $0x30, v16  }
0x18a: {  	v3 =	vand.u32 $0x7, v3  }
0x18b: {  	v3 =	vor.u32 v3, v4  }
0x18c: {  	v4 =	vperm.xlane v3, v0;
	_ =	sdelay $0x1  }
0x18d: {  	v4 =	vadd.s32 v1, v4;
	_ =	sdelay $0x3  }
0x18e: {  	v3 =	vperm.xlane v3, v2  }
0x18f: {  	[tilespmem:s1], [sflag:$0x4] =	stream.indirect_vreg.gather [hbm4b:s2+s3], $0x80, v4, vm0, $0xb8;
	[tilespmem:$0x1E400] =	vst v63  }
0x190: {  	s21 =	simm.s32 $0x12C00;
	v3 =	vadd.s32 v1, v3  }
0x191: {  	[tilespmem:s21], [sflag:$0x4] =	stream.indirect_vreg.gather [hbm4b:s5+s3], $0x80, v4, vm0, $0xb8;
	[tilespmem:$0x1E400] =	vst v63  }
0x192: {  	s22 =	simm.s32 $0x13400  }
0x193: {  	[tilespmem:s22], [sflag:$0x4] =	stream.indirect_vreg.gather [hbm4b:s6+s3], $0x80, v4, vm0, $0xb8;
	[tilespmem:$0x1E400] =	vst v63  }
0x194: {  	s23 =	simm.s32 $0x13C00  }
0x195: {  	[tilespmem:s23], [sflag:$0x4] =	stream.indirect_vreg.gather [hbm4b:s2+s3], $0x80, v3, vm0, $0xb8;
	[tilespmem:$0x1E400] =	vst v63  }
0x196: {  	s1 =	simm.s32 $0x14400  }
0x197: {  	[tilespmem:s1], [sflag:$0x4] =	stream.indirect_vreg.gather [hbm4b:s5+s3], $0x80, v3, vm0, $0xb8;
	[tilespmem:$0x1E400] =	vst v63  }
0x198: {  	s4 =	simm.s32 $0x14C00  }
0x199: {  	[tilespmem:s4], [sflag:$0x4] =	stream.indirect_vreg.gather [hbm4b:s6+s3], $0x80, v3, vm0, $0xb8;
	[tilespmem:$0x1E400] =	vst v63  }
0x19a: {  	v3 =	vld [tilespmem:$0x110];
	_ =	sdelay $0x4  }
0x19b: {  	v17 =	vshrl.u32 v3, $0x3  }
0x19c: {  	v4 =	vmul.u32 $0x30, v17  }
0x19d: {  	v3 =	vand.u32 $0x7, v3  }
0x19e: {  	v3 =	vor.u32 v3, v4  }
0x19f: {  	v4 =	vperm.xlane v3, v0;
	_ =	sdelay $0x1  }
0x1a0: {  	v4 =	vadd.s32 v1, v4;
	_ =	sdelay $0x3  }
0x1a1: {  	s11 =	simm.s32 $0x15400;
	v3 =	vperm.xlane v3, v2  }
0x1a2: {  	[tilespmem:s11], [sflag:$0x4] =	stream.indirect_vreg.gather [hbm4b:s2+s3], $0x80, v4, vm0, $0xb8;
	[tilespmem:$0x1E400] =	vst v63  }
0x1a3: {  	s21 =	simm.s32 $0x15C00;
	v3 =	vadd.s32 v1, v3  }
0x1a4: {  	[tilespmem:s21], [sflag:$0x4] =	stream.indirect_vreg.gather [hbm4b:s5+s3], $0x80, v4, vm0, $0xb8;
	[tilespmem:$0x1E400] =	vst v63  }
0x1a5: {  	s22 =	simm.s32 $0x16400  }
0x1a6: {  	[tilespmem:s22], [sflag:$0x4] =	stream.indirect_vreg.gather [hbm4b:s6+s3], $0x80, v4, vm0, $0xb8;
	[tilespmem:$0x1E400] =	vst v63  }
0x1a7: {  	s23 =	simm.s32 $0x16C00  }
0x1a8: {  	[tilespmem:s23], [sflag:$0x4] =	stream.indirect_vreg.gather [hbm4b:s2+s3], $0x80, v3, vm0, $0xb8;
	[tilespmem:$0x1E400] =	vst v63  }
0x1a9: {  	s1 =	simm.s32 $0x17400  }
0x1aa: {  	[tilespmem:s1], [sflag:$0x4] =	stream.indirect_vreg.gather [hbm4b:s5+s3], $0x80, v3, vm0, $0xb8;
	[tilespmem:$0x1E400] =	vst v63  }
0x1ab: {  	s4 =	simm.s32 $0x17C00  }
0x1ac: {  	[tilespmem:s4], [sflag:$0x4] =	stream.indirect_vreg.gather [hbm4b:s6+s3], $0x80, v3, vm0, $0xb8;
	[tilespmem:$0x1E400] =	vst v63  }
0x1ad: {  	_ =	swait.ge [sflag:s10], $0x6000  }
0x1ae: {  	[sflag:s10] =	ssyncset.done $0x0  }
0x1af: {  	s0 =	simm.s32 $0x400;
	s11 =	rddreg [dreg:$0x9];
	[sflag:s10] =	ssyncadd.s32 $0xFFFFA000  }
0x1b0: {  	[hbm4b:s11+s3] =	stream.linear.scatter [tilespmem:s0], [sflag:$0x6], $0x6000, $0x38;
	[tilespmem:$0x1E400] =	vst v63  }
0x1b1: {  	_ =	swait.ge [sflag:s20], $0x6000  }
0x1b2: {  	[sflag:s20] =	ssyncset.done $0x0  }
0x1b3: {  	[sflag:s20] =	ssyncadd.s32 $0xFFFFA000  }
0x1b4: {  	v3 =	vld [tilespmem:$0x120];
	_ =	sdelay $0x4  }
0x1b5: {  	v18 =	vshrl.u32 v3, $0x3  }
0x1b6: {  	v4 =	vmul.u32 $0x30, v18  }
0x1b7: {  	v3 =	vand.u32 $0x7, v3  }
0x1b8: {  	v3 =	vor.u32 v3, v4  }
0x1b9: {  	v4 =	vperm.xlane v3, v0;
	_ =	sdelay $0x1  }
0x1ba: {  	v4 =	vadd.s32 v1, v4;
	_ =	sdelay $0x3  }
0x1bb: {  	v3 =	vperm.xlane v3, v2  }
0x1bc: {  	[tilespmem:s8], [sflag:$0x5] =	stream.indirect_vreg.gather [hbm4b:s2+s3], $0x80, v4, vm0, $0xb8;
	[tilespmem:$0x1E400] =	vst v63  }
0x1bd: {  	s21 =	simm.s32 $0x18C00;
	v3 =	vadd.s32 v1, v3  }
0x1be: {  	[tilespmem:s21], [sflag:$0x5] =	stream.indirect_vreg.gather [hbm4b:s5+s3], $0x80, v4, vm0, $0xb8;
	[tilespmem:$0x1E400] =	vst v63  }
0x1bf: {  	s8 =	simm.s32 $0x19400  }
0x1c0: {  	[tilespmem:s8], [sflag:$0x5] =	stream.indirect_vreg.gather [hbm4b:s6+s3], $0x80, v4, vm0, $0xb8;
	[tilespmem:$0x1E400] =	vst v63  }
0x1c1: {  	s11 =	simm.s32 $0x19C00  }
0x1c2: {  	[tilespmem:s11], [sflag:$0x5] =	stream.indirect_vreg.gather [hbm4b:s2+s3], $0x80, v3, vm0, $0xb8;
	[tilespmem:$0x1E400] =	vst v63  }
0x1c3: {  	s21 =	simm.s32 $0x1A400  }
0x1c4: {  	[tilespmem:s21], [sflag:$0x5] =	stream.indirect_vreg.gather [hbm4b:s5+s3], $0x80, v3, vm0, $0xb8;
	[tilespmem:$0x1E400] =	vst v63  }
0x1c5: {  	s22 =	simm.s32 $0x1AC00  }
0x1c6: {  	[tilespmem:s22], [sflag:$0x5] =	stream.indirect_vreg.gather [hbm4b:s6+s3], $0x80, v3, vm0, $0xb8;
	[tilespmem:$0x1E400] =	vst v63  }
0x1c7: {  	v3 =	vld [tilespmem:$0x130];
	_ =	sdelay $0x4  }
0x1c8: {  	v19 =	vshrl.u32 v3, $0x3  }
0x1c9: {  	v4 =	vmul.u32 $0x30, v19  }
0x1ca: {  	v3 =	vand.u32 $0x7, v3  }
0x1cb: {  	v3 =	vor.u32 v3, v4  }
0x1cc: {  	v4 =	vperm.xlane v3, v0;
	_ =	sdelay $0x1  }
0x1cd: {  	v4 =	vadd.s32 v1, v4;
	_ =	sdelay $0x3  }
0x1ce: {  	s23 =	simm.s32 $0x1B400;
	v3 =	vperm.xlane v3, v2  }
0x1cf: {  	[tilespmem:s23], [sflag:$0x5] =	stream.indirect_vreg.gather [hbm4b:s2+s3], $0x80, v4, vm0, $0xb8;
	[tilespmem:$0x1E400] =	vst v63  }
0x1d0: {  	v3 =	vadd.s32 v1, v3;
	s23 =	simm.s32 $0x1BC00  }
0x1d1: {  	[tilespmem:s23], [sflag:$0x5] =	stream.indirect_vreg.gather [hbm4b:s5+s3], $0x80, v4, vm0, $0xb8;
	[tilespmem:$0x1E400] =	vst v63  }
0x1d2: {  	s4 =	simm.s32 $0x1C400  }
0x1d3: {  	[tilespmem:s4], [sflag:$0x5] =	stream.indirect_vreg.gather [hbm4b:s6+s3], $0x80, v4, vm0, $0xb8;
	[tilespmem:$0x1E400] =	vst v63  }
0x1d4: {  	s22 =	simm.s32 $0x1CC00  }
0x1d5: {  	[tilespmem:s22], [sflag:$0x5] =	stream.indirect_vreg.gather [hbm4b:s2+s3], $0x80, v3, vm0, $0xb8;
	[tilespmem:$0x1E400] =	vst v63  }
0x1d6: {  	s4 =	simm.s32 $0x1D400  }
0x1d7: {  	[tilespmem:s4], [sflag:$0x5] =	stream.indirect_vreg.gather [hbm4b:s5+s3], $0x80, v3, vm0, $0xb8;
	[tilespmem:$0x1E400] =	vst v63  }
0x1d8: {  	s22 =	simm.s32 $0x1DC00  }
0x1d9: {  	[tilespmem:s22], [sflag:$0x5] =	stream.indirect_vreg.gather [hbm4b:s6+s3], $0x80, v3, vm0, $0xb8;
	[tilespmem:$0x1E400] =	vst v63  }
0x1da: {  	_ =	swait.ge [sflag:s12], $0x6000  }
0x1db: {  	[sflag:s12] =	ssyncset.done $0x0  }
0x1dc: {  	s1 =	simm.s32 $0x6400;
	s4 =	rddreg [dreg:$0xa];
	[sflag:s12] =	ssyncadd.s32 $0xFFFFA000  }
0x1dd: {  	[hbm4b:s4+s3] =	stream.linear.scatter [tilespmem:s1], [sflag:$0x7], $0x6000, $0x38;
	[tilespmem:$0x1E400] =	vst v63  }
0x1de: {  	_ =	swait.ge [sflag:s13], $0x6000  }
0x1df: {  	[sflag:s13] =	ssyncset.done $0x0  }
0x1e0: {  	[sflag:s13] =	ssyncadd.s32 $0xFFFFA000  }
0x1e1: {  	v3 =	vld [tilespmem:$0x140];
	_ =	sdelay $0x4  }
0x1e2: {  	v20 =	vshrl.u32 v3, $0x3  }
0x1e3: {  	v4 =	vmul.u32 $0x30, v20  }
0x1e4: {  	v3 =	vand.u32 $0x7, v3  }
0x1e5: {  	v3 =	vor.u32 v3, v4  }
0x1e6: {  	v4 =	vperm.xlane v3, v0;
	_ =	sdelay $0x1  }
0x1e7: {  	v4 =	vadd.s32 v1, v4;
	_ =	sdelay $0x3  }
0x1e8: {  	v3 =	vperm.xlane v3, v2  }
0x1e9: {  	[tilespmem:s0], [sflag:$0x1] =	stream.indirect_vreg.gather [hbm4b:s2+s3], $0x80, v4, vm0, $0xb8;
	[tilespmem:$0x1E400] =	vst v63  }
0x1ea: {  	v3 =	vadd.s32 v1, v3  }
0x1eb: {  	[tilespmem:s7], [sflag:$0x1] =	stream.indirect_vreg.gather [hbm4b:s5+s3], $0x80, v4, vm0, $0xb8;
	[tilespmem:$0x1E400] =	vst v63  }
0x1ec: {  	_ = 	snop  }
0x1ed: {  	[tilespmem:s25], [sflag:$0x1] =	stream.indirect_vreg.gather [hbm4b:s6+s3], $0x80, v4, vm0, $0xb8;
	[tilespmem:$0x1E400] =	vst v63  }
0x1ee: {  	_ = 	snop  }
0x1ef: {  	[tilespmem:s26], [sflag:$0x1] =	stream.indirect_vreg.gather [hbm4b:s2+s3], $0x80, v3, vm0, $0xb8;
	[tilespmem:$0x1E400] =	vst v63  }
0x1f0: {  	_ = 	snop  }
0x1f1: {  	[tilespmem:s28], [sflag:$0x1] =	stream.indirect_vreg.gather [hbm4b:s5+s3], $0x80, v3, vm0, $0xb8;
	[tilespmem:$0x1E400] =	vst v63  }
0x1f2: {  	s4 =	simm.s32 $0x2C00  }
0x1f3: {  	[tilespmem:s4], [sflag:$0x1] =	stream.indirect_vreg.gather [hbm4b:s6+s3], $0x80, v3, vm0, $0xb8;
	[tilespmem:$0x1E400] =	vst v63  }
0x1f4: {  	v3 =	vld [tilespmem:$0x150];
	_ =	sdelay $0x4  }
0x1f5: {  	v21 =	vshrl.u32 v3, $0x3  }
0x1f6: {  	v4 =	vmul.u32 $0x30, v21  }
0x1f7: {  	v3 =	vand.u32 $0x7, v3  }
0x1f8: {  	v3 =	vor.u32 v3, v4  }
0x1f9: {  	v4 =	vperm.xlane v3, v0;
	_ =	sdelay $0x1  }
0x1fa: {  	v4 =	vadd.s32 v1, v4;
	_ =	sdelay $0x3  }
0x1fb: {  	s28 =	simm.s32 $0x3400;
	v3 =	vperm.xlane v3, v2  }
0x1fc: {  	[tilespmem:s28], [sflag:$0x1] =	stream.indirect_vreg.gather [hbm4b:s2+s3], $0x80, v4, vm0, $0xb8;
	[tilespmem:$0x1E400] =	vst v63  }
0x1fd: {  	v3 =	vadd.s32 v1, v3  }
0x1fe: {  	[tilespmem:s29], [sflag:$0x1] =	stream.indirect_vreg.gather [hbm4b:s5+s3], $0x80, v4, vm0, $0xb8;
	[tilespmem:$0x1E400] =	vst v63  }
0x1ff: {  	_ = 	snop  }
0x200: {  	[tilespmem:s30], [sflag:$0x1] =	stream.indirect_vreg.gather [hbm4b:s6+s3], $0x80, v4, vm0, $0xb8;
	[tilespmem:$0x1E400] =	vst v63  }
0x201: {  	s30 =	simm.s32 $0x4C00  }
0x202: {  	[tilespmem:s30], [sflag:$0x1] =	stream.indirect_vreg.gather [hbm4b:s2+s3], $0x80, v3, vm0, $0xb8;
	[tilespmem:$0x1E400] =	vst v63  }
0x203: {  	_ = 	snop  }
0x204: {  	[tilespmem:s31], [sflag:$0x1] =	stream.indirect_vreg.gather [hbm4b:s5+s3], $0x80, v3, vm0, $0xb8;
	[tilespmem:$0x1E400] =	vst v63  }
0x205: {  	_ = 	snop  }
0x206: {  	[tilespmem:s9], [sflag:$0x1] =	stream.indirect_vreg.gather [hbm4b:s6+s3], $0x80, v3, vm0, $0xb8;
	[tilespmem:$0x1E400] =	vst v63  }
0x207: {  	_ =	swait.ge [sflag:s14], $0x6000  }
0x208: {  	[sflag:s14] =	ssyncset.done $0x0  }
0x209: {  	s0 =	simm.s32 $0xC400;
	s7 =	rddreg [dreg:$0xb];
	[sflag:s14] =	ssyncadd.s32 $0xFFFFA000  }
0x20a: {  	[hbm4b:s7+s3] =	stream.linear.scatter [tilespmem:s0], [sflag:$0x8], $0x6000, $0x38;
	[tilespmem:$0x1E400] =	vst v63  }
0x20b: {  	_ =	swait.ge [sflag:s15], $0x6000  }
0x20c: {  	[sflag:s15] =	ssyncset.done $0x0  }
0x20d: {  	[sflag:s15] =	ssyncadd.s32 $0xFFFFA000  }
0x20e: {  	v3 =	vld [tilespmem:$0x160];
	_ =	sdelay $0x4  }
0x20f: {  	v22 =	vshrl.u32 v3, $0x3  }
0x210: {  	v4 =	vmul.u32 $0x30, v22  }
0x211: {  	v3 =	vand.u32 $0x7, v3  }
0x212: {  	v3 =	vor.u32 v3, v4  }
0x213: {  	v4 =	vperm.xlane v3, v0;
	_ =	sdelay $0x1  }
0x214: {  	v4 =	vadd.s32 v1, v4;
	_ =	sdelay $0x3  }
0x215: {  	v3 =	vperm.xlane v3, v2  }
0x216: {  	[tilespmem:s1], [sflag:$0x2] =	stream.indirect_vreg.gather [hbm4b:s2+s3], $0x80, v4, vm0, $0xb8;
	[tilespmem:$0x1E400] =	vst v63  }
0x217: {  	v3 =	vadd.s32 v1, v3  }
0x218: {  	[tilespmem:s24], [sflag:$0x2] =	stream.indirect_vreg.gather [hbm4b:s5+s3], $0x80, v4, vm0, $0xb8;
	[tilespmem:$0x1E400] =	vst v63  }
0x219: {  	s7 =	simm.s32 $0x7400  }
0x21a: {  	[tilespmem:s7], [sflag:$0x2] =	stream.indirect_vreg.gather [hbm4b:s6+s3], $0x80, v4, vm0, $0xb8;
	[tilespmem:$0x1E400] =	vst v63  }
0x21b: {  	s25 =	simm.s32 $0x7C00  }
0x21c: {  	[tilespmem:s25], [sflag:$0x2] =	stream.indirect_vreg.gather [hbm4b:s2+s3], $0x80, v3, vm0, $0xb8;
	[tilespmem:$0x1E400] =	vst v63  }
0x21d: {  	s26 =	simm.s32 $0x8400  }
0x21e: {  	[tilespmem:s26], [sflag:$0x2] =	stream.indirect_vreg.gather [hbm4b:s5+s3], $0x80, v3, vm0, $0xb8;
	[tilespmem:$0x1E400] =	vst v63  }
0x21f: {  	s24 =	simm.s32 $0x8C00  }
0x220: {  	[tilespmem:s24], [sflag:$0x2] =	stream.indirect_vreg.gather [hbm4b:s6+s3], $0x80, v3, vm0, $0xb8;
	[tilespmem:$0x1E400] =	vst v63  }
0x221: {  	v3 =	vld [tilespmem:$0x170];
	_ =	sdelay $0x4  }
0x222: {  	v23 =	vshrl.u32 v3, $0x3  }
0x223: {  	v4 =	vmul.u32 $0x30, v23  }
0x224: {  	v3 =	vand.u32 $0x7, v3  }
0x225: {  	v3 =	vor.u32 v3, v4  }
0x226: {  	v4 =	vperm.xlane v3, v0;
	_ =	sdelay $0x1  }
0x227: {  	v4 =	vadd.s32 v1, v4;
	_ =	sdelay $0x3  }
0x228: {  	s9 =	simm.s32 $0x9400;
	v3 =	vperm.xlane v3, v2  }
0x229: {  	[tilespmem:s9], [sflag:$0x2] =	stream.indirect_vreg.gather [hbm4b:s2+s3], $0x80, v4, vm0, $0xb8;
	[tilespmem:$0x1E400] =	vst v63  }
0x22a: {  	s28 =	simm.s32 $0x9C00;
	v3 =	vadd.s32 v1, v3  }
0x22b: {  	[tilespmem:s28], [sflag:$0x2] =	stream.indirect_vreg.gather [hbm4b:s5+s3], $0x80, v4, vm0, $0xb8;
	[tilespmem:$0x1E400] =	vst v63  }
0x22c: {  	s29 =	simm.s32 $0xA400  }
0x22d: {  	[tilespmem:s29], [sflag:$0x2] =	stream.indirect_vreg.gather [hbm4b:s6+s3], $0x80, v4, vm0, $0xb8;
	[tilespmem:$0x1E400] =	vst v63  }
0x22e: {  	s30 =	simm.s32 $0xAC00  }
0x22f: {  	[tilespmem:s30], [sflag:$0x2] =	stream.indirect_vreg.gather [hbm4b:s2+s3], $0x80, v3, vm0, $0xb8;
	[tilespmem:$0x1E400] =	vst v63  }
0x230: {  	s31 =	simm.s32 $0xB400  }
0x231: {  	[tilespmem:s31], [sflag:$0x2] =	stream.indirect_vreg.gather [hbm4b:s5+s3], $0x80, v3, vm0, $0xb8;
	[tilespmem:$0x1E400] =	vst v63  }
0x232: {  	s9 =	simm.s32 $0xBC00  }
0x233: {  	[tilespmem:s9], [sflag:$0x2] =	stream.indirect_vreg.gather [hbm4b:s6+s3], $0x80, v3, vm0, $0xb8;
	[tilespmem:$0x1E400] =	vst v63  }
0x234: {  	_ =	swait.ge [sflag:s16], $0x6000  }
0x235: {  	[sflag:s16] =	ssyncset.done $0x0  }
0x236: {  	s1 =	simm.s32 $0x12400;
	s22 =	rddreg [dreg:$0xc];
	[sflag:s16] =	ssyncadd.s32 $0xFFFFA000  }
0x237: {  	[hbm4b:s22+s3] =	stream.linear.scatter [tilespmem:s1], [sflag:$0x9], $0x6000, $0x38;
	[tilespmem:$0x1E400] =	vst v63  }
0x238: {  	_ =	swait.ge [sflag:s17], $0x6000  }
0x239: {  	[sflag:s17] =	ssyncset.done $0x0  }
0x23a: {  	[sflag:s17] =	ssyncadd.s32 $0xFFFFA000  }
0x23b: {  	v3 =	vld [tilespmem:$0x180];
	_ =	sdelay $0x4  }
0x23c: {  	v24 =	vshrl.u32 v3, $0x3  }
0x23d: {  	v4 =	vmul.u32 $0x30, v24  }
0x23e: {  	v3 =	vand.u32 $0x7, v3  }
0x23f: {  	v3 =	vor.u32 v3, v4  }
0x240: {  	v4 =	vperm.xlane v3, v0;
	_ =	sdelay $0x1  }
0x241: {  	v4 =	vadd.s32 v1, v4;
	_ =	sdelay $0x3  }
0x242: {  	v3 =	vperm.xlane v3, v2  }
0x243: {  	[tilespmem:s0], [sflag:$0x3] =	stream.indirect_vreg.gather [hbm4b:s2+s3], $0x80, v4, vm0, $0xb8;
	[tilespmem:$0x1E400] =	vst v63  }
0x244: {  	s22 =	simm.s32 $0xCC00;
	v3 =	vadd.s32 v1, v3  }
0x245: {  	[tilespmem:s22], [sflag:$0x3] =	stream.indirect_vreg.gather [hbm4b:s5+s3], $0x80, v4, vm0, $0xb8;
	[tilespmem:$0x1E400] =	vst v63  }
0x246: {  	s22 =	simm.s32 $0xD400  }
0x247: {  	[tilespmem:s22], [sflag:$0x3] =	stream.indirect_vreg.gather [hbm4b:s6+s3], $0x80, v4, vm0, $0xb8;
	[tilespmem:$0x1E400] =	vst v63  }
0x248: {  	s22 =	simm.s32 $0xDC00  }
0x249: {  	[tilespmem:s22], [sflag:$0x3] =	stream.indirect_vreg.gather [hbm4b:s2+s3], $0x80, v3, vm0, $0xb8;
	[tilespmem:$0x1E400] =	vst v63  }
0x24a: {  	s22 =	simm.s32 $0xE400  }
0x24b: {  	[tilespmem:s22], [sflag:$0x3] =	stream.indirect_vreg.gather [hbm4b:s5+s3], $0x80, v3, vm0, $0xb8;
	[tilespmem:$0x1E400] =	vst v63  }
0x24c: {  	s22 =	simm.s32 $0xEC00  }
0x24d: {  	[tilespmem:s22], [sflag:$0x3] =	stream.indirect_vreg.gather [hbm4b:s6+s3], $0x80, v3, vm0, $0xb8;
	[tilespmem:$0x1E400] =	vst v63  }
0x24e: {  	v3 =	vld [tilespmem:$0x190];
	_ =	sdelay $0x4  }
0x24f: {  	v25 =	vshrl.u32 v3, $0x3  }
0x250: {  	v4 =	vmul.u32 $0x30, v25  }
0x251: {  	v3 =	vand.u32 $0x7, v3  }
0x252: {  	v3 =	vor.u32 v3, v4  }
0x253: {  	v4 =	vperm.xlane v3, v0;
	_ =	sdelay $0x1  }
0x254: {  	v4 =	vadd.s32 v1, v4;
	_ =	sdelay $0x3  }
0x255: {  	s22 =	simm.s32 $0xF400;
	v3 =	vperm.xlane v3, v2  }
0x256: {  	[tilespmem:s22], [sflag:$0x3] =	stream.indirect_vreg.gather [hbm4b:s2+s3], $0x80, v4, vm0, $0xb8;
	[tilespmem:$0x1E400] =	vst v63  }
0x257: {  	v3 =	vadd.s32 v1, v3;
	s22 =	simm.s32 $0xFC00  }
0x258: {  	[tilespmem:s22], [sflag:$0x3] =	stream.indirect_vreg.gather [hbm4b:s5+s3], $0x80, v4, vm0, $0xb8;
	[tilespmem:$0x1E400] =	vst v63  }
0x259: {  	s22 =	simm.s32 $0x10400  }
0x25a: {  	[tilespmem:s22], [sflag:$0x3] =	stream.indirect_vreg.gather [hbm4b:s6+s3], $0x80, v4, vm0, $0xb8;
	[tilespmem:$0x1E400] =	vst v63  }
0x25b: {  	s22 =	simm.s32 $0x10C00  }
0x25c: {  	[tilespmem:s22], [sflag:$0x3] =	stream.indirect_vreg.gather [hbm4b:s2+s3], $0x80, v3, vm0, $0xb8;
	[tilespmem:$0x1E400] =	vst v63  }
0x25d: {  	s22 =	simm.s32 $0x11400  }
0x25e: {  	[tilespmem:s22], [sflag:$0x3] =	stream.indirect_vreg.gather [hbm4b:s5+s3], $0x80, v3, vm0, $0xb8;
	[tilespmem:$0x1E400] =	vst v63  }
0x25f: {  	s22 =	simm.s32 $0x11C00  }
0x260: {  	[tilespmem:s22], [sflag:$0x3] =	stream.indirect_vreg.gather [hbm4b:s6+s3], $0x80, v3, vm0, $0xb8;
	[tilespmem:$0x1E400] =	vst v63  }
0x261: {  	_ =	swait.ge [sflag:s18], $0x6000  }
0x262: {  	[sflag:s18] =	ssyncset.done $0x0  }
0x263: {  	s0 =	simm.s32 $0x18400;
	s22 =	rddreg [dreg:$0xd];
	[sflag:s18] =	ssyncadd.s32 $0xFFFFA000  }
0x264: {  	[hbm4b:s22+s3] =	stream.linear.scatter [tilespmem:s0], [sflag:$0xA], $0x6000, $0x38;
	[tilespmem:$0x1E400] =	vst v63  }
0x265: {  	_ =	swait.ge [sflag:s19], $0x6000  }
0x266: {  	[sflag:s19] =	ssyncset.done $0x0  }
0x267: {  	[sflag:s19] =	ssyncadd.s32 $0xFFFFA000  }
0x268: {  	v3 =	vld [tilespmem:$0x1A0];
	_ =	sdelay $0x4  }
0x269: {  	v26 =	vshrl.u32 v3, $0x3  }
0x26a: {  	v4 =	vmul.u32 $0x30, v26  }
0x26b: {  	v3 =	vand.u32 $0x7, v3  }
0x26c: {  	v3 =	vor.u32 v3, v4  }
0x26d: {  	v4 =	vperm.xlane v3, v0;
	_ =	sdelay $0x1  }
0x26e: {  	v4 =	vadd.s32 v1, v4;
	_ =	sdelay $0x3  }
0x26f: {  	v3 =	vperm.xlane v3, v2  }
0x270: {  	[tilespmem:s1], [sflag:$0x4] =	stream.indirect_vreg.gather [hbm4b:s2+s3], $0x80, v4, vm0, $0xb8;
	[tilespmem:$0x1E400] =	vst v63  }
0x271: {  	s22 =	simm.s32 $0x12C00;
	v3 =	vadd.s32 v1, v3  }
0x272: {  	[tilespmem:s22], [sflag:$0x4] =	stream.indirect_vreg.gather [hbm4b:s5+s3], $0x80, v4, vm0, $0xb8;
	[tilespmem:$0x1E400] =	vst v63  }
0x273: {  	s22 =	simm.s32 $0x13400  }
0x274: {  	[tilespmem:s22], [sflag:$0x4] =	stream.indirect_vreg.gather [hbm4b:s6+s3], $0x80, v4, vm0, $0xb8;
	[tilespmem:$0x1E400] =	vst v63  }
0x275: {  	s22 =	simm.s32 $0x13C00  }
0x276: {  	[tilespmem:s22], [sflag:$0x4] =	stream.indirect_vreg.gather [hbm4b:s2+s3], $0x80, v3, vm0, $0xb8;
	[tilespmem:$0x1E400] =	vst v63  }
0x277: {  	s22 =	simm.s32 $0x14400  }
0x278: {  	[tilespmem:s22], [sflag:$0x4] =	stream.indirect_vreg.gather [hbm4b:s5+s3], $0x80, v3, vm0, $0xb8;
	[tilespmem:$0x1E400] =	vst v63  }
0x279: {  	s22 =	simm.s32 $0x14C00  }
0x27a: {  	[tilespmem:s22], [sflag:$0x4] =	stream.indirect_vreg.gather [hbm4b:s6+s3], $0x80, v3, vm0, $0xb8;
	[tilespmem:$0x1E400] =	vst v63  }
0x27b: {  	v3 =	vld [tilespmem:$0x1B0];
	_ =	sdelay $0x4  }
0x27c: {  	v27 =	vshrl.u32 v3, $0x3  }
0x27d: {  	v4 =	vmul.u32 $0x30, v27  }
0x27e: {  	v3 =	vand.u32 $0x7, v3  }
0x27f: {  	v3 =	vor.u32 v3, v4  }
0x280: {  	v4 =	vperm.xlane v3, v0;
	_ =	sdelay $0x1  }
0x281: {  	v4 =	vadd.s32 v1, v4;
	_ =	sdelay $0x3  }
0x282: {  	s22 =	simm.s32 $0x15400;
	v3 =	vperm.xlane v3, v2  }
0x283: {  	[tilespmem:s22], [sflag:$0x4] =	stream.indirect_vreg.gather [hbm4b:s2+s3], $0x80, v4, vm0, $0xb8;
	[tilespmem:$0x1E400] =	vst v63  }
0x284: {  	v3 =	vadd.s32 v1, v3;
	s22 =	simm.s32 $0x15C00  }
0x285: {  	[tilespmem:s22], [sflag:$0x4] =	stream.indirect_vreg.gather [hbm4b:s5+s3], $0x80, v4, vm0, $0xb8;
	[tilespmem:$0x1E400] =	vst v63  }
0x286: {  	s22 =	simm.s32 $0x16400  }
0x287: {  	[tilespmem:s22], [sflag:$0x4] =	stream.indirect_vreg.gather [hbm4b:s6+s3], $0x80, v4, vm0, $0xb8;
	[tilespmem:$0x1E400] =	vst v63  }
0x288: {  	s22 =	simm.s32 $0x16C00  }
0x289: {  	[tilespmem:s22], [sflag:$0x4] =	stream.indirect_vreg.gather [hbm4b:s2+s3], $0x80, v3, vm0, $0xb8;
	[tilespmem:$0x1E400] =	vst v63  }
0x28a: {  	s22 =	simm.s32 $0x17400  }
0x28b: {  	[tilespmem:s22], [sflag:$0x4] =	stream.indirect_vreg.gather [hbm4b:s5+s3], $0x80, v3, vm0, $0xb8;
	[tilespmem:$0x1E400] =	vst v63  }
0x28c: {  	s22 =	simm.s32 $0x17C00  }
0x28d: {  	[tilespmem:s22], [sflag:$0x4] =	stream.indirect_vreg.gather [hbm4b:s6+s3], $0x80, v3, vm0, $0xb8;
	[tilespmem:$0x1E400] =	vst v63  }
0x28e: {  	_ =	swait.ge [sflag:s10], $0x6000  }
0x28f: {  	[sflag:s10] =	ssyncset.done $0x0  }
0x290: {  	s1 =	simm.s32 $0x400;
	s22 =	rddreg [dreg:$0xe];
	[sflag:s10] =	ssyncadd.s32 $0xFFFFA000  }
0x291: {  	[hbm4b:s22+s3] =	stream.linear.scatter [tilespmem:s1], [sflag:$0x6], $0x6000, $0x38;
	[tilespmem:$0x1E400] =	vst v63  }
0x292: {  	_ =	swait.ge [sflag:s20], $0x6000  }
0x293: {  	[sflag:s20] =	ssyncset.done $0x0  }
0x294: {  	[sflag:s20] =	ssyncadd.s32 $0xFFFFA000  }
0x295: {  	v3 =	vld [tilespmem:$0x1C0];
	_ =	sdelay $0x4  }
0x296: {  	v28 =	vshrl.u32 v3, $0x3  }
0x297: {  	v4 =	vmul.u32 $0x30, v28  }
0x298: {  	v3 =	vand.u32 $0x7, v3  }
0x299: {  	v3 =	vor.u32 v3, v4  }
0x29a: {  	v4 =	vperm.xlane v3, v0;
	_ =	sdelay $0x1  }
0x29b: {  	v4 =	vadd.s32 v1, v4;
	_ =	sdelay $0x3  }
0x29c: {  	v3 =	vperm.xlane v3, v2  }
0x29d: {  	[tilespmem:s0], [sflag:$0x5] =	stream.indirect_vreg.gather [hbm4b:s2+s3], $0x80, v4, vm0, $0xb8;
	[tilespmem:$0x1E400] =	vst v63  }
0x29e: {  	s22 =	simm.s32 $0x18C00;
	v3 =	vadd.s32 v1, v3  }
0x29f: {  	[tilespmem:s22], [sflag:$0x5] =	stream.indirect_vreg.gather [hbm4b:s5+s3], $0x80, v4, vm0, $0xb8;
	[tilespmem:$0x1E400] =	vst v63  }
0x2a0: {  	_ = 	snop  }
0x2a1: {  	[tilespmem:s8], [sflag:$0x5] =	stream.indirect_vreg.gather [hbm4b:s6+s3], $0x80, v4, vm0, $0xb8;
	[tilespmem:$0x1E400] =	vst v63  }
0x2a2: {  	_ = 	snop  }
0x2a3: {  	[tilespmem:s11], [sflag:$0x5] =	stream.indirect_vreg.gather [hbm4b:s2+s3], $0x80, v3, vm0, $0xb8;
	[tilespmem:$0x1E400] =	vst v63  }
0x2a4: {  	_ = 	snop  }
0x2a5: {  	[tilespmem:s21], [sflag:$0x5] =	stream.indirect_vreg.gather [hbm4b:s5+s3], $0x80, v3, vm0, $0xb8;
	[tilespmem:$0x1E400] =	vst v63  }
0x2a6: {  	s11 =	simm.s32 $0x1AC00  }
0x2a7: {  	[tilespmem:s11], [sflag:$0x5] =	stream.indirect_vreg.gather [hbm4b:s6+s3], $0x80, v3, vm0, $0xb8;
	[tilespmem:$0x1E400] =	vst v63  }
0x2a8: {  	v3 =	vld [tilespmem:$0x1D0];
	_ =	sdelay $0x4  }
0x2a9: {  	v29 =	vshrl.u32 v3, $0x3  }
0x2aa: {  	v4 =	vmul.u32 $0x30, v29  }
0x2ab: {  	v3 =	vand.u32 $0x7, v3  }
0x2ac: {  	v3 =	vor.u32 v3, v4  }
0x2ad: {  	v4 =	vperm.xlane v3, v0;
	_ =	sdelay $0x1  }
0x2ae: {  	v4 =	vadd.s32 v1, v4;
	_ =	sdelay $0x3  }
0x2af: {  	s21 =	simm.s32 $0x1B400;
	v3 =	vperm.xlane v3, v2  }
0x2b0: {  	[tilespmem:s21], [sflag:$0x5] =	stream.indirect_vreg.gather [hbm4b:s2+s3], $0x80, v4, vm0, $0xb8;
	[tilespmem:$0x1E400] =	vst v63  }
0x2b1: {  	v3 =	vadd.s32 v1, v3  }
0x2b2: {  	[tilespmem:s23], [sflag:$0x5] =	stream.indirect_vreg.gather [hbm4b:s5+s3], $0x80, v4, vm0, $0xb8;
	[tilespmem:$0x1E400] =	vst v63  }
0x2b3: {  	s21 =	simm.s32 $0x1C400  }
0x2b4: {  	[tilespmem:s21], [sflag:$0x5] =	stream.indirect_vreg.gather [hbm4b:s6+s3], $0x80, v4, vm0, $0xb8;
	[tilespmem:$0x1E400] =	vst v63  }
0x2b5: {  	s23 =	simm.s32 $0x1CC00  }
0x2b6: {  	[tilespmem:s23], [sflag:$0x5] =	stream.indirect_vreg.gather [hbm4b:s2+s3], $0x80, v3, vm0, $0xb8;
	[tilespmem:$0x1E400] =	vst v63  }
0x2b7: {  	s0 =	simm.s32 $0x1D400  }
0x2b8: {  	[tilespmem:s0], [sflag:$0x5] =	stream.indirect_vreg.gather [hbm4b:s5+s3], $0x80, v3, vm0, $0xb8;
	[tilespmem:$0x1E400] =	vst v63  }
0x2b9: {  	s22 =	simm.s32 $0x1DC00  }
0x2ba: {  	[tilespmem:s22], [sflag:$0x5] =	stream.indirect_vreg.gather [hbm4b:s6+s3], $0x80, v3, vm0, $0xb8;
	[tilespmem:$0x1E400] =	vst v63  }
0x2bb: {  	_ =	swait.ge [sflag:s12], $0x6000  }
0x2bc: {  	[sflag:s12] =	ssyncset.done $0x0  }
0x2bd: {  	s11 =	simm.s32 $0x6400;
	s8 =	rddreg [dreg:$0xf];
	[sflag:s12] =	ssyncadd.s32 $0xFFFFA000  }
0x2be: {  	[hbm4b:s8+s3] =	stream.linear.scatter [tilespmem:s11], [sflag:$0x7], $0x6000, $0x38;
	[tilespmem:$0x1E400] =	vst v63  }
0x2bf: {  	_ =	swait.ge [sflag:s13], $0x6000  }
0x2c0: {  	[sflag:s13] =	ssyncset.done $0x0  }
0x2c1: {  	[sflag:s13] =	ssyncadd.s32 $0xFFFFA000  }
0x2c2: {  	v3 =	vld [tilespmem:$0x1E0];
	_ =	sdelay $0x4  }
0x2c3: {  	v30 =	vshrl.u32 v3, $0x3  }
0x2c4: {  	v4 =	vmul.u32 $0x30, v30  }
0x2c5: {  	v3 =	vand.u32 $0x7, v3  }
0x2c6: {  	v3 =	vor.u32 v3, v4  }
0x2c7: {  	v4 =	vperm.xlane v3, v0;
	_ =	sdelay $0x1  }
0x2c8: {  	v4 =	vadd.s32 v1, v4;
	_ =	sdelay $0x3  }
0x2c9: {  	v3 =	vperm.xlane v3, v2  }
0x2ca: {  	[tilespmem:s1], [sflag:$0x1] =	stream.indirect_vreg.gather [hbm4b:s2+s3], $0x80, v4, vm0, $0xb8;
	[tilespmem:$0x1E400] =	vst v63  }
0x2cb: {  	s8 =	simm.s32 $0xC00;
	v3 =	vadd.s32 v1, v3  }
0x2cc: {  	[tilespmem:s8], [sflag:$0x1] =	stream.indirect_vreg.gather [hbm4b:s5+s3], $0x80, v4, vm0, $0xb8;
	[tilespmem:$0x1E400] =	vst v63  }
0x2cd: {  	s22 =	simm.s32 $0x1400  }
0x2ce: {  	[tilespmem:s22], [sflag:$0x1] =	stream.indirect_vreg.gather [hbm4b:s6+s3], $0x80, v4, vm0, $0xb8;
	[tilespmem:$0x1E400] =	vst v63  }
0x2cf: {  	s8 =	simm.s32 $0x1C00  }
0x2d0: {  	[tilespmem:s8], [sflag:$0x1] =	stream.indirect_vreg.gather [hbm4b:s2+s3], $0x80, v3, vm0, $0xb8;
	[tilespmem:$0x1E400] =	vst v63  }
0x2d1: {  	s22 =	simm.s32 $0x2400  }
0x2d2: {  	[tilespmem:s22], [sflag:$0x1] =	stream.indirect_vreg.gather [hbm4b:s5+s3], $0x80, v3, vm0, $0xb8;
	[tilespmem:$0x1E400] =	vst v63  }
0x2d3: {  	_ = 	snop  }
0x2d4: {  	[tilespmem:s4], [sflag:$0x1] =	stream.indirect_vreg.gather [hbm4b:s6+s3], $0x80, v3, vm0, $0xb8;
	[tilespmem:$0x1E400] =	vst v63  }
0x2d5: {  	v3 =	vld [tilespmem:$0x1F0];
	_ =	sdelay $0x4  }
0x2d6: {  	v31 =	vshrl.u32 v3, $0x3  }
0x2d7: {  	v4 =	vmul.u32 $0x30, v31  }
0x2d8: {  	v3 =	vand.u32 $0x7, v3  }
0x2d9: {  	v3 =	vor.u32 v3, v4  }
0x2da: {  	v4 =	vperm.xlane v3, v0;
	_ =	sdelay $0x1  }
0x2db: {  	v4 =	vadd.s32 v1, v4;
	_ =	sdelay $0x3  }
0x2dc: {  	s4 =	simm.s32 $0x3400;
	v3 =	vperm.xlane v3, v2  }
0x2dd: {  	[tilespmem:s4], [sflag:$0x1] =	stream.indirect_vreg.gather [hbm4b:s2+s3], $0x80, v4, vm0, $0xb8;
	[tilespmem:$0x1E400] =	vst v63  }
0x2de: {  	s8 =	simm.s32 $0x3C00;
	v3 =	vadd.s32 v1, v3  }
0x2df: {  	[tilespmem:s8], [sflag:$0x1] =	stream.indirect_vreg.gather [hbm4b:s5+s3], $0x80, v4, vm0, $0xb8;
	[tilespmem:$0x1E400] =	vst v63  }
0x2e0: {  	s22 =	simm.s32 $0x4400  }
0x2e1: {  	[tilespmem:s22], [sflag:$0x1] =	stream.indirect_vreg.gather [hbm4b:s6+s3], $0x80, v4, vm0, $0xb8;
	[tilespmem:$0x1E400] =	vst v63  }
0x2e2: {  	s4 =	simm.s32 $0x4C00  }
0x2e3: {  	[tilespmem:s4], [sflag:$0x1] =	stream.indirect_vreg.gather [hbm4b:s2+s3], $0x80, v3, vm0, $0xb8;
	[tilespmem:$0x1E400] =	vst v63  }
0x2e4: {  	s8 =	simm.s32 $0x5400  }
0x2e5: {  	[tilespmem:s8], [sflag:$0x1] =	stream.indirect_vreg.gather [hbm4b:s5+s3], $0x80, v3, vm0, $0xb8;
	[tilespmem:$0x1E400] =	vst v63  }
0x2e6: {  	s22 =	simm.s32 $0x5C00  }
0x2e7: {  	[tilespmem:s22], [sflag:$0x1] =	stream.indirect_vreg.gather [hbm4b:s6+s3], $0x80, v3, vm0, $0xb8;
	[tilespmem:$0x1E400] =	vst v63  }
0x2e8: {  	_ =	swait.ge [sflag:s14], $0x6000  }
0x2e9: {  	[sflag:s14] =	ssyncset.done $0x0  }
0x2ea: {  	s8 =	simm.s32 $0xC400;
	s4 =	rddreg [dreg:$0x10];
	[sflag:s14] =	ssyncadd.s32 $0xFFFFA000  }
0x2eb: {  	[hbm4b:s4+s3] =	stream.linear.scatter [tilespmem:s8], [sflag:$0x8], $0x6000, $0x38;
	[tilespmem:$0x1E400] =	vst v63  }
0x2ec: {  	_ =	swait.ge [sflag:s15], $0x6000  }
0x2ed: {  	[sflag:s15] =	ssyncset.done $0x0  }
0x2ee: {  	[sflag:s15] =	ssyncadd.s32 $0xFFFFA000  }
0x2ef: {  	v3 =	vld [tilespmem:$0x200];
	_ =	sdelay $0x4  }
0x2f0: {  	v32 =	vshrl.u32 v3, $0x3  }
0x2f1: {  	v4 =	vmul.u32 $0x30, v32  }
0x2f2: {  	v3 =	vand.u32 $0x7, v3  }
0x2f3: {  	v3 =	vor.u32 v3, v4  }
0x2f4: {  	v4 =	vperm.xlane v3, v0;
	_ =	sdelay $0x1  }
0x2f5: {  	v4 =	vadd.s32 v1, v4;
	_ =	sdelay $0x3  }
0x2f6: {  	v3 =	vperm.xlane v3, v2  }
0x2f7: {  	[tilespmem:s11], [sflag:$0x2] =	stream.indirect_vreg.gather [hbm4b:s2+s3], $0x80, v4, vm0, $0xb8;
	[tilespmem:$0x1E400] =	vst v63  }
0x2f8: {  	s1 =	simm.s32 $0x6C00;
	v3 =	vadd.s32 v1, v3  }
0x2f9: {  	[tilespmem:s1], [sflag:$0x2] =	stream.indirect_vreg.gather [hbm4b:s5+s3], $0x80, v4, vm0, $0xb8;
	[tilespmem:$0x1E400] =	vst v63  }
0x2fa: {  	_ = 	snop  }
0x2fb: {  	[tilespmem:s7], [sflag:$0x2] =	stream.indirect_vreg.gather [hbm4b:s6+s3], $0x80, v4, vm0, $0xb8;
	[tilespmem:$0x1E400] =	vst v63  }
0x2fc: {  	_ = 	snop  }
0x2fd: {  	[tilespmem:s25], [sflag:$0x2] =	stream.indirect_vreg.gather [hbm4b:s2+s3], $0x80, v3, vm0, $0xb8;
	[tilespmem:$0x1E400] =	vst v63  }
0x2fe: {  	_ = 	snop  }
0x2ff: {  	[tilespmem:s26], [sflag:$0x2] =	stream.indirect_vreg.gather [hbm4b:s5+s3], $0x80, v3, vm0, $0xb8;
	[tilespmem:$0x1E400] =	vst v63  }
0x300: {  	_ = 	snop  }
0x301: {  	[tilespmem:s24], [sflag:$0x2] =	stream.indirect_vreg.gather [hbm4b:s6+s3], $0x80, v3, vm0, $0xb8;
	[tilespmem:$0x1E400] =	vst v63  }
0x302: {  	v3 =	vld [tilespmem:$0x210];
	_ =	sdelay $0x4  }
0x303: {  	v33 =	vshrl.u32 v3, $0x3  }
0x304: {  	v4 =	vmul.u32 $0x30, v33  }
0x305: {  	v3 =	vand.u32 $0x7, v3  }
0x306: {  	v3 =	vor.u32 v3, v4  }
0x307: {  	v4 =	vperm.xlane v3, v0;
	_ =	sdelay $0x1  }
0x308: {  	v4 =	vadd.s32 v1, v4;
	_ =	sdelay $0x3  }
0x309: {  	s26 =	simm.s32 $0x9400;
	v3 =	vperm.xlane v3, v2  }
0x30a: {  	[tilespmem:s26], [sflag:$0x2] =	stream.indirect_vreg.gather [hbm4b:s2+s3], $0x80, v4, vm0, $0xb8;
	[tilespmem:$0x1E400] =	vst v63  }
0x30b: {  	v3 =	vadd.s32 v1, v3  }
0x30c: {  	[tilespmem:s28], [sflag:$0x2] =	stream.indirect_vreg.gather [hbm4b:s5+s3], $0x80, v4, vm0, $0xb8;
	[tilespmem:$0x1E400] =	vst v63  }
0x30d: {  	_ = 	snop  }
0x30e: {  	[tilespmem:s29], [sflag:$0x2] =	stream.indirect_vreg.gather [hbm4b:s6+s3], $0x80, v4, vm0, $0xb8;
	[tilespmem:$0x1E400] =	vst v63  }
0x30f: {  	_ = 	snop  }
0x310: {  	[tilespmem:s30], [sflag:$0x2] =	stream.indirect_vreg.gather [hbm4b:s2+s3], $0x80, v3, vm0, $0xb8;
	[tilespmem:$0x1E400] =	vst v63  }
0x311: {  	_ = 	snop  }
0x312: {  	[tilespmem:s31], [sflag:$0x2] =	stream.indirect_vreg.gather [hbm4b:s5+s3], $0x80, v3, vm0, $0xb8;
	[tilespmem:$0x1E400] =	vst v63  }
0x313: {  	_ = 	snop  }
0x314: {  	[tilespmem:s9], [sflag:$0x2] =	stream.indirect_vreg.gather [hbm4b:s6+s3], $0x80, v3, vm0, $0xb8;
	[tilespmem:$0x1E400] =	vst v63  }
0x315: {  	_ =	swait.ge [sflag:s16], $0x6000  }
0x316: {  	[sflag:s16] =	ssyncset.done $0x0  }
0x317: {  	s4 =	simm.s32 $0x12400;
	s29 =	rddreg [dreg:$0x11];
	[sflag:s16] =	ssyncadd.s32 $0xFFFFA000  }
0x318: {  	[hbm4b:s29+s3] =	stream.linear.scatter [tilespmem:s4], [sflag:$0x9], $0x6000, $0x38;
	[tilespmem:$0x1E400] =	vst v63  }
0x319: {  	_ =	swait.ge [sflag:s17], $0x6000  }
0x31a: {  	[sflag:s17] =	ssyncset.done $0x0  }
0x31b: {  	[sflag:s17] =	ssyncadd.s32 $0xFFFFA000  }
0x31c: {  	v3 =	vld [tilespmem:$0x220];
	_ =	sdelay $0x4  }
0x31d: {  	v34 =	vshrl.u32 v3, $0x3  }
0x31e: {  	v4 =	vmul.u32 $0x30, v34  }
0x31f: {  	v3 =	vand.u32 $0x7, v3  }
0x320: {  	v3 =	vor.u32 v3, v4  }
0x321: {  	v4 =	vperm.xlane v3, v0;
	_ =	sdelay $0x1  }
0x322: {  	v4 =	vadd.s32 v1, v4;
	_ =	sdelay $0x3  }
0x323: {  	v3 =	vperm.xlane v3, v2  }
0x324: {  	[tilespmem:s8], [sflag:$0x3] =	stream.indirect_vreg.gather [hbm4b:s2+s3], $0x80, v4, vm0, $0xb8;
	[tilespmem:$0x1E400] =	vst v63  }
0x325: {  	s30 =	simm.s32 $0xCC00;
	v3 =	vadd.s32 v1, v3  }
0x326: {  	[tilespmem:s30], [sflag:$0x3] =	stream.indirect_vreg.gather [hbm4b:s5+s3], $0x80, v4, vm0, $0xb8;
	[tilespmem:$0x1E400] =	vst v63  }
0x327: {  	s31 =	simm.s32 $0xD400  }
0x328: {  	[tilespmem:s31], [sflag:$0x3] =	stream.indirect_vreg.gather [hbm4b:s6+s3], $0x80, v4, vm0, $0xb8;
	[tilespmem:$0x1E400] =	vst v63  }
0x329: {  	s9 =	simm.s32 $0xDC00  }
0x32a: {  	[tilespmem:s9], [sflag:$0x3] =	stream.indirect_vreg.gather [hbm4b:s2+s3], $0x80, v3, vm0, $0xb8;
	[tilespmem:$0x1E400] =	vst v63  }
0x32b: {  	s11 =	simm.s32 $0xE400  }
0x32c: {  	[tilespmem:s11], [sflag:$0x3] =	stream.indirect_vreg.gather [hbm4b:s5+s3], $0x80, v3, vm0, $0xb8;
	[tilespmem:$0x1E400] =	vst v63  }
0x32d: {  	s22 =	simm.s32 $0xEC00  }
0x32e: {  	[tilespmem:s22], [sflag:$0x3] =	stream.indirect_vreg.gather [hbm4b:s6+s3], $0x80, v3, vm0, $0xb8;
	[tilespmem:$0x1E400] =	vst v63  }
0x32f: {  	v3 =	vld [tilespmem:$0x230];
	_ =	sdelay $0x4  }
0x330: {  	v35 =	vshrl.u32 v3, $0x3  }
0x331: {  	v4 =	vmul.u32 $0x30, v35  }
0x332: {  	v3 =	vand.u32 $0x7, v3  }
0x333: {  	v3 =	vor.u32 v3, v4  }
0x334: {  	v4 =	vperm.xlane v3, v0;
	_ =	sdelay $0x1  }
0x335: {  	v4 =	vadd.s32 v1, v4;
	_ =	sdelay $0x3  }
0x336: {  	s24 =	simm.s32 $0xF400;
	v3 =	vperm.xlane v3, v2  }
0x337: {  	[tilespmem:s24], [sflag:$0x3] =	stream.indirect_vreg.gather [hbm4b:s2+s3], $0x80, v4, vm0, $0xb8;
	[tilespmem:$0x1E400] =	vst v63  }
0x338: {  	s25 =	simm.s32 $0xFC00;
	v3 =	vadd.s32 v1, v3  }
0x339: {  	[tilespmem:s25], [sflag:$0x3] =	stream.indirect_vreg.gather [hbm4b:s5+s3], $0x80, v4, vm0, $0xb8;
	[tilespmem:$0x1E400] =	vst v63  }
0x33a: {  	s26 =	simm.s32 $0x10400  }
0x33b: {  	[tilespmem:s26], [sflag:$0x3] =	stream.indirect_vreg.gather [hbm4b:s6+s3], $0x80, v4, vm0, $0xb8;
	[tilespmem:$0x1E400] =	vst v63  }
0x33c: {  	s28 =	simm.s32 $0x10C00  }
0x33d: {  	[tilespmem:s28], [sflag:$0x3] =	stream.indirect_vreg.gather [hbm4b:s2+s3], $0x80, v3, vm0, $0xb8;
	[tilespmem:$0x1E400] =	vst v63  }
0x33e: {  	s29 =	simm.s32 $0x11400  }
0x33f: {  	[tilespmem:s29], [sflag:$0x3] =	stream.indirect_vreg.gather [hbm4b:s5+s3], $0x80, v3, vm0, $0xb8;
	[tilespmem:$0x1E400] =	vst v63  }
0x340: {  	s30 =	simm.s32 $0x11C00  }
0x341: {  	[tilespmem:s30], [sflag:$0x3] =	stream.indirect_vreg.gather [hbm4b:s6+s3], $0x80, v3, vm0, $0xb8;
	[tilespmem:$0x1E400] =	vst v63  }
0x342: {  	_ =	swait.ge [sflag:s18], $0x6000  }
0x343: {  	[sflag:s18] =	ssyncset.done $0x0  }
0x344: {  	s7 =	simm.s32 $0x18400;
	s31 =	rddreg [dreg:$0x12];
	[sflag:s18] =	ssyncadd.s32 $0xFFFFA000  }
0x345: {  	[hbm4b:s31+s3] =	stream.linear.scatter [tilespmem:s7], [sflag:$0xA], $0x6000, $0x38;
	[tilespmem:$0x1E400] =	vst v63  }
0x346: {  	_ =	swait.ge [sflag:s19], $0x6000  }
0x347: {  	[sflag:s19] =	ssyncset.done $0x0  }
0x348: {  	[sflag:s19] =	ssyncadd.s32 $0xFFFFA000  }
0x349: {  	v3 =	vld [tilespmem:$0x240];
	_ =	sdelay $0x4  }
0x34a: {  	v36 =	vshrl.u32 v3, $0x3  }
0x34b: {  	v4 =	vmul.u32 $0x30, v36  }
0x34c: {  	v3 =	vand.u32 $0x7, v3  }
0x34d: {  	v3 =	vor.u32 v3, v4  }
0x34e: {  	v4 =	vperm.xlane v3, v0;
	_ =	sdelay $0x1  }
0x34f: {  	v4 =	vadd.s32 v1, v4;
	_ =	sdelay $0x3  }
0x350: {  	v3 =	vperm.xlane v3, v2  }
0x351: {  	[tilespmem:s4], [sflag:$0x4] =	stream.indirect_vreg.gather [hbm4b:s2+s3], $0x80, v4, vm0, $0xb8;
	[tilespmem:$0x1E400] =	vst v63  }
0x352: {  	s26 =	simm.s32 $0x12C00;
	v3 =	vadd.s32 v1, v3  }
0x353: {  	[tilespmem:s26], [sflag:$0x4] =	stream.indirect_vreg.gather [hbm4b:s5+s3], $0x80, v4, vm0, $0xb8;
	[tilespmem:$0x1E400] =	vst v63  }
0x354: {  	s28 =	simm.s32 $0x13400  }
0x355: {  	[tilespmem:s28], [sflag:$0x4] =	stream.indirect_vreg.gather [hbm4b:s6+s3], $0x80, v4, vm0, $0xb8;
	[tilespmem:$0x1E400] =	vst v63  }
0x356: {  	s9 =	simm.s32 $0x13C00  }
0x357: {  	[tilespmem:s9], [sflag:$0x4] =	stream.indirect_vreg.gather [hbm4b:s2+s3], $0x80, v3, vm0, $0xb8;
	[tilespmem:$0x1E400] =	vst v63  }
0x358: {  	s11 =	simm.s32 $0x14400  }
0x359: {  	[tilespmem:s11], [sflag:$0x4] =	stream.indirect_vreg.gather [hbm4b:s5+s3], $0x80, v3, vm0, $0xb8;
	[tilespmem:$0x1E400] =	vst v63  }
0x35a: {  	s22 =	simm.s32 $0x14C00  }
0x35b: {  	[tilespmem:s22], [sflag:$0x4] =	stream.indirect_vreg.gather [hbm4b:s6+s3], $0x80, v3, vm0, $0xb8;
	[tilespmem:$0x1E400] =	vst v63  }
0x35c: {  	v3 =	vld [tilespmem:$0x250];
	_ =	sdelay $0x4  }
0x35d: {  	v37 =	vshrl.u32 v3, $0x3  }
0x35e: {  	v4 =	vmul.u32 $0x30, v37  }
0x35f: {  	v3 =	vand.u32 $0x7, v3  }
0x360: {  	v3 =	vor.u32 v3, v4  }
0x361: {  	v4 =	vperm.xlane v3, v0;
	_ =	sdelay $0x1  }
0x362: {  	v4 =	vadd.s32 v1, v4;
	_ =	sdelay $0x3  }
0x363: {  	s24 =	simm.s32 $0x15400;
	v3 =	vperm.xlane v3, v2  }
0x364: {  	[tilespmem:s24], [sflag:$0x4] =	stream.indirect_vreg.gather [hbm4b:s2+s3], $0x80, v4, vm0, $0xb8;
	[tilespmem:$0x1E400] =	vst v63  }
0x365: {  	s25 =	simm.s32 $0x15C00;
	v3 =	vadd.s32 v1, v3  }
0x366: {  	[tilespmem:s25], [sflag:$0x4] =	stream.indirect_vreg.gather [hbm4b:s5+s3], $0x80, v4, vm0, $0xb8;
	[tilespmem:$0x1E400] =	vst v63  }
0x367: {  	s29 =	simm.s32 $0x16400  }
0x368: {  	[tilespmem:s29], [sflag:$0x4] =	stream.indirect_vreg.gather [hbm4b:s6+s3], $0x80, v4, vm0, $0xb8;
	[tilespmem:$0x1E400] =	vst v63  }
0x369: {  	s30 =	simm.s32 $0x16C00  }
0x36a: {  	[tilespmem:s30], [sflag:$0x4] =	stream.indirect_vreg.gather [hbm4b:s2+s3], $0x80, v3, vm0, $0xb8;
	[tilespmem:$0x1E400] =	vst v63  }
0x36b: {  	s31 =	simm.s32 $0x17400  }
0x36c: {  	[tilespmem:s31], [sflag:$0x4] =	stream.indirect_vreg.gather [hbm4b:s5+s3], $0x80, v3, vm0, $0xb8;
	[tilespmem:$0x1E400] =	vst v63  }
0x36d: {  	s9 =	simm.s32 $0x17C00  }
0x36e: {  	[tilespmem:s9], [sflag:$0x4] =	stream.indirect_vreg.gather [hbm4b:s6+s3], $0x80, v3, vm0, $0xb8;
	[tilespmem:$0x1E400] =	vst v63  }
0x36f: {  	_ =	swait.ge [sflag:s10], $0x6000  }
0x370: {  	[sflag:s10] =	ssyncset.done $0x0  }
0x371: {  	s24 =	simm.s32 $0x400;
	s11 =	rddreg [dreg:$0x13];
	[sflag:s10] =	ssyncadd.s32 $0xFFFFA000  }
0x372: {  	[hbm4b:s11+s3] =	stream.linear.scatter [tilespmem:s24], [sflag:$0x6], $0x6000, $0x38;
	[tilespmem:$0x1E400] =	vst v63  }
0x373: {  	_ =	swait.ge [sflag:s20], $0x6000  }
0x374: {  	[sflag:s20] =	ssyncset.done $0x0  }
0x375: {  	[sflag:s20] =	ssyncadd.s32 $0xFFFFA000  }
0x376: {  	v3 =	vld [tilespmem:$0x260];
	_ =	sdelay $0x4  }
0x377: {  	v38 =	vshrl.u32 v3, $0x3  }
0x378: {  	v4 =	vmul.u32 $0x30, v38  }
0x379: {  	v3 =	vand.u32 $0x7, v3  }
0x37a: {  	v3 =	vor.u32 v3, v4  }
0x37b: {  	v4 =	vperm.xlane v3, v0;
	_ =	sdelay $0x1  }
0x37c: {  	v4 =	vadd.s32 v1, v4;
	_ =	sdelay $0x3  }
0x37d: {  	v3 =	vperm.xlane v3, v2  }
0x37e: {  	[tilespmem:s7], [sflag:$0x5] =	stream.indirect_vreg.gather [hbm4b:s2+s3], $0x80, v4, vm0, $0xb8;
	[tilespmem:$0x1E400] =	vst v63  }
0x37f: {  	s30 =	simm.s32 $0x18C00;
	v3 =	vadd.s32 v1, v3  }
0x380: {  	[tilespmem:s30], [sflag:$0x5] =	stream.indirect_vreg.gather [hbm4b:s5+s3], $0x80, v4, vm0, $0xb8;
	[tilespmem:$0x1E400] =	vst v63  }
0x381: {  	s31 =	simm.s32 $0x19400  }
0x382: {  	[tilespmem:s31], [sflag:$0x5] =	stream.indirect_vreg.gather [hbm4b:s6+s3], $0x80, v4, vm0, $0xb8;
	[tilespmem:$0x1E400] =	vst v63  }
0x383: {  	s29 =	simm.s32 $0x19C00  }
0x384: {  	[tilespmem:s29], [sflag:$0x5] =	stream.indirect_vreg.gather [hbm4b:s2+s3], $0x80, v3, vm0, $0xb8;
	[tilespmem:$0x1E400] =	vst v63  }
0x385: {  	s9 =	simm.s32 $0x1A400  }
0x386: {  	[tilespmem:s9], [sflag:$0x5] =	stream.indirect_vreg.gather [hbm4b:s5+s3], $0x80, v3, vm0, $0xb8;
	[tilespmem:$0x1E400] =	vst v63  }
0x387: {  	s25 =	simm.s32 $0x1AC00  }
0x388: {  	[tilespmem:s25], [sflag:$0x5] =	stream.indirect_vreg.gather [hbm4b:s6+s3], $0x80, v3, vm0, $0xb8;
	[tilespmem:$0x1E400] =	vst v63  }
0x389: {  	v3 =	vld [tilespmem:$0x270];
	_ =	sdelay $0x4  }
0x38a: {  	v39 =	vshrl.u32 v3, $0x3  }
0x38b: {  	v4 =	vmul.u32 $0x30, v39  }
0x38c: {  	v3 =	vand.u32 $0x7, v3  }
0x38d: {  	v3 =	vor.u32 v3, v4  }
0x38e: {  	v4 =	vperm.xlane v3, v0;
	_ =	sdelay $0x1  }
0x38f: {  	v4 =	vadd.s32 v1, v4;
	_ =	sdelay $0x3  }
0x390: {  	s11 =	simm.s32 $0x1B400;
	v3 =	vperm.xlane v3, v2  }
0x391: {  	[tilespmem:s11], [sflag:$0x5] =	stream.indirect_vreg.gather [hbm4b:s2+s3], $0x80, v4, vm0, $0xb8;
	[tilespmem:$0x1E400] =	vst v63  }
0x392: {  	s22 =	simm.s32 $0x1BC00;
	v3 =	vadd.s32 v1, v3  }
0x393: {  	[tilespmem:s22], [sflag:$0x5] =	stream.indirect_vreg.gather [hbm4b:s5+s3], $0x80, v4, vm0, $0xb8;
	[tilespmem:$0x1E400] =	vst v63  }
0x394: {  	_ = 	snop  }
0x395: {  	[tilespmem:s21], [sflag:$0x5] =	stream.indirect_vreg.gather [hbm4b:s6+s3], $0x80, v4, vm0, $0xb8;
	[tilespmem:$0x1E400] =	vst v63  }
0x396: {  	_ = 	snop  }
0x397: {  	[tilespmem:s23], [sflag:$0x5] =	stream.indirect_vreg.gather [hbm4b:s2+s3], $0x80, v3, vm0, $0xb8;
	[tilespmem:$0x1E400] =	vst v63  }
0x398: {  	_ = 	snop  }
0x399: {  	[tilespmem:s0], [sflag:$0x5] =	stream.indirect_vreg.gather [hbm4b:s5+s3], $0x80, v3, vm0, $0xb8;
	[tilespmem:$0x1E400] =	vst v63  }
0x39a: {  	s7 =	simm.s32 $0x1DC00  }
0x39b: {  	[tilespmem:s7], [sflag:$0x5] =	stream.indirect_vreg.gather [hbm4b:s6+s3], $0x80, v3, vm0, $0xb8;
	[tilespmem:$0x1E400] =	vst v63  }
0x39c: {  	_ =	swait.ge [sflag:s12], $0x6000  }
0x39d: {  	[sflag:s12] =	ssyncset.done $0x0  }
0x39e: {  	s29 =	simm.s32 $0x6400;
	s23 =	rddreg [dreg:$0x14];
	[sflag:s12] =	ssyncadd.s32 $0xFFFFA000  }
0x39f: {  	[hbm4b:s23+s3] =	stream.linear.scatter [tilespmem:s29], [sflag:$0x7], $0x6000, $0x38;
	[tilespmem:$0x1E400] =	vst v63  }
0x3a0: {  	_ =	swait.ge [sflag:s13], $0x6000  }
0x3a1: {  	[sflag:s13] =	ssyncset.done $0x0  }
0x3a2: {  	[sflag:s13] =	ssyncadd.s32 $0xFFFFA000  }
0x3a3: {  	v3 =	vld [tilespmem:$0x280];
	_ =	sdelay $0x4  }
0x3a4: {  	v40 =	vshrl.u32 v3, $0x3  }
0x3a5: {  	v4 =	vmul.u32 $0x30, v40  }
0x3a6: {  	v3 =	vand.u32 $0x7, v3  }
0x3a7: {  	v3 =	vor.u32 v3, v4  }
0x3a8: {  	v4 =	vperm.xlane v3, v0;
	_ =	sdelay $0x1  }
0x3a9: {  	v4 =	vadd.s32 v1, v4;
	_ =	sdelay $0x3  }
0x3aa: {  	v3 =	vperm.xlane v3, v2  }
0x3ab: {  	[tilespmem:s24], [sflag:$0x1] =	stream.indirect_vreg.gather [hbm4b:s2+s3], $0x80, v4, vm0, $0xb8;
	[tilespmem:$0x1E400] =	vst v63  }
0x3ac: {  	v3 =	vadd.s32 v1, v3;
	s24 =	simm.s32 $0xC00  }
0x3ad: {  	[tilespmem:s24], [sflag:$0x1] =	stream.indirect_vreg.gather [hbm4b:s5+s3], $0x80, v4, vm0, $0xb8;
	[tilespmem:$0x1E400] =	vst v63  }
0x3ae: {  	s9 =	simm.s32 $0x1400  }
0x3af: {  	[tilespmem:s9], [sflag:$0x1] =	stream.indirect_vreg.gather [hbm4b:s6+s3], $0x80, v4, vm0, $0xb8;
	[tilespmem:$0x1E400] =	vst v63  }
0x3b0: {  	s11 =	simm.s32 $0x1C00  }
0x3b1: {  	[tilespmem:s11], [sflag:$0x1] =	stream.indirect_vreg.gather [hbm4b:s2+s3], $0x80, v3, vm0, $0xb8;
	[tilespmem:$0x1E400] =	vst v63  }
0x3b2: {  	s21 =	simm.s32 $0x2400  }
0x3b3: {  	[tilespmem:s21], [sflag:$0x1] =	stream.indirect_vreg.gather [hbm4b:s5+s3], $0x80, v3, vm0, $0xb8;
	[tilespmem:$0x1E400] =	vst v63  }
0x3b4: {  	s22 =	simm.s32 $0x2C00  }
0x3b5: {  	[tilespmem:s22], [sflag:$0x1] =	stream.indirect_vreg.gather [hbm4b:s6+s3], $0x80, v3, vm0, $0xb8;
	[tilespmem:$0x1E400] =	vst v63  }
0x3b6: {  	v3 =	vld [tilespmem:$0x290];
	_ =	sdelay $0x4  }
0x3b7: {  	v41 =	vshrl.u32 v3, $0x3  }
0x3b8: {  	v4 =	vmul.u32 $0x30, v41  }
0x3b9: {  	v3 =	vand.u32 $0x7, v3  }
0x3ba: {  	v3 =	vor.u32 v3, v4  }
0x3bb: {  	v4 =	vperm.xlane v3, v0;
	_ =	sdelay $0x1  }
0x3bc: {  	v4 =	vadd.s32 v1, v4;
	_ =	sdelay $0x3  }
0x3bd: {  	s23 =	simm.s32 $0x3400;
	v3 =	vperm.xlane v3, v2  }
0x3be: {  	[tilespmem:s23], [sflag:$0x1] =	stream.indirect_vreg.gather [hbm4b:s2+s3], $0x80, v4, vm0, $0xb8;
	[tilespmem:$0x1E400] =	vst v63  }
0x3bf: {  	s24 =	simm.s32 $0x3C00;
	v3 =	vadd.s32 v1, v3  }
0x3c0: {  	[tilespmem:s24], [sflag:$0x1] =	stream.indirect_vreg.gather [hbm4b:s5+s3], $0x80, v4, vm0, $0xb8;
	[tilespmem:$0x1E400] =	vst v63  }
0x3c1: {  	s11 =	simm.s32 $0x4400  }
0x3c2: {  	[tilespmem:s11], [sflag:$0x1] =	stream.indirect_vreg.gather [hbm4b:s6+s3], $0x80, v4, vm0, $0xb8;
	[tilespmem:$0x1E400] =	vst v63  }
0x3c3: {  	s21 =	simm.s32 $0x4C00  }
0x3c4: {  	[tilespmem:s21], [sflag:$0x1] =	stream.indirect_vreg.gather [hbm4b:s2+s3], $0x80, v3, vm0, $0xb8;
	[tilespmem:$0x1E400] =	vst v63  }
0x3c5: {  	s23 =	simm.s32 $0x5400  }
0x3c6: {  	[tilespmem:s23], [sflag:$0x1] =	stream.indirect_vreg.gather [hbm4b:s5+s3], $0x80, v3, vm0, $0xb8;
	[tilespmem:$0x1E400] =	vst v63  }
0x3c7: {  	s24 =	simm.s32 $0x5C00  }
0x3c8: {  	[tilespmem:s24], [sflag:$0x1] =	stream.indirect_vreg.gather [hbm4b:s6+s3], $0x80, v3, vm0, $0xb8;
	[tilespmem:$0x1E400] =	vst v63  }
0x3c9: {  	_ =	swait.ge [sflag:s14], $0x6000  }
0x3ca: {  	[sflag:s14] =	ssyncset.done $0x0  }
0x3cb: {  	s8 =	simm.s32 $0xC400;
	s9 =	rddreg [dreg:$0x15];
	[sflag:s14] =	ssyncadd.s32 $0xFFFFA000  }
0x3cc: {  	[hbm4b:s9+s3] =	stream.linear.scatter [tilespmem:s8], [sflag:$0x8], $0x6000, $0x38;
	[tilespmem:$0x1E400] =	vst v63  }
0x3cd: {  	_ =	swait.ge [sflag:s15], $0x6000  }
0x3ce: {  	[sflag:s15] =	ssyncset.done $0x0  }
0x3cf: {  	[sflag:s15] =	ssyncadd.s32 $0xFFFFA000  }
0x3d0: {  	v3 =	vld [tilespmem:$0x2A0];
	_ =	sdelay $0x4  }
0x3d1: {  	v42 =	vshrl.u32 v3, $0x3  }
0x3d2: {  	v4 =	vmul.u32 $0x30, v42  }
0x3d3: {  	v3 =	vand.u32 $0x7, v3  }
0x3d4: {  	v3 =	vor.u32 v3, v4  }
0x3d5: {  	v4 =	vperm.xlane v3, v0;
	_ =	sdelay $0x1  }
0x3d6: {  	v4 =	vadd.s32 v1, v4;
	_ =	sdelay $0x3  }
0x3d7: {  	v3 =	vperm.xlane v3, v2  }
0x3d8: {  	[tilespmem:s29], [sflag:$0x2] =	stream.indirect_vreg.gather [hbm4b:s2+s3], $0x80, v4, vm0, $0xb8;
	[tilespmem:$0x1E400] =	vst v63  }
0x3d9: {  	v3 =	vadd.s32 v1, v3  }
0x3da: {  	[tilespmem:s1], [sflag:$0x2] =	stream.indirect_vreg.gather [hbm4b:s5+s3], $0x80, v4, vm0, $0xb8;
	[tilespmem:$0x1E400] =	vst v63  }
0x3db: {  	s9 =	simm.s32 $0x7400  }
0x3dc: {  	[tilespmem:s9], [sflag:$0x2] =	stream.indirect_vreg.gather [hbm4b:s6+s3], $0x80, v4, vm0, $0xb8;
	[tilespmem:$0x1E400] =	vst v63  }
0x3dd: {  	s29 =	simm.s32 $0x7C00  }
0x3de: {  	[tilespmem:s29], [sflag:$0x2] =	stream.indirect_vreg.gather [hbm4b:s2+s3], $0x80, v3, vm0, $0xb8;
	[tilespmem:$0x1E400] =	vst v63  }
0x3df: {  	s0 =	simm.s32 $0x8400  }
0x3e0: {  	[tilespmem:s0], [sflag:$0x2] =	stream.indirect_vreg.gather [hbm4b:s5+s3], $0x80, v3, vm0, $0xb8;
	[tilespmem:$0x1E400] =	vst v63  }
0x3e1: {  	s22 =	simm.s32 $0x8C00  }
0x3e2: {  	[tilespmem:s22], [sflag:$0x2] =	stream.indirect_vreg.gather [hbm4b:s6+s3], $0x80, v3, vm0, $0xb8;
	[tilespmem:$0x1E400] =	vst v63  }
0x3e3: {  	v3 =	vld [tilespmem:$0x2B0];
	_ =	sdelay $0x4  }
0x3e4: {  	v43 =	vshrl.u32 v3, $0x3  }
0x3e5: {  	v4 =	vmul.u32 $0x30, v43  }
0x3e6: {  	v3 =	vand.u32 $0x7, v3  }
0x3e7: {  	v3 =	vor.u32 v3, v4  }
0x3e8: {  	v4 =	vperm.xlane v3, v0;
	_ =	sdelay $0x1  }
0x3e9: {  	v4 =	vadd.s32 v1, v4;
	_ =	sdelay $0x3  }
0x3ea: {  	s0 =	simm.s32 $0x9400;
	v3 =	vperm.xlane v3, v2  }
0x3eb: {  	[tilespmem:s0], [sflag:$0x2] =	stream.indirect_vreg.gather [hbm4b:s2+s3], $0x80, v4, vm0, $0xb8;
	[tilespmem:$0x1E400] =	vst v63  }
0x3ec: {  	s22 =	simm.s32 $0x9C00;
	v3 =	vadd.s32 v1, v3  }
0x3ed: {  	[tilespmem:s22], [sflag:$0x2] =	stream.indirect_vreg.gather [hbm4b:s5+s3], $0x80, v4, vm0, $0xb8;
	[tilespmem:$0x1E400] =	vst v63  }
0x3ee: {  	s0 =	simm.s32 $0xA400  }
0x3ef: {  	[tilespmem:s0], [sflag:$0x2] =	stream.indirect_vreg.gather [hbm4b:s6+s3], $0x80, v4, vm0, $0xb8;
	[tilespmem:$0x1E400] =	vst v63  }
0x3f0: {  	s22 =	simm.s32 $0xAC00  }
0x3f1: {  	[tilespmem:s22], [sflag:$0x2] =	stream.indirect_vreg.gather [hbm4b:s2+s3], $0x80, v3, vm0, $0xb8;
	[tilespmem:$0x1E400] =	vst v63  }
0x3f2: {  	s0 =	simm.s32 $0xB400  }
0x3f3: {  	[tilespmem:s0], [sflag:$0x2] =	stream.indirect_vreg.gather [hbm4b:s5+s3], $0x80, v3, vm0, $0xb8;
	[tilespmem:$0x1E400] =	vst v63  }
0x3f4: {  	s22 =	simm.s32 $0xBC00  }
0x3f5: {  	[tilespmem:s22], [sflag:$0x2] =	stream.indirect_vreg.gather [hbm4b:s6+s3], $0x80, v3, vm0, $0xb8;
	[tilespmem:$0x1E400] =	vst v63  }
0x3f6: {  	_ =	swait.ge [sflag:s16], $0x6000  }
0x3f7: {  	[sflag:s16] =	ssyncset.done $0x0  }
0x3f8: {  	s1 =	simm.s32 $0x12400;
	s0 =	rddreg [dreg:$0x16];
	[sflag:s16] =	ssyncadd.s32 $0xFFFFA000  }
0x3f9: {  	[hbm4b:s0+s3] =	stream.linear.scatter [tilespmem:s1], [sflag:$0x9], $0x6000, $0x38;
	[tilespmem:$0x1E400] =	vst v63  }
0x3fa: {  	_ =	swait.ge [sflag:s17], $0x6000  }
0x3fb: {  	[sflag:s17] =	ssyncset.done $0x0  }
0x3fc: {  	[sflag:s17] =	ssyncadd.s32 $0xFFFFA000  }
0x3fd: {  	v3 =	vld [tilespmem:$0x2C0];
	_ =	sdelay $0x4  }
0x3fe: {  	v44 =	vshrl.u32 v3, $0x3  }
0x3ff: {  	v4 =	vmul.u32 $0x30, v44  }
0x400: {  	v3 =	vand.u32 $0x7, v3  }
0x401: {  	v3 =	vor.u32 v3, v4  }
0x402: {  	v4 =	vperm.xlane v3, v0;
	_ =	sdelay $0x1  }
0x403: {  	v4 =	vadd.s32 v1, v4;
	_ =	sdelay $0x3  }
0x404: {  	v3 =	vperm.xlane v3, v2  }
0x405: {  	[tilespmem:s8], [sflag:$0x3] =	stream.indirect_vreg.gather [hbm4b:s2+s3], $0x80, v4, vm0, $0xb8;
	[tilespmem:$0x1E400] =	vst v63  }
0x406: {  	s22 =	simm.s32 $0xCC00;
	v3 =	vadd.s32 v1, v3  }
0x407: {  	[tilespmem:s22], [sflag:$0x3] =	stream.indirect_vreg.gather [hbm4b:s5+s3], $0x80, v4, vm0, $0xb8;
	[tilespmem:$0x1E400] =	vst v63  }
0x408: {  	s8 =	simm.s32 $0xD400  }
0x409: {  	[tilespmem:s8], [sflag:$0x3] =	stream.indirect_vreg.gather [hbm4b:s6+s3], $0x80, v4, vm0, $0xb8;
	[tilespmem:$0x1E400] =	vst v63  }
0x40a: {  	s22 =	simm.s32 $0xDC00  }
0x40b: {  	[tilespmem:s22], [sflag:$0x3] =	stream.indirect_vreg.gather [hbm4b:s2+s3], $0x80, v3, vm0, $0xb8;
	[tilespmem:$0x1E400] =	vst v63  }
0x40c: {  	s8 =	simm.s32 $0xE400  }
0x40d: {  	[tilespmem:s8], [sflag:$0x3] =	stream.indirect_vreg.gather [hbm4b:s5+s3], $0x80, v3, vm0, $0xb8;
	[tilespmem:$0x1E400] =	vst v63  }
0x40e: {  	s22 =	simm.s32 $0xEC00  }
0x40f: {  	[tilespmem:s22], [sflag:$0x3] =	stream.indirect_vreg.gather [hbm4b:s6+s3], $0x80, v3, vm0, $0xb8;
	[tilespmem:$0x1E400] =	vst v63  }
0x410: {  	v3 =	vld [tilespmem:$0x2D0];
	_ =	sdelay $0x4  }
0x411: {  	v45 =	vshrl.u32 v3, $0x3  }
0x412: {  	v4 =	vmul.u32 $0x30, v45  }
0x413: {  	v3 =	vand.u32 $0x7, v3  }
0x414: {  	v3 =	vor.u32 v3, v4  }
0x415: {  	v4 =	vperm.xlane v3, v0;
	_ =	sdelay $0x1  }
0x416: {  	v4 =	vadd.s32 v1, v4;
	_ =	sdelay $0x3  }
0x417: {  	s8 =	simm.s32 $0xF400;
	v3 =	vperm.xlane v3, v2  }
0x418: {  	[tilespmem:s8], [sflag:$0x3] =	stream.indirect_vreg.gather [hbm4b:s2+s3], $0x80, v4, vm0, $0xb8;
	[tilespmem:$0x1E400] =	vst v63  }
0x419: {  	s22 =	simm.s32 $0xFC00;
	v3 =	vadd.s32 v1, v3  }
0x41a: {  	[tilespmem:s22], [sflag:$0x3] =	stream.indirect_vreg.gather [hbm4b:s5+s3], $0x80, v4, vm0, $0xb8;
	[tilespmem:$0x1E400] =	vst v63  }
0x41b: {  	s8 =	simm.s32 $0x10400  }
0x41c: {  	[tilespmem:s8], [sflag:$0x3] =	stream.indirect_vreg.gather [hbm4b:s6+s3], $0x80, v4, vm0, $0xb8;
	[tilespmem:$0x1E400] =	vst v63  }
0x41d: {  	s22 =	simm.s32 $0x10C00  }
0x41e: {  	[tilespmem:s22], [sflag:$0x3] =	stream.indirect_vreg.gather [hbm4b:s2+s3], $0x80, v3, vm0, $0xb8;
	[tilespmem:$0x1E400] =	vst v63  }
0x41f: {  	s8 =	simm.s32 $0x11400  }
0x420: {  	[tilespmem:s8], [sflag:$0x3] =	stream.indirect_vreg.gather [hbm4b:s5+s3], $0x80, v3, vm0, $0xb8;
	[tilespmem:$0x1E400] =	vst v63  }
0x421: {  	s22 =	simm.s32 $0x11C00  }
0x422: {  	[tilespmem:s22], [sflag:$0x3] =	stream.indirect_vreg.gather [hbm4b:s6+s3], $0x80, v3, vm0, $0xb8;
	[tilespmem:$0x1E400] =	vst v63  }
0x423: {  	_ =	swait.ge [sflag:s18], $0x6000  }
0x424: {  	[sflag:s18] =	ssyncset.done $0x0  }
0x425: {  	s0 =	simm.s32 $0x18400;
	s8 =	rddreg [dreg:$0x17];
	[sflag:s18] =	ssyncadd.s32 $0xFFFFA000  }
0x426: {  	[hbm4b:s8+s3] =	stream.linear.scatter [tilespmem:s0], [sflag:$0xA], $0x6000, $0x38;
	[tilespmem:$0x1E400] =	vst v63  }
0x427: {  	_ =	swait.ge [sflag:s19], $0x6000  }
0x428: {  	[sflag:s19] =	ssyncset.done $0x0  }
0x429: {  	[sflag:s19] =	ssyncadd.s32 $0xFFFFA000  }
0x42a: {  	v3 =	vld [tilespmem:$0x2E0];
	_ =	sdelay $0x4  }
0x42b: {  	v46 =	vshrl.u32 v3, $0x3  }
0x42c: {  	v4 =	vmul.u32 $0x30, v46  }
0x42d: {  	v3 =	vand.u32 $0x7, v3  }
0x42e: {  	v3 =	vor.u32 v3, v4  }
0x42f: {  	v4 =	vperm.xlane v3, v0;
	_ =	sdelay $0x1  }
0x430: {  	v4 =	vadd.s32 v1, v4;
	_ =	sdelay $0x3  }
0x431: {  	v3 =	vperm.xlane v3, v2  }
0x432: {  	[tilespmem:s1], [sflag:$0x4] =	stream.indirect_vreg.gather [hbm4b:s2+s3], $0x80, v4, vm0, $0xb8;
	[tilespmem:$0x1E400] =	vst v63  }
0x433: {  	v3 =	vadd.s32 v1, v3  }
0x434: {  	[tilespmem:s26], [sflag:$0x4] =	stream.indirect_vreg.gather [hbm4b:s5+s3], $0x80, v4, vm0, $0xb8;
	[tilespmem:$0x1E400] =	vst v63  }
0x435: {  	_ = 	snop  }
0x436: {  	[tilespmem:s28], [sflag:$0x4] =	stream.indirect_vreg.gather [hbm4b:s6+s3], $0x80, v4, vm0, $0xb8;
	[tilespmem:$0x1E400] =	vst v63  }
0x437: {  	s26 =	simm.s32 $0x13C00  }
0x438: {  	[tilespmem:s26], [sflag:$0x4] =	stream.indirect_vreg.gather [hbm4b:s2+s3], $0x80, v3, vm0, $0xb8;
	[tilespmem:$0x1E400] =	vst v63  }
0x439: {  	s8 =	simm.s32 $0x14400  }
0x43a: {  	[tilespmem:s8], [sflag:$0x4] =	stream.indirect_vreg.gather [hbm4b:s5+s3], $0x80, v3, vm0, $0xb8;
	[tilespmem:$0x1E400] =	vst v63  }
0x43b: {  	s22 =	simm.s32 $0x14C00  }
0x43c: {  	[tilespmem:s22], [sflag:$0x4] =	stream.indirect_vreg.gather [hbm4b:s6+s3], $0x80, v3, vm0, $0xb8;
	[tilespmem:$0x1E400] =	vst v63  }
0x43d: {  	v3 =	vld [tilespmem:$0x2F0];
	_ =	sdelay $0x4  }
0x43e: {  	v47 =	vshrl.u32 v3, $0x3  }
0x43f: {  	v4 =	vmul.u32 $0x30, v47  }
0x440: {  	v3 =	vand.u32 $0x7, v3  }
0x441: {  	v3 =	vor.u32 v3, v4  }
0x442: {  	v4 =	vperm.xlane v3, v0;
	_ =	sdelay $0x1  }
0x443: {  	v4 =	vadd.s32 v1, v4;
	_ =	sdelay $0x3  }
0x444: {  	s26 =	simm.s32 $0x15400;
	v3 =	vperm.xlane v3, v2  }
0x445: {  	[tilespmem:s26], [sflag:$0x4] =	stream.indirect_vreg.gather [hbm4b:s2+s3], $0x80, v4, vm0, $0xb8;
	[tilespmem:$0x1E400] =	vst v63  }
0x446: {  	s8 =	simm.s32 $0x15C00;
	v3 =	vadd.s32 v1, v3  }
0x447: {  	[tilespmem:s8], [sflag:$0x4] =	stream.indirect_vreg.gather [hbm4b:s5+s3], $0x80, v4, vm0, $0xb8;
	[tilespmem:$0x1E400] =	vst v63  }
0x448: {  	s22 =	simm.s32 $0x16400  }
0x449: {  	[tilespmem:s22], [sflag:$0x4] =	stream.indirect_vreg.gather [hbm4b:s6+s3], $0x80, v4, vm0, $0xb8;
	[tilespmem:$0x1E400] =	vst v63  }
0x44a: {  	s26 =	simm.s32 $0x16C00  }
0x44b: {  	[tilespmem:s26], [sflag:$0x4] =	stream.indirect_vreg.gather [hbm4b:s2+s3], $0x80, v3, vm0, $0xb8;
	[tilespmem:$0x1E400] =	vst v63  }
0x44c: {  	s8 =	simm.s32 $0x17400  }
0x44d: {  	[tilespmem:s8], [sflag:$0x4] =	stream.indirect_vreg.gather [hbm4b:s5+s3], $0x80, v3, vm0, $0xb8;
	[tilespmem:$0x1E400] =	vst v63  }
0x44e: {  	s22 =	simm.s32 $0x17C00  }
0x44f: {  	[tilespmem:s22], [sflag:$0x4] =	stream.indirect_vreg.gather [hbm4b:s6+s3], $0x80, v3, vm0, $0xb8;
	[tilespmem:$0x1E400] =	vst v63  }
0x450: {  	_ =	swait.ge [sflag:s10], $0x6000  }
0x451: {  	[sflag:s10] =	ssyncset.done $0x0  }
0x452: {  	s4 =	simm.s32 $0x400;
	s26 =	rddreg [dreg:$0x18];
	[sflag:s10] =	ssyncadd.s32 $0xFFFFA000  }
0x453: {  	[hbm4b:s26+s3] =	stream.linear.scatter [tilespmem:s4], [sflag:$0x6], $0x6000, $0x38;
	[tilespmem:$0x1E400] =	vst v63  }
0x454: {  	_ =	swait.ge [sflag:s20], $0x6000  }
0x455: {  	[sflag:s20] =	ssyncset.done $0x0  }
0x456: {  	[sflag:s20] =	ssyncadd.s32 $0xFFFFA000  }
0x457: {  	v3 =	vld [tilespmem:$0x300];
	_ =	sdelay $0x4  }
0x458: {  	v48 =	vshrl.u32 v3, $0x3  }
0x459: {  	v4 =	vmul.u32 $0x30, v48  }
0x45a: {  	v3 =	vand.u32 $0x7, v3  }
0x45b: {  	v3 =	vor.u32 v3, v4  }
0x45c: {  	v4 =	vperm.xlane v3, v0;
	_ =	sdelay $0x1  }
0x45d: {  	v4 =	vadd.s32 v1, v4;
	_ =	sdelay $0x3  }
0x45e: {  	v3 =	vperm.xlane v3, v2  }
0x45f: {  	[tilespmem:s0], [sflag:$0x5] =	stream.indirect_vreg.gather [hbm4b:s2+s3], $0x80, v4, vm0, $0xb8;
	[tilespmem:$0x1E400] =	vst v63  }
0x460: {  	v3 =	vadd.s32 v1, v3  }
0x461: {  	[tilespmem:s30], [sflag:$0x5] =	stream.indirect_vreg.gather [hbm4b:s5+s3], $0x80, v4, vm0, $0xb8;
	[tilespmem:$0x1E400] =	vst v63  }
0x462: {  	_ = 	snop  }
0x463: {  	[tilespmem:s31], [sflag:$0x5] =	stream.indirect_vreg.gather [hbm4b:s6+s3], $0x80, v4, vm0, $0xb8;
	[tilespmem:$0x1E400] =	vst v63  }
0x464: {  	s0 =	simm.s32 $0x19C00  }
0x465: {  	[tilespmem:s0], [sflag:$0x5] =	stream.indirect_vreg.gather [hbm4b:s2+s3], $0x80, v3, vm0, $0xb8;
	[tilespmem:$0x1E400] =	vst v63  }
0x466: {  	s8 =	simm.s32 $0x1A400  }
0x467: {  	[tilespmem:s8], [sflag:$0x5] =	stream.indirect_vreg.gather [hbm4b:s5+s3], $0x80, v3, vm0, $0xb8;
	[tilespmem:$0x1E400] =	vst v63  }
0x468: {  	_ = 	snop  }
0x469: {  	[tilespmem:s25], [sflag:$0x5] =	stream.indirect_vreg.gather [hbm4b:s6+s3], $0x80, v3, vm0, $0xb8;
	[tilespmem:$0x1E400] =	vst v63  }
0x46a: {  	v3 =	vld [tilespmem:$0x310];
	_ =	sdelay $0x4  }
0x46b: {  	v49 =	vshrl.u32 v3, $0x3  }
0x46c: {  	v4 =	vmul.u32 $0x30, v49  }
0x46d: {  	v3 =	vand.u32 $0x7, v3  }
0x46e: {  	v3 =	vor.u32 v3, v4  }
0x46f: {  	v4 =	vperm.xlane v3, v0;
	_ =	sdelay $0x1  }
0x470: {  	v4 =	vadd.s32 v1, v4;
	_ =	sdelay $0x3  }
0x471: {  	s22 =	simm.s32 $0x1B400;
	v3 =	vperm.xlane v3, v2  }
0x472: {  	[tilespmem:s22], [sflag:$0x5] =	stream.indirect_vreg.gather [hbm4b:s2+s3], $0x80, v4, vm0, $0xb8;
	[tilespmem:$0x1E400] =	vst v63  }
0x473: {  	s0 =	simm.s32 $0x1BC00;
	v3 =	vadd.s32 v1, v3  }
0x474: {  	[tilespmem:s0], [sflag:$0x5] =	stream.indirect_vreg.gather [hbm4b:s5+s3], $0x80, v4, vm0, $0xb8;
	[tilespmem:$0x1E400] =	vst v63  }
0x475: {  	s1 =	simm.s32 $0x1C400  }
0x476: {  	[tilespmem:s1], [sflag:$0x5] =	stream.indirect_vreg.gather [hbm4b:s6+s3], $0x80, v4, vm0, $0xb8;
	[tilespmem:$0x1E400] =	vst v63  }
0x477: {  	s8 =	simm.s32 $0x1CC00  }
0x478: {  	[tilespmem:s8], [sflag:$0x5] =	stream.indirect_vreg.gather [hbm4b:s2+s3], $0x80, v3, vm0, $0xb8;
	[tilespmem:$0x1E400] =	vst v63  }
0x479: {  	s22 =	simm.s32 $0x1D400  }
0x47a: {  	[tilespmem:s22], [sflag:$0x5] =	stream.indirect_vreg.gather [hbm4b:s5+s3], $0x80, v3, vm0, $0xb8;
	[tilespmem:$0x1E400] =	vst v63  }
0x47b: {  	_ = 	snop  }
0x47c: {  	[tilespmem:s7], [sflag:$0x5] =	stream.indirect_vreg.gather [hbm4b:s6+s3], $0x80, v3, vm0, $0xb8;
	[tilespmem:$0x1E400] =	vst v63  }
0x47d: {  	_ =	swait.ge [sflag:s12], $0x6000  }
0x47e: {  	[sflag:s12] =	ssyncset.done $0x0  }
0x47f: {  	s1 =	simm.s32 $0x6400;
	s0 =	rddreg [dreg:$0x19];
	[sflag:s12] =	ssyncadd.s32 $0xFFFFA000  }
0x480: {  	[hbm4b:s0+s3] =	stream.linear.scatter [tilespmem:s1], [sflag:$0x7], $0x6000, $0x38;
	[tilespmem:$0x1E400] =	vst v63  }
0x481: {  	_ =	swait.ge [sflag:s13], $0x6000  }
0x482: {  	[sflag:s13] =	ssyncset.done $0x0  }
0x483: {  	[sflag:s13] =	ssyncadd.s32 $0xFFFFA000  }
0x484: {  	v3 =	vld [tilespmem:$0x320];
	_ =	sdelay $0x4  }
0x485: {  	v50 =	vshrl.u32 v3, $0x3  }
0x486: {  	v4 =	vmul.u32 $0x30, v50  }
0x487: {  	v3 =	vand.u32 $0x7, v3  }
0x488: {  	v3 =	vor.u32 v3, v4  }
0x489: {  	v4 =	vperm.xlane v3, v0;
	_ =	sdelay $0x1  }
0x48a: {  	v4 =	vadd.s32 v1, v4;
	_ =	sdelay $0x3  }
0x48b: {  	v3 =	vperm.xlane v3, v2  }
0x48c: {  	[tilespmem:s4], [sflag:$0x1] =	stream.indirect_vreg.gather [hbm4b:s2+s3], $0x80, v4, vm0, $0xb8;
	[tilespmem:$0x1E400] =	vst v63  }
0x48d: {  	v3 =	vadd.s32 v1, v3;
	s4 =	simm.s32 $0xC00  }
0x48e: {  	[tilespmem:s4], [sflag:$0x1] =	stream.indirect_vreg.gather [hbm4b:s5+s3], $0x80, v4, vm0, $0xb8;
	[tilespmem:$0x1E400] =	vst v63  }
0x48f: {  	s7 =	simm.s32 $0x1400  }
0x490: {  	[tilespmem:s7], [sflag:$0x1] =	stream.indirect_vreg.gather [hbm4b:s6+s3], $0x80, v4, vm0, $0xb8;
	[tilespmem:$0x1E400] =	vst v63  }
0x491: {  	s8 =	simm.s32 $0x1C00  }
0x492: {  	[tilespmem:s8], [sflag:$0x1] =	stream.indirect_vreg.gather [hbm4b:s2+s3], $0x80, v3, vm0, $0xb8;
	[tilespmem:$0x1E400] =	vst v63  }
0x493: {  	s22 =	simm.s32 $0x2400  }
0x494: {  	[tilespmem:s22], [sflag:$0x1] =	stream.indirect_vreg.gather [hbm4b:s5+s3], $0x80, v3, vm0, $0xb8;
	[tilespmem:$0x1E400] =	vst v63  }
0x495: {  	s4 =	simm.s32 $0x2C00  }
0x496: {  	[tilespmem:s4], [sflag:$0x1] =	stream.indirect_vreg.gather [hbm4b:s6+s3], $0x80, v3, vm0, $0xb8;
	[tilespmem:$0x1E400] =	vst v63  }
0x497: {  	v3 =	vld [tilespmem:$0x330];
	_ =	sdelay $0x4  }
0x498: {  	v51 =	vshrl.u32 v3, $0x3  }
0x499: {  	v4 =	vmul.u32 $0x30, v51  }
0x49a: {  	v3 =	vand.u32 $0x7, v3  }
0x49b: {  	v3 =	vor.u32 v3, v4  }
0x49c: {  	v4 =	vperm.xlane v3, v0;
	_ =	sdelay $0x1  }
0x49d: {  	v4 =	vadd.s32 v1, v4;
	_ =	sdelay $0x3  }
0x49e: {  	s7 =	simm.s32 $0x3400;
	v3 =	vperm.xlane v3, v2  }
0x49f: {  	[tilespmem:s7], [sflag:$0x1] =	stream.indirect_vreg.gather [hbm4b:s2+s3], $0x80, v4, vm0, $0xb8;
	[tilespmem:$0x1E400] =	vst v63  }
0x4a0: {  	s22 =	simm.s32 $0x3C00;
	v3 =	vadd.s32 v1, v3  }
0x4a1: {  	[tilespmem:s22], [sflag:$0x1] =	stream.indirect_vreg.gather [hbm4b:s5+s3], $0x80, v4, vm0, $0xb8;
	[tilespmem:$0x1E400] =	vst v63  }
0x4a2: {  	_ = 	snop  }
0x4a3: {  	[tilespmem:s11], [sflag:$0x1] =	stream.indirect_vreg.gather [hbm4b:s6+s3], $0x80, v4, vm0, $0xb8;
	[tilespmem:$0x1E400] =	vst v63  }
0x4a4: {  	_ = 	snop  }
0x4a5: {  	[tilespmem:s21], [sflag:$0x1] =	stream.indirect_vreg.gather [hbm4b:s2+s3], $0x80, v3, vm0, $0xb8;
	[tilespmem:$0x1E400] =	vst v63  }
0x4a6: {  	_ = 	snop  }
0x4a7: {  	[tilespmem:s23], [sflag:$0x1] =	stream.indirect_vreg.gather [hbm4b:s5+s3], $0x80, v3, vm0, $0xb8;
	[tilespmem:$0x1E400] =	vst v63  }
0x4a8: {  	_ = 	snop  }
0x4a9: {  	[tilespmem:s24], [sflag:$0x1] =	stream.indirect_vreg.gather [hbm4b:s6+s3], $0x80, v3, vm0, $0xb8;
	[tilespmem:$0x1E400] =	vst v63  }
0x4aa: {  	_ =	swait.ge [sflag:s14], $0x6000  }
0x4ab: {  	[sflag:s14] =	ssyncset.done $0x0  }
0x4ac: {  	s0 =	simm.s32 $0xC400;
	s24 =	rddreg [dreg:$0x1a];
	[sflag:s14] =	ssyncadd.s32 $0xFFFFA000  }
0x4ad: {  	[hbm4b:s24+s3] =	stream.linear.scatter [tilespmem:s0], [sflag:$0x8], $0x6000, $0x38;
	[tilespmem:$0x1E400] =	vst v63  }
0x4ae: {  	_ =	swait.ge [sflag:s15], $0x6000  }
0x4af: {  	[sflag:s15] =	ssyncset.done $0x0  }
0x4b0: {  	[sflag:s15] =	ssyncadd.s32 $0xFFFFA000  }
0x4b1: {  	v3 =	vld [tilespmem:$0x340];
	_ =	sdelay $0x4  }
0x4b2: {  	v52 =	vshrl.u32 v3, $0x3  }
0x4b3: {  	v4 =	vmul.u32 $0x30, v52  }
0x4b4: {  	v3 =	vand.u32 $0x7, v3  }
0x4b5: {  	v3 =	vor.u32 v3, v4  }
0x4b6: {  	v4 =	vperm.xlane v3, v0;
	_ =	sdelay $0x1  }
0x4b7: {  	v4 =	vadd.s32 v1, v4;
	_ =	sdelay $0x3  }
0x4b8: {  	v3 =	vperm.xlane v3, v2  }
0x4b9: {  	[tilespmem:s1], [sflag:$0x2] =	stream.indirect_vreg.gather [hbm4b:s2+s3], $0x80, v4, vm0, $0xb8;
	[tilespmem:$0x1E400] =	vst v63  }
0x4ba: {  	s7 =	simm.s32 $0x6C00;
	v3 =	vadd.s32 v1, v3  }
0x4bb: {  	[tilespmem:s7], [sflag:$0x2] =	stream.indirect_vreg.gather [hbm4b:s5+s3], $0x80, v4, vm0, $0xb8;
	[tilespmem:$0x1E400] =	vst v63  }
0x4bc: {  	_ = 	snop  }
0x4bd: {  	[tilespmem:s9], [sflag:$0x2] =	stream.indirect_vreg.gather [hbm4b:s6+s3], $0x80, v4, vm0, $0xb8;
	[tilespmem:$0x1E400] =	vst v63  }
0x4be: {  	_ = 	snop  }
0x4bf: {  	[tilespmem:s29], [sflag:$0x2] =	stream.indirect_vreg.gather [hbm4b:s2+s3], $0x80, v3, vm0, $0xb8;
	[tilespmem:$0x1E400] =	vst v63  }
0x4c0: {  	s29 =	simm.s32 $0x8400  }
0x4c1: {  	[tilespmem:s29], [sflag:$0x2] =	stream.indirect_vreg.gather [hbm4b:s5+s3], $0x80, v3, vm0, $0xb8;
	[tilespmem:$0x1E400] =	vst v63  }
0x4c2: {  	s8 =	simm.s32 $0x8C00  }
0x4c3: {  	[tilespmem:s8], [sflag:$0x2] =	stream.indirect_vreg.gather [hbm4b:s6+s3], $0x80, v3, vm0, $0xb8;
	[tilespmem:$0x1E400] =	vst v63  }
0x4c4: {  	v3 =	vld [tilespmem:$0x350];
	_ =	sdelay $0x4  }
0x4c5: {  	v53 =	vshrl.u32 v3, $0x3  }
0x4c6: {  	v4 =	vmul.u32 $0x30, v53  }
0x4c7: {  	v3 =	vand.u32 $0x7, v3  }
0x4c8: {  	v3 =	vor.u32 v3, v4  }
0x4c9: {  	v4 =	vperm.xlane v3, v0;
	_ =	sdelay $0x1  }
0x4ca: {  	v4 =	vadd.s32 v1, v4;
	_ =	sdelay $0x3  }
0x4cb: {  	s9 =	simm.s32 $0x9400;
	v3 =	vperm.xlane v3, v2  }
0x4cc: {  	[tilespmem:s9], [sflag:$0x2] =	stream.indirect_vreg.gather [hbm4b:s2+s3], $0x80, v4, vm0, $0xb8;
	[tilespmem:$0x1E400] =	vst v63  }
0x4cd: {  	s8 =	simm.s32 $0x9C00;
	v3 =	vadd.s32 v1, v3  }
0x4ce: {  	[tilespmem:s8], [sflag:$0x2] =	stream.indirect_vreg.gather [hbm4b:s5+s3], $0x80, v4, vm0, $0xb8;
	[tilespmem:$0x1E400] =	vst v63  }
0x4cf: {  	s9 =	simm.s32 $0xA400  }
0x4d0: {  	[tilespmem:s9], [sflag:$0x2] =	stream.indirect_vreg.gather [hbm4b:s6+s3], $0x80, v4, vm0, $0xb8;
	[tilespmem:$0x1E400] =	vst v63  }
0x4d1: {  	s8 =	simm.s32 $0xAC00  }
0x4d2: {  	[tilespmem:s8], [sflag:$0x2] =	stream.indirect_vreg.gather [hbm4b:s2+s3], $0x80, v3, vm0, $0xb8;
	[tilespmem:$0x1E400] =	vst v63  }
0x4d3: {  	s9 =	simm.s32 $0xB400  }
0x4d4: {  	[tilespmem:s9], [sflag:$0x2] =	stream.indirect_vreg.gather [hbm4b:s5+s3], $0x80, v3, vm0, $0xb8;
	[tilespmem:$0x1E400] =	vst v63  }
0x4d5: {  	s8 =	simm.s32 $0xBC00  }
0x4d6: {  	[tilespmem:s8], [sflag:$0x2] =	stream.indirect_vreg.gather [hbm4b:s6+s3], $0x80, v3, vm0, $0xb8;
	[tilespmem:$0x1E400] =	vst v63  }
0x4d7: {  	_ =	swait.ge [sflag:s16], $0x6000  }
0x4d8: {  	[sflag:s16] =	ssyncset.done $0x0  }
0x4d9: {  	s8 =	simm.s32 $0x12400;
	s9 =	rddreg [dreg:$0x1b];
	[sflag:s16] =	ssyncadd.s32 $0xFFFFA000  }
0x4da: {  	[hbm4b:s9+s3] =	stream.linear.scatter [tilespmem:s8], [sflag:$0x9], $0x6000, $0x38;
	[tilespmem:$0x1E400] =	vst v63  }
0x4db: {  	_ =	swait.ge [sflag:s17], $0x6000  }
0x4dc: {  	[sflag:s17] =	ssyncset.done $0x0  }
0x4dd: {  	[sflag:s17] =	ssyncadd.s32 $0xFFFFA000  }
0x4de: {  	v3 =	vld [tilespmem:$0x360];
	_ =	sdelay $0x4  }
0x4df: {  	v54 =	vshrl.u32 v3, $0x3  }
0x4e0: {  	v4 =	vmul.u32 $0x30, v54  }
0x4e1: {  	v3 =	vand.u32 $0x7, v3  }
0x4e2: {  	v3 =	vor.u32 v3, v4  }
0x4e3: {  	v4 =	vperm.xlane v3, v0;
	_ =	sdelay $0x1  }
0x4e4: {  	v4 =	vadd.s32 v1, v4;
	_ =	sdelay $0x3  }
0x4e5: {  	v3 =	vperm.xlane v3, v2  }
0x4e6: {  	[tilespmem:s0], [sflag:$0x3] =	stream.indirect_vreg.gather [hbm4b:s2+s3], $0x80, v4, vm0, $0xb8;
	[tilespmem:$0x1E400] =	vst v63  }
0x4e7: {  	s22 =	simm.s32 $0xCC00;
	v3 =	vadd.s32 v1, v3  }
0x4e8: {  	[tilespmem:s22], [sflag:$0x3] =	stream.indirect_vreg.gather [hbm4b:s5+s3], $0x80, v4, vm0, $0xb8;
	[tilespmem:$0x1E400] =	vst v63  }
0x4e9: {  	s22 =	simm.s32 $0xD400  }
0x4ea: {  	[tilespmem:s22], [sflag:$0x3] =	stream.indirect_vreg.gather [hbm4b:s6+s3], $0x80, v4, vm0, $0xb8;
	[tilespmem:$0x1E400] =	vst v63  }
0x4eb: {  	s22 =	simm.s32 $0xDC00  }
0x4ec: {  	[tilespmem:s22], [sflag:$0x3] =	stream.indirect_vreg.gather [hbm4b:s2+s3], $0x80, v3, vm0, $0xb8;
	[tilespmem:$0x1E400] =	vst v63  }
0x4ed: {  	s22 =	simm.s32 $0xE400  }
0x4ee: {  	[tilespmem:s22], [sflag:$0x3] =	stream.indirect_vreg.gather [hbm4b:s5+s3], $0x80, v3, vm0, $0xb8;
	[tilespmem:$0x1E400] =	vst v63  }
0x4ef: {  	s22 =	simm.s32 $0xEC00  }
0x4f0: {  	[tilespmem:s22], [sflag:$0x3] =	stream.indirect_vreg.gather [hbm4b:s6+s3], $0x80, v3, vm0, $0xb8;
	[tilespmem:$0x1E400] =	vst v63  }
0x4f1: {  	v3 =	vld [tilespmem:$0x370];
	_ =	sdelay $0x4  }
0x4f2: {  	v55 =	vshrl.u32 v3, $0x3  }
0x4f3: {  	v4 =	vmul.u32 $0x30, v55  }
0x4f4: {  	v3 =	vand.u32 $0x7, v3  }
0x4f5: {  	v3 =	vor.u32 v3, v4  }
0x4f6: {  	v4 =	vperm.xlane v3, v0;
	_ =	sdelay $0x1  }
0x4f7: {  	v4 =	vadd.s32 v1, v4;
	_ =	sdelay $0x3  }
0x4f8: {  	s22 =	simm.s32 $0xF400;
	v3 =	vperm.xlane v3, v2  }
0x4f9: {  	[tilespmem:s22], [sflag:$0x3] =	stream.indirect_vreg.gather [hbm4b:s2+s3], $0x80, v4, vm0, $0xb8;
	[tilespmem:$0x1E400] =	vst v63  }
0x4fa: {  	v3 =	vadd.s32 v1, v3;
	s22 =	simm.s32 $0xFC00  }
0x4fb: {  	[tilespmem:s22], [sflag:$0x3] =	stream.indirect_vreg.gather [hbm4b:s5+s3], $0x80, v4, vm0, $0xb8;
	[tilespmem:$0x1E400] =	vst v63  }
0x4fc: {  	s22 =	simm.s32 $0x10400  }
0x4fd: {  	[tilespmem:s22], [sflag:$0x3] =	stream.indirect_vreg.gather [hbm4b:s6+s3], $0x80, v4, vm0, $0xb8;
	[tilespmem:$0x1E400] =	vst v63  }
0x4fe: {  	s22 =	simm.s32 $0x10C00  }
0x4ff: {  	[tilespmem:s22], [sflag:$0x3] =	stream.indirect_vreg.gather [hbm4b:s2+s3], $0x80, v3, vm0, $0xb8;
	[tilespmem:$0x1E400] =	vst v63  }
0x500: {  	s22 =	simm.s32 $0x11400  }
0x501: {  	[tilespmem:s22], [sflag:$0x3] =	stream.indirect_vreg.gather [hbm4b:s5+s3], $0x80, v3, vm0, $0xb8;
	[tilespmem:$0x1E400] =	vst v63  }
0x502: {  	s22 =	simm.s32 $0x11C00  }
0x503: {  	[tilespmem:s22], [sflag:$0x3] =	stream.indirect_vreg.gather [hbm4b:s6+s3], $0x80, v3, vm0, $0xb8;
	[tilespmem:$0x1E400] =	vst v63  }
0x504: {  	_ =	swait.ge [sflag:s18], $0x6000  }
0x505: {  	[sflag:s18] =	ssyncset.done $0x0  }
0x506: {  	s26 =	simm.s32 $0x18400;
	s9 =	rddreg [dreg:$0x1c];
	[sflag:s18] =	ssyncadd.s32 $0xFFFFA000  }
0x507: {  	[hbm4b:s9+s3] =	stream.linear.scatter [tilespmem:s26], [sflag:$0xA], $0x6000, $0x38;
	[tilespmem:$0x1E400] =	vst v63  }
0x508: {  	_ =	swait.ge [sflag:s19], $0x6000  }
0x509: {  	[sflag:s19] =	ssyncset.done $0x0  }
0x50a: {  	[sflag:s19] =	ssyncadd.s32 $0xFFFFA000  }
0x50b: {  	v3 =	vld [tilespmem:$0x380];
	_ =	sdelay $0x4  }
0x50c: {  	v56 =	vshrl.u32 v3, $0x3  }
0x50d: {  	v4 =	vmul.u32 $0x30, v56  }
0x50e: {  	v3 =	vand.u32 $0x7, v3  }
0x50f: {  	v3 =	vor.u32 v3, v4  }
0x510: {  	v4 =	vperm.xlane v3, v0;
	_ =	sdelay $0x1  }
0x511: {  	v4 =	vadd.s32 v1, v4;
	_ =	sdelay $0x3  }
0x512: {  	v3 =	vperm.xlane v3, v2  }
0x513: {  	[tilespmem:s8], [sflag:$0x4] =	stream.indirect_vreg.gather [hbm4b:s2+s3], $0x80, v4, vm0, $0xb8;
	[tilespmem:$0x1E400] =	vst v63  }
0x514: {  	s22 =	simm.s32 $0x12C00;
	v3 =	vadd.s32 v1, v3  }
0x515: {  	[tilespmem:s22], [sflag:$0x4] =	stream.indirect_vreg.gather [hbm4b:s5+s3], $0x80, v4, vm0, $0xb8;
	[tilespmem:$0x1E400] =	vst v63  }
0x516: {  	s28 =	simm.s32 $0x13400  }
0x517: {  	[tilespmem:s28], [sflag:$0x4] =	stream.indirect_vreg.gather [hbm4b:s6+s3], $0x80, v4, vm0, $0xb8;
	[tilespmem:$0x1E400] =	vst v63  }
0x518: {  	s22 =	simm.s32 $0x13C00  }
0x519: {  	[tilespmem:s22], [sflag:$0x4] =	stream.indirect_vreg.gather [hbm4b:s2+s3], $0x80, v3, vm0, $0xb8;
	[tilespmem:$0x1E400] =	vst v63  }
0x51a: {  	s28 =	simm.s32 $0x14400  }
0x51b: {  	[tilespmem:s28], [sflag:$0x4] =	stream.indirect_vreg.gather [hbm4b:s5+s3], $0x80, v3, vm0, $0xb8;
	[tilespmem:$0x1E400] =	vst v63  }
0x51c: {  	s22 =	simm.s32 $0x14C00  }
0x51d: {  	[tilespmem:s22], [sflag:$0x4] =	stream.indirect_vreg.gather [hbm4b:s6+s3], $0x80, v3, vm0, $0xb8;
	[tilespmem:$0x1E400] =	vst v63  }
0x51e: {  	v3 =	vld [tilespmem:$0x390];
	_ =	sdelay $0x4  }
0x51f: {  	v57 =	vshrl.u32 v3, $0x3  }
0x520: {  	v4 =	vmul.u32 $0x30, v57  }
0x521: {  	v3 =	vand.u32 $0x7, v3  }
0x522: {  	v3 =	vor.u32 v3, v4  }
0x523: {  	v4 =	vperm.xlane v3, v0;
	_ =	sdelay $0x1  }
0x524: {  	v4 =	vadd.s32 v1, v4;
	_ =	sdelay $0x3  }
0x525: {  	s28 =	simm.s32 $0x15400;
	v3 =	vperm.xlane v3, v2  }
0x526: {  	[tilespmem:s28], [sflag:$0x4] =	stream.indirect_vreg.gather [hbm4b:s2+s3], $0x80, v4, vm0, $0xb8;
	[tilespmem:$0x1E400] =	vst v63  }
0x527: {  	s22 =	simm.s32 $0x15C00;
	v3 =	vadd.s32 v1, v3  }
0x528: {  	[tilespmem:s22], [sflag:$0x4] =	stream.indirect_vreg.gather [hbm4b:s5+s3], $0x80, v4, vm0, $0xb8;
	[tilespmem:$0x1E400] =	vst v63  }
0x529: {  	s28 =	simm.s32 $0x16400  }
0x52a: {  	[tilespmem:s28], [sflag:$0x4] =	stream.indirect_vreg.gather [hbm4b:s6+s3], $0x80, v4, vm0, $0xb8;
	[tilespmem:$0x1E400] =	vst v63  }
0x52b: {  	s22 =	simm.s32 $0x16C00  }
0x52c: {  	[tilespmem:s22], [sflag:$0x4] =	stream.indirect_vreg.gather [hbm4b:s2+s3], $0x80, v3, vm0, $0xb8;
	[tilespmem:$0x1E400] =	vst v63  }
0x52d: {  	s28 =	simm.s32 $0x17400  }
0x52e: {  	[tilespmem:s28], [sflag:$0x4] =	stream.indirect_vreg.gather [hbm4b:s5+s3], $0x80, v3, vm0, $0xb8;
	[tilespmem:$0x1E400] =	vst v63  }
0x52f: {  	s22 =	simm.s32 $0x17C00  }
0x530: {  	[tilespmem:s22], [sflag:$0x4] =	stream.indirect_vreg.gather [hbm4b:s6+s3], $0x80, v3, vm0, $0xb8;
	[tilespmem:$0x1E400] =	vst v63  }
0x531: {  	_ =	swait.ge [sflag:s10], $0x6000  }
0x532: {  	[sflag:s10] =	ssyncset.done $0x0  }
0x533: {  	s9 =	simm.s32 $0x400;
	s28 =	rddreg [dreg:$0x1d];
	[sflag:s10] =	ssyncadd.s32 $0xFFFFA000  }
0x534: {  	[hbm4b:s28+s3] =	stream.linear.scatter [tilespmem:s9], [sflag:$0x6], $0x6000, $0x38;
	[tilespmem:$0x1E400] =	vst v63  }
0x535: {  	_ =	swait.ge [sflag:s20], $0x6000  }
0x536: {  	[sflag:s20] =	ssyncset.done $0x0  }
0x537: {  	[sflag:s20] =	ssyncadd.s32 $0xFFFFA000  }
0x538: {  	v3 =	vld [tilespmem:$0x3A0];
	_ =	sdelay $0x4  }
0x539: {  	v58 =	vshrl.u32 v3, $0x3  }
0x53a: {  	v4 =	vmul.u32 $0x30, v58  }
0x53b: {  	v3 =	vand.u32 $0x7, v3  }
0x53c: {  	v3 =	vor.u32 v3, v4  }
0x53d: {  	v4 =	vperm.xlane v3, v0;
	_ =	sdelay $0x1  }
0x53e: {  	v4 =	vadd.s32 v1, v4;
	_ =	sdelay $0x3  }
0x53f: {  	v3 =	vperm.xlane v3, v2  }
0x540: {  	[tilespmem:s26], [sflag:$0x5] =	stream.indirect_vreg.gather [hbm4b:s2+s3], $0x80, v4, vm0, $0xb8;
	[tilespmem:$0x1E400] =	vst v63  }
0x541: {  	s30 =	simm.s32 $0x18C00;
	v3 =	vadd.s32 v1, v3  }
0x542: {  	[tilespmem:s30], [sflag:$0x5] =	stream.indirect_vreg.gather [hbm4b:s5+s3], $0x80, v4, vm0, $0xb8;
	[tilespmem:$0x1E400] =	vst v63  }
0x543: {  	s31 =	simm.s32 $0x19400  }
0x544: {  	[tilespmem:s31], [sflag:$0x5] =	stream.indirect_vreg.gather [hbm4b:s6+s3], $0x80, v4, vm0, $0xb8;
	[tilespmem:$0x1E400] =	vst v63  }
0x545: {  	s30 =	simm.s32 $0x19C00  }
0x546: {  	[tilespmem:s30], [sflag:$0x5] =	stream.indirect_vreg.gather [hbm4b:s2+s3], $0x80, v3, vm0, $0xb8;
	[tilespmem:$0x1E400] =	vst v63  }
0x547: {  	s31 =	simm.s32 $0x1A400  }
0x548: {  	[tilespmem:s31], [sflag:$0x5] =	stream.indirect_vreg.gather [hbm4b:s5+s3], $0x80, v3, vm0, $0xb8;
	[tilespmem:$0x1E400] =	vst v63  }
0x549: {  	s25 =	simm.s32 $0x1AC00  }
0x54a: {  	[tilespmem:s25], [sflag:$0x5] =	stream.indirect_vreg.gather [hbm4b:s6+s3], $0x80, v3, vm0, $0xb8;
	[tilespmem:$0x1E400] =	vst v63  }
0x54b: {  	v3 =	vld [tilespmem:$0x3B0];
	_ =	sdelay $0x4  }
0x54c: {  	v59 =	vshrl.u32 v3, $0x3  }
0x54d: {  	v4 =	vmul.u32 $0x30, v59  }
0x54e: {  	v3 =	vand.u32 $0x7, v3  }
0x54f: {  	v3 =	vor.u32 v3, v4  }
0x550: {  	v4 =	vperm.xlane v3, v0;
	_ =	sdelay $0x1  }
0x551: {  	v4 =	vadd.s32 v1, v4;
	_ =	sdelay $0x3  }
0x552: {  	s25 =	simm.s32 $0x1B400;
	v3 =	vperm.xlane v3, v2  }
0x553: {  	[tilespmem:s25], [sflag:$0x5] =	stream.indirect_vreg.gather [hbm4b:s2+s3], $0x80, v4, vm0, $0xb8;
	[tilespmem:$0x1E400] =	vst v63  }
0x554: {  	s28 =	simm.s32 $0x1BC00;
	v3 =	vadd.s32 v1, v3  }
0x555: {  	[tilespmem:s28], [sflag:$0x5] =	stream.indirect_vreg.gather [hbm4b:s5+s3], $0x80, v4, vm0, $0xb8;
	[tilespmem:$0x1E400] =	vst v63  }
0x556: {  	s30 =	simm.s32 $0x1C400  }
0x557: {  	[tilespmem:s30], [sflag:$0x5] =	stream.indirect_vreg.gather [hbm4b:s6+s3], $0x80, v4, vm0, $0xb8;
	[tilespmem:$0x1E400] =	vst v63  }
0x558: {  	s31 =	simm.s32 $0x1CC00  }
0x559: {  	[tilespmem:s31], [sflag:$0x5] =	stream.indirect_vreg.gather [hbm4b:s2+s3], $0x80, v3, vm0, $0xb8;
	[tilespmem:$0x1E400] =	vst v63  }
0x55a: {  	s25 =	simm.s32 $0x1D400  }
0x55b: {  	[tilespmem:s25], [sflag:$0x5] =	stream.indirect_vreg.gather [hbm4b:s5+s3], $0x80, v3, vm0, $0xb8;
	[tilespmem:$0x1E400] =	vst v63  }
0x55c: {  	s28 =	simm.s32 $0x1DC00  }
0x55d: {  	[tilespmem:s28], [sflag:$0x5] =	stream.indirect_vreg.gather [hbm4b:s6+s3], $0x80, v3, vm0, $0xb8;
	[tilespmem:$0x1E400] =	vst v63  }
0x55e: {  	_ =	swait.ge [sflag:s12], $0x6000  }
0x55f: {  	[sflag:s12] =	ssyncset.done $0x0  }
0x560: {  	s1 =	simm.s32 $0x6400;
	s30 =	rddreg [dreg:$0x1e];
	[sflag:s12] =	ssyncadd.s32 $0xFFFFA000  }
0x561: {  	[hbm4b:s30+s3] =	stream.linear.scatter [tilespmem:s1], [sflag:$0x7], $0x6000, $0x38;
	[tilespmem:$0x1E400] =	vst v63  }
0x562: {  	_ =	swait.ge [sflag:s13], $0x6000  }
0x563: {  	[sflag:s13] =	ssyncset.done $0x0  }
0x564: {  	[sflag:s13] =	ssyncadd.s32 $0xFFFFA000  }
0x565: {  	v3 =	vld [tilespmem:$0x3C0];
	_ =	sdelay $0x4  }
0x566: {  	v60 =	vshrl.u32 v3, $0x3  }
0x567: {  	v4 =	vmul.u32 $0x30, v60  }
0x568: {  	v3 =	vand.u32 $0x7, v3  }
0x569: {  	v3 =	vor.u32 v3, v4  }
0x56a: {  	v4 =	vperm.xlane v3, v0;
	_ =	sdelay $0x1  }
0x56b: {  	v4 =	vadd.s32 v1, v4;
	_ =	sdelay $0x3  }
0x56c: {  	v3 =	vperm.xlane v3, v2  }
0x56d: {  	[tilespmem:s9], [sflag:$0x1] =	stream.indirect_vreg.gather [hbm4b:s2+s3], $0x80, v4, vm0, $0xb8;
	[tilespmem:$0x1E400] =	vst v63  }
0x56e: {  	s31 =	simm.s32 $0xC00;
	v3 =	vadd.s32 v1, v3  }
0x56f: {  	[tilespmem:s31], [sflag:$0x1] =	stream.indirect_vreg.gather [hbm4b:s5+s3], $0x80, v4, vm0, $0xb8;
	[tilespmem:$0x1E400] =	vst v63  }
0x570: {  	s25 =	simm.s32 $0x1400  }
0x571: {  	[tilespmem:s25], [sflag:$0x1] =	stream.indirect_vreg.gather [hbm4b:s6+s3], $0x80, v4, vm0, $0xb8;
	[tilespmem:$0x1E400] =	vst v63  }
0x572: {  	s28 =	simm.s32 $0x1C00  }
0x573: {  	[tilespmem:s28], [sflag:$0x1] =	stream.indirect_vreg.gather [hbm4b:s2+s3], $0x80, v3, vm0, $0xb8;
	[tilespmem:$0x1E400] =	vst v63  }
0x574: {  	s30 =	simm.s32 $0x2400  }
0x575: {  	[tilespmem:s30], [sflag:$0x1] =	stream.indirect_vreg.gather [hbm4b:s5+s3], $0x80, v3, vm0, $0xb8;
	[tilespmem:$0x1E400] =	vst v63  }
0x576: {  	s31 =	simm.s32 $0x2C00  }
0x577: {  	[tilespmem:s31], [sflag:$0x1] =	stream.indirect_vreg.gather [hbm4b:s6+s3], $0x80, v3, vm0, $0xb8;
	[tilespmem:$0x1E400] =	vst v63  }
0x578: {  	v3 =	vld [tilespmem:$0x3D0];
	_ =	sdelay $0x4  }
0x579: {  	v61 =	vshrl.u32 v3, $0x3  }
0x57a: {  	v4 =	vmul.u32 $0x30, v61  }
0x57b: {  	v3 =	vand.u32 $0x7, v3  }
0x57c: {  	v3 =	vor.u32 v3, v4  }
0x57d: {  	v4 =	vperm.xlane v3, v0;
	_ =	sdelay $0x1  }
0x57e: {  	v4 =	vadd.s32 v1, v4;
	_ =	sdelay $0x3  }
0x57f: {  	s25 =	simm.s32 $0x3400;
	v3 =	vperm.xlane v3, v2  }
0x580: {  	[tilespmem:s25], [sflag:$0x1] =	stream.indirect_vreg.gather [hbm4b:s2+s3], $0x80, v4, vm0, $0xb8;
	[tilespmem:$0x1E400] =	vst v63  }
0x581: {  	s28 =	simm.s32 $0x3C00;
	v3 =	vadd.s32 v1, v3  }
0x582: {  	[tilespmem:s28], [sflag:$0x1] =	stream.indirect_vreg.gather [hbm4b:s5+s3], $0x80, v4, vm0, $0xb8;
	[tilespmem:$0x1E400] =	vst v63  }
0x583: {  	s4 =	simm.s32 $0x4400  }
0x584: {  	[tilespmem:s4], [sflag:$0x1] =	stream.indirect_vreg.gather [hbm4b:s6+s3], $0x80, v4, vm0, $0xb8;
	[tilespmem:$0x1E400] =	vst v63  }
0x585: {  	s11 =	simm.s32 $0x4C00  }
0x586: {  	[tilespmem:s11], [sflag:$0x1] =	stream.indirect_vreg.gather [hbm4b:s2+s3], $0x80, v3, vm0, $0xb8;
	[tilespmem:$0x1E400] =	vst v63  }
0x587: {  	s21 =	simm.s32 $0x5400  }
0x588: {  	[tilespmem:s21], [sflag:$0x1] =	stream.indirect_vreg.gather [hbm4b:s5+s3], $0x80, v3, vm0, $0xb8;
	[tilespmem:$0x1E400] =	vst v63  }
0x589: {  	s23 =	simm.s32 $0x5C00  }
0x58a: {  	[tilespmem:s23], [sflag:$0x1] =	stream.indirect_vreg.gather [hbm4b:s6+s3], $0x80, v3, vm0, $0xb8;
	[tilespmem:$0x1E400] =	vst v63  }
0x58b: {  	s4 =	sld [smem:$0x7F6];
	_ =	swait.ge [sflag:s14], $0x6000  }
0x58c: {  	[sflag:s14] =	ssyncset.done $0x0  }
0x58d: {  	s0 =	simm.s32 $0xC400;
	s30 =	rddreg [dreg:$0x1f];
	[sflag:s14] =	ssyncadd.s32 $0xFFFFA000  }
0x58e: {  	[hbm4b:s30+s3] =	stream.linear.scatter [tilespmem:s0], [sflag:$0x8], $0x6000, $0x38;
	[tilespmem:$0x1E400] =	vst v63  }
0x58f: {  	_ =	swait.ge [sflag:s15], $0x6000  }
0x590: {  	[sflag:s15] =	ssyncset.done $0x0  }
0x591: {  	[sflag:s15] =	ssyncadd.s32 $0xFFFFA000  }
0x592: {  	v3 =	vld [tilespmem:$0x3E0];
	_ =	sdelay $0x4  }
0x593: {  	v62 =	vshrl.u32 v3, $0x3  }
0x594: {  	v4 =	vmul.u32 $0x30, v62  }
0x595: {  	v3 =	vand.u32 $0x7, v3  }
0x596: {  	v3 =	vor.u32 v3, v4  }
0x597: {  	v4 =	vperm.xlane v3, v0;
	_ =	sdelay $0x1  }
0x598: {  	v4 =	vadd.s32 v1, v4;
	_ =	sdelay $0x3  }
0x599: {  	v3 =	vperm.xlane v3, v2  }
0x59a: {  	[tilespmem:s1], [sflag:$0x2] =	stream.indirect_vreg.gather [hbm4b:s2+s3], $0x80, v4, vm0, $0xb8;
	[tilespmem:$0x1E400] =	vst v63  }
0x59b: {  	v3 =	vadd.s32 v1, v3  }
0x59c: {  	[tilespmem:s7], [sflag:$0x2] =	stream.indirect_vreg.gather [hbm4b:s5+s3], $0x80, v4, vm0, $0xb8;
	[tilespmem:$0x1E400] =	vst v63  }
0x59d: {  	s31 =	simm.s32 $0x7400  }
0x59e: {  	[tilespmem:s31], [sflag:$0x2] =	stream.indirect_vreg.gather [hbm4b:s6+s3], $0x80, v4, vm0, $0xb8;
	[tilespmem:$0x1E400] =	vst v63  }
0x59f: {  	s24 =	simm.s32 $0x7C00  }
0x5a0: {  	[tilespmem:s24], [sflag:$0x2] =	stream.indirect_vreg.gather [hbm4b:s2+s3], $0x80, v3, vm0, $0xb8;
	[tilespmem:$0x1E400] =	vst v63  }
0x5a1: {  	s29 =	simm.s32 $0x8400  }
0x5a2: {  	[tilespmem:s29], [sflag:$0x2] =	stream.indirect_vreg.gather [hbm4b:s5+s3], $0x80, v3, vm0, $0xb8;
	[tilespmem:$0x1E400] =	vst v63  }
0x5a3: {  	s7 =	simm.s32 $0x8C00  }
0x5a4: {  	[tilespmem:s7], [sflag:$0x2] =	stream.indirect_vreg.gather [hbm4b:s6+s3], $0x80, v3, vm0, $0xb8;
	[tilespmem:$0x1E400] =	vst v63  }
0x5a5: {  	v3 =	vld [tilespmem:$0x3F0];
	_ =	sdelay $0x4  }
0x5a6: {  	v63 =	vshrl.u32 v3, $0x3  }
0x5a7: {  	v4 =	vmul.u32 $0x30, v63  }
0x5a8: {  	v3 =	vand.u32 $0x7, v3  }
0x5a9: {  	v3 =	vor.u32 v3, v4  }
0x5aa: {  	v4 =	vperm.xlane v3, v0;
	_ =	sdelay $0x1  }
0x5ab: {  	v4 =	vadd.s32 v1, v4;
	_ =	sdelay $0x3  }
0x5ac: {  	s11 =	simm.s32 $0x9400;
	v3 =	vperm.xlane v3, v2  }
0x5ad: {  	[tilespmem:s11], [sflag:$0x2] =	stream.indirect_vreg.gather [hbm4b:s2+s3], $0x80, v4, vm0, $0xb8;
	[tilespmem:$0x1E400] =	vst v63  }
0x5ae: {  	s21 =	simm.s32 $0x9C00;
	v3 =	vadd.s32 v1, v3  }
0x5af: {  	[tilespmem:s21], [sflag:$0x2] =	stream.indirect_vreg.gather [hbm4b:s5+s3], $0x80, v4, vm0, $0xb8;
	[tilespmem:$0x1E400] =	vst v63  }
0x5b0: {  	s22 =	simm.s32 $0xA400  }
0x5b1: {  	[tilespmem:s22], [sflag:$0x2] =	stream.indirect_vreg.gather [hbm4b:s6+s3], $0x80, v4, vm0, $0xb8;
	[tilespmem:$0x1E400] =	vst v63  }
0x5b2: {  	s23 =	simm.s32 $0xAC00  }
0x5b3: {  	[tilespmem:s23], [sflag:$0x2] =	stream.indirect_vreg.gather [hbm4b:s2+s3], $0x80, v3, vm0, $0xb8;
	[tilespmem:$0x1E400] =	vst v63  }
0x5b4: {  	s24 =	simm.s32 $0xB400  }
0x5b5: {  	[tilespmem:s24], [sflag:$0x2] =	stream.indirect_vreg.gather [hbm4b:s5+s3], $0x80, v3, vm0, $0xb8;
	[tilespmem:$0x1E400] =	vst v63  }
0x5b6: {  	s25 =	simm.s32 $0xBC00  }
0x5b7: {  	[tilespmem:s25], [sflag:$0x2] =	stream.indirect_vreg.gather [hbm4b:s6+s3], $0x80, v3, vm0, $0xb8;
	[tilespmem:$0x1E400] =	vst v63  }
0x5b8: {  	_ =	swait.ge [sflag:s16], $0x6000  }
0x5b9: {  	s28 =	sld [smem:$0x7F8]  }
0x5ba: {  	[sflag:s16] =	ssyncset.done $0x0  }
0x5bb: {  	s8 =	simm.s32 $0x12400;
	[sflag:s16] =	ssyncadd.s32 $0xFFFFA000  }
0x5bc: {  	[hbm4b:s28+s3] =	stream.linear.scatter [tilespmem:s8], [sflag:$0x9], $0x6000, $0x38;
	[tilespmem:$0x1E400] =	vst v63  }
0x5bd: {  	_ =	swait.ge [sflag:s18], $0x6000  }
0x5be: {  	s29 =	sld [smem:$0x7F9]  }
0x5bf: {  	[sflag:s18] =	ssyncset.done $0x0  }
0x5c0: {  	[sflag:s18] =	ssyncadd.s32 $0xFFFFA000  }
0x5c1: {  	[hbm4b:s29+s3] =	stream.linear.scatter [tilespmem:s26], [sflag:$0xA], $0x6000, $0x38;
	[tilespmem:$0x1E400] =	vst v63  }
0x5c2: {  	_ =	swait.ge [sflag:s10], $0x6000  }
0x5c3: {  	s30 =	sld [smem:$0x7FA]  }
0x5c4: {  	[sflag:s10] =	ssyncset.done $0x0  }
0x5c5: {  	s9 =	simm.s32 $0x400;
	[sflag:s10] =	ssyncadd.s32 $0xFFFFA000  }
0x5c6: {  	[hbm4b:s30+s3] =	stream.linear.scatter [tilespmem:s9], [sflag:$0x6], $0x6000, $0x38;
	[tilespmem:$0x1E400] =	vst v63  }
0x5c7: {  	_ =	swait.ge [sflag:s12], $0x6000  }
0x5c8: {  	s31 =	sld [smem:$0x7FB]  }
0x5c9: {  	[sflag:s12] =	ssyncset.done $0x0  }
0x5ca: {  	[sflag:s12] =	ssyncadd.s32 $0xFFFFA000  }
0x5cb: {  	[hbm4b:s31+s3] =	stream.linear.scatter [tilespmem:s1], [sflag:$0x7], $0x6000, $0x38;
	[tilespmem:$0x1E400] =	vst v63  }
0x5cc: {  	_ =	swait.ge [sflag:s17], $0x6000  }
0x5cd: {  	[sflag:s17] =	ssyncset.done $0x0  }
0x5ce: {  	[sflag:s17] =	ssyncadd.s32 $0xFFFFA000  }
0x5cf: {  	_ =	swait.ge [sflag:s19], $0x6000  }
0x5d0: {  	[sflag:s19] =	ssyncset.done $0x0  }
0x5d1: {  	[sflag:s19] =	ssyncadd.s32 $0xFFFFA000  }
0x5d2: {  	_ =	swait.ge [sflag:s20], $0x6000  }
0x5d3: {  	[sflag:s20] =	ssyncset.done $0x0  }
0x5d4: {  	[sflag:s20] =	ssyncadd.s32 $0xFFFFA000  }
0x5d5: {  	p0 =	sne.s32 s4, $0x1;
	_ =	swait.ge [sflag:s13], $0x6000  }
.Ltmp0:
0x5d6: {  	[sflag:s13] =	ssyncset.done $0x0;
	(pc) =	sbr.rel @p0 .LBB2_1-.Ltmp0, $4  }
0x5d7: {  	[sflag:s13] =	ssyncadd.s32 $0xFFFFA000  }
0x5d8: {  	_ =	swait.ge [sflag:s15], $0x6000  }
0x5d9: {  	[sflag:s15] =	ssyncset.done $0x0  }
0x5da: {  	s4 =	sadd.s32 $0xFFFFFFFF, s4;
	[sflag:s15] =	ssyncadd.s32 $0xFFFFA000  }
0x5db: {  	_ =	sfence.sel $0x180000  }
0x5dc: {  	[bflag:$0x0] =	sbarrier.arrive $0xFFFF  }
0x5dd: {  	_ =	strace $0x90000047  }
0x5de: {  	s0 =	stileid.u32;
	[bflag:$0x2] =	sbarrier.arrive $0xFFFF  }
0x5df: {  	p0 =	sne.s32 s0, $0x0;
	s0 =	rddreg [dreg:$0x3]  }
0x5e0: {  	s0 =	sadd.s32 @!p0 $0x100000, s0  }
0x5e1: {  	[sflag:s0] =	ssyncadd.tile.s32 @!p0 $0x1;
	_ =	shalt  }
.Lfunc_end2:
_tile_overlayer_lowered:
.L_overlay_start_2:
0x5e2: {  	(tag) =	ssettag $0x2  }
0x5e3: {  	s0 =	rddreg [dreg:$0x0];
	s2 =	stileid.u32  }
0x5e4: {  	s1 =	rddreg [dreg:$0x1];
	p0 =	sne.s32 s2, $0x0  }
0x5e5: {  	s3 =	rddreg [dreg:$0x2];
	[bflag:$0x3] =	sbarrier.arrive $0xFFFF;
	s2 =	simm.s32 @!p0 $0x1C0B  }
0x5e6: {  	[timem:s3], [sflag:s2] =	dma.local @!p0 [hbm:s0], s1  }
0x5e7: {  	s0 =	simm.s32 @!p0 $0xB  }
0x5e8: {  	_ =	swait.ge @!p0 [sflag:s0], s1  }
0x5e9: {  	s1 =	ssub.s32 @!p0 $0x0, s1;
	[sflag:s0] =	ssyncset.done @!p0 $0x0  }
0x5ea: {  	[sflag:s0] =	ssyncadd.s32 @!p0 s1  }
0x5eb: {  	[bflag:$0x3] =	sbarrier.arrive $0xFFFF  }
0x5ec: {  	_ =	shalt  }

</sc_bundles>
